<compile_context>
chip_gen: v7x
topology: tpu7x:2x2x1
jax: 0.10.2.dev20260603
libtpu: 0.0.44.dev20260713+nightly
codegen_flags: <defaults>
</compile_context>

<pallas_src>
import functools

import jax
import jax.numpy as jnp
from jax import lax
from jax.experimental import pallas as pl
from jax.experimental.pallas import tpu as pltpu
from jax.experimental.pallas import tpu_sc as plsc

N = 10000
D = 128
NBINS = 10240
NB2 = 10112
NCORES = 2
NSUB = 16
RPT2 = NB2 // NSUB
NW = NCORES * NSUB
CHUNK = 128
CPW = 80
EPW = CHUNK * CPW
E_PAD = EPW * NW
RPT = NBINS // NSUB

_sc_mesh = plsc.VectorSubcoreMesh(core_axis_name="c", subcore_axis_name="s")


@functools.partial(
    pl.kernel,
    out_type=(
        jax.ShapeDtypeStruct((NCORES, NBINS), jnp.float32),
        jax.ShapeDtypeStruct((NCORES, NBINS), jnp.float32),
    ),
    mesh=_sc_mesh,
    scratch_types=[
        pltpu.VMEM((CPW, CHUNK), jnp.int32),
        pltpu.VMEM((CPW, CHUNK), jnp.float32),
        pltpu.VMEM((CHUNK,), jnp.float32),
        pltpu.VMEM_SHARED((NBINS,), jnp.float32),
        pltpu.VMEM_SHARED((NBINS,), jnp.float32),
    ],
)
def _hist_kernel(row_hbm, lval_hbm, ones_hbm, zeros1_hbm, deg_out, loop_out,
                 ridx_v, lval_v, ones_v, deg_acc, loop_acc):
    cid = lax.axis_index("c")
    sid = lax.axis_index("s")
    wid = sid * NCORES + cid
    pltpu.sync_copy(row_hbm.at[wid], ridx_v)
    pltpu.sync_copy(lval_hbm.at[wid], lval_v)
    pltpu.sync_copy(ones_hbm, ones_v)
    sl = pl.ds(sid * RPT, RPT)
    pltpu.sync_copy(zeros1_hbm, deg_acc.at[sl])
    pltpu.sync_copy(zeros1_hbm, loop_acc.at[sl])
    plsc.subcore_barrier()

    def body(j, carry):
        pltpu.sync_copy(ones_v, deg_acc.at[ridx_v.at[j]], add=True)
        pltpu.sync_copy(lval_v.at[j], loop_acc.at[ridx_v.at[j]], add=True)
        return carry

    lax.fori_loop(0, CPW, body, 0)
    plsc.subcore_barrier()
    pltpu.sync_copy(deg_acc.at[sl], deg_out.at[cid, sl])
    pltpu.sync_copy(loop_acc.at[sl], loop_out.at[cid, sl])


CPW_A = 128
CPW_B = 32
CPW_MAX = 128
TOTC = NSUB * (CPW_A + CPW_B)
TOTC_PAD = TOTC + CPW_MAX - CPW_B


K_G = 2
L_I = 4


@functools.partial(
    pl.kernel,
    out_type=jax.ShapeDtypeStruct((NCORES, NB2, D), jnp.float32),
    mesh=_sc_mesh,
    scratch_types=[
        pltpu.VMEM((L_I, CHUNK), jnp.int32),
        pltpu.VMEM((L_I, CHUNK), jnp.int32),
        pltpu.VMEM((K_G, CHUNK, D), jnp.float32),
        [pltpu.SemaphoreType.DMA] * K_G,
        [pltpu.SemaphoreType.DMA] * L_I,
        [pltpu.SemaphoreType.DMA] * L_I,
        pltpu.VMEM_SHARED((NB2, D), jnp.float32),
    ],
)
def _agg_kernel(xs_hbm, row_hbm, col_hbm, zeros2_hbm, agg_out,
                ridx_v, cidx_v, bufs, gsems, risems, cisems, acc):
    cid = lax.axis_index("c")
    sid = lax.axis_index("s")
    base = jnp.where(cid == 0, sid * CPW_A, NSUB * CPW_A + sid * CPW_B)
    my_cpw = jnp.where(cid == 0, CPW_A, CPW_B)
    sl = pl.ds(sid * RPT2, RPT2)
    pltpu.sync_copy(zeros2_hbm, acc.at[sl])
    plsc.subcore_barrier()

    def fetch_idx(j, t):
        pltpu.async_copy(row_hbm.at[base + j], ridx_v.at[t], risems[t])
        pltpu.async_copy(col_hbm.at[base + j], cidx_v.at[t], cisems[t])

    def wait_ridx(t):
        pltpu.make_async_copy(row_hbm.at[0], ridx_v.at[t], risems[t]).wait()

    def wait_cidx(t):
        pltpu.make_async_copy(col_hbm.at[0], cidx_v.at[t], cisems[t]).wait()

    def start_gather(t, b):
        pltpu.async_copy(xs_hbm.at[ridx_v.at[t]], bufs.at[b], gsems[b])

    for t in range(L_I):
        fetch_idx(t, t)
    for b in range(K_G):
        wait_ridx(b)
        start_gather(b, b)

    def body(g, carry):
        j0 = g * L_I
        for u in range(L_I):
            j = j0 + u
            b = u % K_G
            pltpu.make_async_copy(
                xs_hbm.at[ridx_v.at[u]], bufs.at[b], gsems[b]).wait()
            wait_cidx(u)
            pltpu.sync_copy(bufs.at[b], acc.at[cidx_v.at[u]], add=True)

            @pl.when(j + L_I < my_cpw)
            def _():
                fetch_idx(j + L_I, u)

            @pl.when(j + K_G < my_cpw)
            def _():
                t2 = (u + K_G) % L_I
                wait_ridx(t2)
                start_gather(t2, b)
        return carry

    lax.fori_loop(0, my_cpw // L_I, body, 0)
    plsc.subcore_barrier()
    pltpu.sync_copy(acc.at[sl], agg_out.at[cid, sl])


_PBLK = 1280


def _prep_body(x_ref, deg_ref, loop_ref, xs_ref, sx_ref):
    outdeg = deg_ref[:, 0:1] + deg_ref[:, 1:2]
    loopsum = loop_ref[:, 0:1] + loop_ref[:, 1:2]
    degsum = outdeg + jnp.where(loopsum > 0.0, 0.0, 1.0)
    dinv = jnp.where(degsum > 0.0, 1.0 / degsum, 0.0)
    xs = x_ref[...] * dinv
    xs_ref[...] = xs
    sx_ref[...] = jnp.where(loopsum > 0.0, 0.0, xs)


_prep_call = pl.pallas_call(
    _prep_body,
    grid=(NBINS // _PBLK,),
    in_specs=[
        pl.BlockSpec((_PBLK, D), lambda i: (i, 0)),
        pl.BlockSpec((_PBLK, 2), lambda i: (i, 0)),
        pl.BlockSpec((_PBLK, 2), lambda i: (i, 0)),
    ],
    out_specs=[
        pl.BlockSpec((_PBLK, D), lambda i: (i, 0)),
        pl.BlockSpec((_PBLK, D), lambda i: (i, 0)),
    ],
    out_shape=[
        jax.ShapeDtypeStruct((NBINS, D), jnp.float32),
        jax.ShapeDtypeStruct((NBINS, D), jnp.float32),
    ],
)


_FBLK = 1000


def _dot_t(a, w):
    return lax.dot_general(a, w, (((1,), (1,)), ((), ())),
                           preferred_element_type=jnp.float32)


def _final_body(a0_ref, a1_ref, sx_ref, wc_ref, bc_ref, w1_ref, b1_ref,
                w2_ref, b2_ref, w3_ref, b3_ref, o_ref):
    z = a0_ref[...] + a1_ref[...] + sx_ref[...]
    z = jnp.maximum(_dot_t(z, wc_ref[...]) + bc_ref[...], 0.0)
    h1 = jnp.maximum(_dot_t(z, w1_ref[...]) + b1_ref[...], 0.0)
    h2 = jnp.maximum(_dot_t(h1, w2_ref[...]) + b2_ref[...], 0.0)
    y = jnp.sum(h2 * w3_ref[...], axis=1, keepdims=True) + b3_ref[...]
    o_ref[...] = y


def _w_spec(shape):
    return pl.BlockSpec(shape, lambda i: (0, 0))


_final_call = pl.pallas_call(
    _final_body,
    grid=(N // _FBLK,),
    in_specs=[
        pl.BlockSpec((_FBLK, D), lambda i: (i, 0)),
        pl.BlockSpec((_FBLK, D), lambda i: (i, 0)),
        pl.BlockSpec((_FBLK, D), lambda i: (i, 0)),
        _w_spec((128, 128)),
        _w_spec((1, 128)),
        _w_spec((64, 128)),
        _w_spec((1, 64)),
        _w_spec((32, 64)),
        _w_spec((1, 32)),
        _w_spec((1, 32)),
        _w_spec((1, 1)),
    ],
    out_specs=pl.BlockSpec((_FBLK, 1), lambda i: (i, 0)),
    out_shape=jax.ShapeDtypeStruct((N, 1), jnp.float32),
)


def kernel(x, edge_index, W_conv, b_conv, W1, b1, W2, b2, W3, b3):
    row = edge_index[0]
    col = edge_index[1]
    e = row.shape[0]
    padv = jnp.full((E_PAD - e,), N, dtype=jnp.int32)
    row_p = jnp.concatenate([row, padv]).reshape(NW, CPW, CHUNK)
    col_p = jnp.concatenate([col, padv]).reshape(NW, CPW, CHUNK)
    lvals = (row_p == col_p).astype(jnp.float32)
    ones = jnp.ones((CHUNK,), jnp.float32)
    zeros1 = jnp.zeros((RPT,), jnp.float32)
    zeros2 = jnp.zeros((RPT2, D), jnp.float32)

    deg_out, loop_out = _hist_kernel(row_p, lvals, ones, zeros1)

    x_pad = jnp.concatenate([x, jnp.zeros((NBINS - N, D), x.dtype)])
    xs, selfx = _prep_call(x_pad, deg_out.T, loop_out.T)

    padc = jnp.full((TOTC_PAD - TOTC, CHUNK), N, dtype=jnp.int32)
    row_flat = jnp.concatenate([row_p.reshape(TOTC, CHUNK), padc])
    col_flat = jnp.concatenate([col_p.reshape(TOTC, CHUNK), padc])
    agg = _agg_kernel(xs, row_flat, col_flat, zeros2)

    out = _final_call(
        agg[0, :N], agg[1, :N], selfx[:N],
        W_conv, b_conv.reshape(1, D),
        W1, b1.reshape(1, 64),
        W2, b2.reshape(1, 32),
        W3, b3.reshape(1, 1),
    )
    return out

# --- scband reference (transcript-rebuilt; emitter-appended) ---
"""Pipeline reference for scband-gcn-18236431138831 (READ-ONLY COPY).

The authoritative reference and input builder live on the scoring server;
editing this copy changes nothing except your own understanding.
"""

import jax, jax.numpy as jnp
import numpy as np

N = 10000
E = 320000
D_IN = 128
H1 = 128
H2 = 64
H3 = 32


def setup_inputs(seed: int = 0) -> dict:
    key = jax.random.key(seed)
    ks = jax.random.split(key, 12)
    x = jax.random.normal(ks[0], (N, D_IN), dtype=jnp.float32)
    edge_index = jax.random.randint(ks[1], (2, E), 0, N, dtype=jnp.int32)
    # TranscriptConv params: lin (no bias in Linear) + explicit bias parameter
    W_conv = jax.random.normal(ks[2], (H1, D_IN), dtype=jnp.float32) / np.sqrt(D_IN)
    b_conv = jnp.zeros((H1,), dtype=jnp.float32)
    # fc layers (with bias)
    W1 = jax.random.normal(ks[3], (H2, H1), dtype=jnp.float32) / np.sqrt(H1)
    b1 = jax.random.normal(ks[4], (H2,), dtype=jnp.float32) * 0.01
    W2 = jax.random.normal(ks[5], (H3, H2), dtype=jnp.float32) / np.sqrt(H2)
    b2 = jax.random.normal(ks[6], (H3,), dtype=jnp.float32) * 0.01
    W3 = jax.random.normal(ks[7], (1, H3), dtype=jnp.float32) / np.sqrt(H3)
    b3 = jax.random.normal(ks[8], (1,), dtype=jnp.float32) * 0.01
    return {"x": x, "edge_index": edge_index, "W_conv": W_conv, "b_conv": b_conv,
            "W1": W1, "b1": b1, "W2": W2, "b2": b2, "W3": W3, "b3": b3}


def _add_remaining_self_loops(row, col, num_nodes):
    # keep all existing edges; add candidate self loops for all nodes with a
    # weight that is zero for nodes that already have one (fixed-shape form)
    self_mask = row == col
    loop_scatter = jnp.where(self_mask, row, num_nodes)
    has_loop = jnp.zeros((num_nodes + 1,), dtype=bool).at[loop_scatter].set(True)[:num_nodes]
    all_nodes = jnp.arange(num_nodes, dtype=row.dtype)
    row2 = jnp.concatenate([row, all_nodes])
    col2 = jnp.concatenate([col, all_nodes])
    w = jnp.concatenate([
        jnp.ones((row.shape[0],), dtype=jnp.float32),
        jnp.where(has_loop, 0.0, 1.0).astype(jnp.float32),
    ])
    return row2, col2, w


def reference(x, edge_index, W_conv, b_conv, W1, b1, W2, b2, W3, b3):
    row, col = edge_index[0], edge_index[1]
    row2, col2, w = _add_remaining_self_loops(row, col, x.shape[0])
    # TranscriptConv (args.weight_edges == False path: edge_weight=None, norm=deg_inv[row])
    h = x @ W_conv.T
    deg = jnp.zeros((x.shape[0],), dtype=x.dtype).at[row2].add(w)
    deg_inv = jnp.where(deg > 0, 1.0 / deg, 0.0)  # inf -> 0
    norm = deg_inv[row2]
    msg = (norm * w)[:, None] * h[row2]     # message: norm * x_j (x_j = source nodes)
    out = jnp.zeros_like(h).at[col2].add(msg)  # aggr='add' at target nodes
    out = out + b_conv
    # GCN MLP head
    out = jax.nn.relu(out)
    out = jax.nn.relu(out @ W1.T + b1)
    out = jax.nn.relu(out @ W2.T + b2)
    out = out @ W3.T + b3
    return out

if __name__ == "__main__":
    import jax
    _d = setup_inputs()
    print(jax.jit(kernel)(*tuple(_d.values())))

</pallas_src>

<mosaic_0001>
#map = affine_map<(d0, d1) -> (0, 0, 0)>
#map1 = affine_map<(d0, d1) -> (0)>
#map2 = affine_map<(d0, d1) -> (0, 0)>
module attributes {stable_mosaic.version = 14 : i64} {
  func.func @_hist_kernel(%arg0: i32, %arg1: i32, %arg2: memref<32x80x128xi32, #tpu.memory_space<hbm>>, %arg3: memref<32x80x128xf32, #tpu.memory_space<hbm>>, %arg4: memref<128xf32, #tpu.memory_space<hbm>>, %arg5: memref<640xf32, #tpu.memory_space<hbm>>, %arg6: memref<2x10240xf32, #tpu.memory_space<hbm>>, %arg7: memref<2x10240xf32, #tpu.memory_space<hbm>>, %arg8: memref<80x128xi32, #tpu.memory_space<vmem>>, %arg9: memref<80x128xf32, #tpu.memory_space<vmem>>, %arg10: memref<128xf32, #tpu.memory_space<vmem>>, %arg11: memref<10240xf32, #tpu.memory_space<vmem_shared>>, %arg12: memref<10240xf32, #tpu.memory_space<vmem_shared>>) attributes {dimension_semantics = [#tpu.dimension_semantics<core_parallel>, #tpu.dimension_semantics<subcore_parallel>], iteration_bounds = array<i64: 2, 16>, scalar_prefetch = 0 : i64, scratch_operands = 5 : i64, tpu.core_type = #tpu.core_type<sc_vector_subcore>, window_params = [{transform_indices = #map}, {transform_indices = #map}, {transform_indices = #map1}, {transform_indices = #map1}, {transform_indices = #map2}, {transform_indices = #map2}]} {
    %mul3A = arith.constant 2 : i32
    %mul3A_0 = arith.muli %arg1, %mul3A : i32
    %add3A = arith.addi %mul3A_0, %arg0 : i32
    "tpu.region"() ({
      %run_scoped3A = tpu.sem_alloc : memref<!tpu.dma_semaphore, #tpu.memory_space<semaphore_mem>>
      %dma_start3A = arith.constant 0 : i32
      %dma_start3A_9 = arith.constant 0 : i32
      %dma_start3A_10 = tpu.memref_slice %arg2[%add3A, %dma_start3A, %dma_start3A_9] : memref<32x80x128xi32, #tpu.memory_space<hbm>> -> memref<1x80x128xi32, #tpu.memory_space<hbm>>
      %dma_start3A_11 = tpu.memref_squeeze %dma_start3A_10 : memref<1x80x128xi32, #tpu.memory_space<hbm>> -> memref<80x128xi32, #tpu.memory_space<hbm>>
      %dma_start3A_12 = arith.constant 0 : i32
      %dma_start3A_13 = arith.constant 0 : i32
      %dma_start3A_14 = tpu.memref_slice %arg2[%add3A, %dma_start3A_12, %dma_start3A_13] : memref<32x80x128xi32, #tpu.memory_space<hbm>> -> memref<1x80x128xi32, #tpu.memory_space<hbm>>
      %dma_start3A_15 = tpu.memref_squeeze %dma_start3A_14 : memref<1x80x128xi32, #tpu.memory_space<hbm>> -> memref<80x128xi32, #tpu.memory_space<hbm>>
      tpu.enqueue_dma source(%dma_start3A_15 : memref<80x128xi32, #tpu.memory_space<hbm>>) target(%arg8 : memref<80x128xi32, #tpu.memory_space<vmem>>) target_semaphore(%run_scoped3A : memref<!tpu.dma_semaphore, #tpu.memory_space<semaphore_mem>>)
      %dma_wait3A = arith.constant 0 : i32
      %dma_wait3A_16 = arith.constant 0 : i32
      %dma_wait3A_17 = tpu.memref_slice %arg2[%add3A, %dma_wait3A, %dma_wait3A_16] : memref<32x80x128xi32, #tpu.memory_space<hbm>> -> memref<1x80x128xi32, #tpu.memory_space<hbm>>
      %dma_wait3A_18 = tpu.memref_squeeze %dma_wait3A_17 : memref<1x80x128xi32, #tpu.memory_space<hbm>> -> memref<80x128xi32, #tpu.memory_space<hbm>>
      %dma_wait3A_19 = arith.constant 0 : i32
      %dma_wait3A_20 = arith.constant 0 : i32
      %dma_wait3A_21 = tpu.memref_slice %arg2[%add3A, %dma_wait3A_19, %dma_wait3A_20] : memref<32x80x128xi32, #tpu.memory_space<hbm>> -> memref<1x80x128xi32, #tpu.memory_space<hbm>>
      %dma_wait3A_22 = tpu.memref_squeeze %dma_wait3A_21 : memref<1x80x128xi32, #tpu.memory_space<hbm>> -> memref<80x128xi32, #tpu.memory_space<hbm>>
      tpu.wait_dma2 semaphore(%run_scoped3A : memref<!tpu.dma_semaphore, #tpu.memory_space<semaphore_mem>>) src(%dma_wait3A_22 : memref<80x128xi32, #tpu.memory_space<hbm>>) dst(%arg8 : memref<80x128xi32, #tpu.memory_space<vmem>>)
      tpu.yield
    }) : () -> ()
    "tpu.region"() ({
      %run_scoped3A = tpu.sem_alloc : memref<!tpu.dma_semaphore, #tpu.memory_space<semaphore_mem>>
      %dma_start3A = arith.constant 0 : i32
      %dma_start3A_9 = arith.constant 0 : i32
      %dma_start3A_10 = tpu.memref_slice %arg3[%add3A, %dma_start3A, %dma_start3A_9] : memref<32x80x128xf32, #tpu.memory_space<hbm>> -> memref<1x80x128xf32, #tpu.memory_space<hbm>>
      %dma_start3A_11 = tpu.memref_squeeze %dma_start3A_10 : memref<1x80x128xf32, #tpu.memory_space<hbm>> -> memref<80x128xf32, #tpu.memory_space<hbm>>
      %dma_start3A_12 = arith.constant 0 : i32
      %dma_start3A_13 = arith.constant 0 : i32
      %dma_start3A_14 = tpu.memref_slice %arg3[%add3A, %dma_start3A_12, %dma_start3A_13] : memref<32x80x128xf32, #tpu.memory_space<hbm>> -> memref<1x80x128xf32, #tpu.memory_space<hbm>>
      %dma_start3A_15 = tpu.memref_squeeze %dma_start3A_14 : memref<1x80x128xf32, #tpu.memory_space<hbm>> -> memref<80x128xf32, #tpu.memory_space<hbm>>
      tpu.enqueue_dma source(%dma_start3A_15 : memref<80x128xf32, #tpu.memory_space<hbm>>) target(%arg9 : memref<80x128xf32, #tpu.memory_space<vmem>>) target_semaphore(%run_scoped3A : memref<!tpu.dma_semaphore, #tpu.memory_space<semaphore_mem>>)
      %dma_wait3A = arith.constant 0 : i32
      %dma_wait3A_16 = arith.constant 0 : i32
      %dma_wait3A_17 = tpu.memref_slice %arg3[%add3A, %dma_wait3A, %dma_wait3A_16] : memref<32x80x128xf32, #tpu.memory_space<hbm>> -> memref<1x80x128xf32, #tpu.memory_space<hbm>>
      %dma_wait3A_18 = tpu.memref_squeeze %dma_wait3A_17 : memref<1x80x128xf32, #tpu.memory_space<hbm>> -> memref<80x128xf32, #tpu.memory_space<hbm>>
      %dma_wait3A_19 = arith.constant 0 : i32
      %dma_wait3A_20 = arith.constant 0 : i32
      %dma_wait3A_21 = tpu.memref_slice %arg3[%add3A, %dma_wait3A_19, %dma_wait3A_20] : memref<32x80x128xf32, #tpu.memory_space<hbm>> -> memref<1x80x128xf32, #tpu.memory_space<hbm>>
      %dma_wait3A_22 = tpu.memref_squeeze %dma_wait3A_21 : memref<1x80x128xf32, #tpu.memory_space<hbm>> -> memref<80x128xf32, #tpu.memory_space<hbm>>
      tpu.wait_dma2 semaphore(%run_scoped3A : memref<!tpu.dma_semaphore, #tpu.memory_space<semaphore_mem>>) src(%dma_wait3A_22 : memref<80x128xf32, #tpu.memory_space<hbm>>) dst(%arg9 : memref<80x128xf32, #tpu.memory_space<vmem>>)
      tpu.yield
    }) : () -> ()
    "tpu.region"() ({
      %run_scoped3A = tpu.sem_alloc : memref<!tpu.dma_semaphore, #tpu.memory_space<semaphore_mem>>
      tpu.enqueue_dma source(%arg4 : memref<128xf32, #tpu.memory_space<hbm>>) target(%arg10 : memref<128xf32, #tpu.memory_space<vmem>>) target_semaphore(%run_scoped3A : memref<!tpu.dma_semaphore, #tpu.memory_space<semaphore_mem>>)
      tpu.wait_dma2 semaphore(%run_scoped3A : memref<!tpu.dma_semaphore, #tpu.memory_space<semaphore_mem>>) src(%arg4 : memref<128xf32, #tpu.memory_space<hbm>>) dst(%arg10 : memref<128xf32, #tpu.memory_space<vmem>>)
      tpu.yield
    }) : () -> ()
    %mul3A_1 = arith.constant 640 : i32
    %mul3A_2 = arith.muli %arg1, %mul3A_1 : i32
    "tpu.region"() ({
      %run_scoped3A = tpu.sem_alloc : memref<!tpu.dma_semaphore, #tpu.memory_space<semaphore_mem>>
      %dma_start3A = tpu.memref_slice %arg11[%mul3A_2] : memref<10240xf32, #tpu.memory_space<vmem_shared>> -> memref<640xf32, #tpu.memory_space<vmem_shared>>
      tpu.enqueue_dma source(%arg5 : memref<640xf32, #tpu.memory_space<hbm>>) target(%dma_start3A : memref<640xf32, #tpu.memory_space<vmem_shared>>) target_semaphore(%run_scoped3A : memref<!tpu.dma_semaphore, #tpu.memory_space<semaphore_mem>>)
      %dma_wait3A = tpu.memref_slice %arg11[%mul3A_2] : memref<10240xf32, #tpu.memory_space<vmem_shared>> -> memref<640xf32, #tpu.memory_space<vmem_shared>>
      tpu.wait_dma2 semaphore(%run_scoped3A : memref<!tpu.dma_semaphore, #tpu.memory_space<semaphore_mem>>) src(%arg5 : memref<640xf32, #tpu.memory_space<hbm>>) dst(%dma_wait3A : memref<640xf32, #tpu.memory_space<vmem_shared>>)
      tpu.yield
    }) : () -> ()
    "tpu.region"() ({
      %run_scoped3A = tpu.sem_alloc : memref<!tpu.dma_semaphore, #tpu.memory_space<semaphore_mem>>
      %dma_start3A = tpu.memref_slice %arg12[%mul3A_2] : memref<10240xf32, #tpu.memory_space<vmem_shared>> -> memref<640xf32, #tpu.memory_space<vmem_shared>>
      tpu.enqueue_dma source(%arg5 : memref<640xf32, #tpu.memory_space<hbm>>) target(%dma_start3A : memref<640xf32, #tpu.memory_space<vmem_shared>>) target_semaphore(%run_scoped3A : memref<!tpu.dma_semaphore, #tpu.memory_space<semaphore_mem>>)
      %dma_wait3A = tpu.memref_slice %arg12[%mul3A_2] : memref<10240xf32, #tpu.memory_space<vmem_shared>> -> memref<640xf32, #tpu.memory_space<vmem_shared>>
      tpu.wait_dma2 semaphore(%run_scoped3A : memref<!tpu.dma_semaphore, #tpu.memory_space<semaphore_mem>>) src(%arg5 : memref<640xf32, #tpu.memory_space<hbm>>) dst(%dma_wait3A : memref<640xf32, #tpu.memory_space<vmem_shared>>)
      tpu.yield
    }) : () -> ()
    %barrier3A = arith.constant 0 : index
    tpu.barrier barrier_id(%barrier3A)
    %scan3A = arith.constant 0 : i32
    %scan3A_3 = arith.constant 0 : i32
    %scan3A_4 = arith.constant 80 : i32
    %scan3A_5 = arith.addi %scan3A_3, %scan3A_4 : i32
    %scan3A_6 = arith.constant 1 : i32
    scf.for %scan3A_9 = %scan3A_3 to %scan3A_5 step %scan3A_6  : i32 {
      "tpu.region"() ({
        %run_scoped3A = tpu.sem_alloc : memref<!tpu.dma_semaphore, #tpu.memory_space<semaphore_mem>>
        %dma_start3A = arith.constant 0 : i32
        %dma_start3A_10 = tpu.memref_slice %arg8[%scan3A_9, %dma_start3A] : memref<80x128xi32, #tpu.memory_space<vmem>> -> memref<1x128xi32, #tpu.memory_space<vmem>>
        %dma_start3A_11 = tpu.memref_squeeze %dma_start3A_10 : memref<1x128xi32, #tpu.memory_space<vmem>> -> memref<128xi32, #tpu.memory_space<vmem>>
        %dma_start3A_12 = arith.constant 0 : i32
        %dma_start3A_13 = tpu.memref_slice %arg11[%dma_start3A_12] : memref<10240xf32, #tpu.memory_space<vmem_shared>> -> memref<10240xf32, #tpu.memory_space<vmem_shared>>
        tpu.enqueue_indirect_dma source(%arg10 : memref<128xf32, #tpu.memory_space<vmem>>) target(%dma_start3A_13 : memref<10240xf32, #tpu.memory_space<vmem_shared>>) offsets(%dma_start3A_11 : memref<128xi32, #tpu.memory_space<vmem>>) semaphore(%run_scoped3A : memref<!tpu.dma_semaphore, #tpu.memory_space<semaphore_mem>>) {add = true}
        %dma_wait3A = arith.constant 0 : i32
        %dma_wait3A_14 = tpu.memref_slice %arg8[%scan3A_9, %dma_wait3A] : memref<80x128xi32, #tpu.memory_space<vmem>> -> memref<1x128xi32, #tpu.memory_space<vmem>>
        %dma_wait3A_15 = tpu.memref_squeeze %dma_wait3A_14 : memref<1x128xi32, #tpu.memory_space<vmem>> -> memref<128xi32, #tpu.memory_space<vmem>>
        %dma_wait3A_16 = arith.constant 0 : i32
        %dma_wait3A_17 = tpu.memref_slice %arg11[%dma_wait3A_16] : memref<10240xf32, #tpu.memory_space<vmem_shared>> -> memref<10240xf32, #tpu.memory_space<vmem_shared>>
        tpu.wait_indirect_dma semaphore(%run_scoped3A : memref<!tpu.dma_semaphore, #tpu.memory_space<semaphore_mem>>) src(%arg10 : memref<128xf32, #tpu.memory_space<vmem>>) dst(%dma_wait3A_17 : memref<10240xf32, #tpu.memory_space<vmem_shared>>)
        tpu.yield
      }) : () -> ()
      "tpu.region"() ({
        %run_scoped3A = tpu.sem_alloc : memref<!tpu.dma_semaphore, #tpu.memory_space<semaphore_mem>>
        %dma_start3A = arith.constant 0 : i32
        %dma_start3A_10 = tpu.memref_slice %arg9[%scan3A_9, %dma_start3A] : memref<80x128xf32, #tpu.memory_space<vmem>> -> memref<1x128xf32, #tpu.memory_space<vmem>>
        %dma_start3A_11 = tpu.memref_squeeze %dma_start3A_10 : memref<1x128xf32, #tpu.memory_space<vmem>> -> memref<128xf32, #tpu.memory_space<vmem>>
        %dma_start3A_12 = arith.constant 0 : i32
        %dma_start3A_13 = tpu.memref_slice %arg8[%scan3A_9, %dma_start3A_12] : memref<80x128xi32, #tpu.memory_space<vmem>> -> memref<1x128xi32, #tpu.memory_space<vmem>>
        %dma_start3A_14 = tpu.memref_squeeze %dma_start3A_13 : memref<1x128xi32, #tpu.memory_space<vmem>> -> memref<128xi32, #tpu.memory_space<vmem>>
        %dma_start3A_15 = arith.constant 0 : i32
        %dma_start3A_16 = tpu.memref_slice %arg12[%dma_start3A_15] : memref<10240xf32, #tpu.memory_space<vmem_shared>> -> memref<10240xf32, #tpu.memory_space<vmem_shared>>
        tpu.enqueue_indirect_dma source(%dma_start3A_11 : memref<128xf32, #tpu.memory_space<vmem>>) target(%dma_start3A_16 : memref<10240xf32, #tpu.memory_space<vmem_shared>>) offsets(%dma_start3A_14 : memref<128xi32, #tpu.memory_space<vmem>>) semaphore(%run_scoped3A : memref<!tpu.dma_semaphore, #tpu.memory_space<semaphore_mem>>) {add = true}
        %dma_wait3A = arith.constant 0 : i32
        %dma_wait3A_17 = tpu.memref_slice %arg9[%scan3A_9, %dma_wait3A] : memref<80x128xf32, #tpu.memory_space<vmem>> -> memref<1x128xf32, #tpu.memory_space<vmem>>
        %dma_wait3A_18 = tpu.memref_squeeze %dma_wait3A_17 : memref<1x128xf32, #tpu.memory_space<vmem>> -> memref<128xf32, #tpu.memory_space<vmem>>
        %dma_wait3A_19 = arith.constant 0 : i32
        %dma_wait3A_20 = tpu.memref_slice %arg8[%scan3A_9, %dma_wait3A_19] : memref<80x128xi32, #tpu.memory_space<vmem>> -> memref<1x128xi32, #tpu.memory_space<vmem>>
        %dma_wait3A_21 = tpu.memref_squeeze %dma_wait3A_20 : memref<1x128xi32, #tpu.memory_space<vmem>> -> memref<128xi32, #tpu.memory_space<vmem>>
        %dma_wait3A_22 = arith.constant 0 : i32
        %dma_wait3A_23 = tpu.memref_slice %arg12[%dma_wait3A_22] : memref<10240xf32, #tpu.memory_space<vmem_shared>> -> memref<10240xf32, #tpu.memory_space<vmem_shared>>
        tpu.wait_indirect_dma semaphore(%run_scoped3A : memref<!tpu.dma_semaphore, #tpu.memory_space<semaphore_mem>>) src(%dma_wait3A_18 : memref<128xf32, #tpu.memory_space<vmem>>) dst(%dma_wait3A_23 : memref<10240xf32, #tpu.memory_space<vmem_shared>>)
        tpu.yield
      }) : () -> ()
    }
    %scan3A_7 = arith.constant 80 : i32
    %barrier3A_8 = arith.constant 0 : index
    tpu.barrier barrier_id(%barrier3A_8)
    "tpu.region"() ({
      %run_scoped3A = tpu.sem_alloc : memref<!tpu.dma_semaphore, #tpu.memory_space<semaphore_mem>>
      %dma_start3A = tpu.memref_slice %arg6[%arg0, %mul3A_2] : memref<2x10240xf32, #tpu.memory_space<hbm>> -> memref<1x640xf32, #tpu.memory_space<hbm>>
      %dma_start3A_9 = tpu.memref_squeeze %dma_start3A : memref<1x640xf32, #tpu.memory_space<hbm>> -> memref<640xf32, #tpu.memory_space<hbm>>
      %dma_start3A_10 = tpu.memref_slice %arg11[%mul3A_2] : memref<10240xf32, #tpu.memory_space<vmem_shared>> -> memref<640xf32, #tpu.memory_space<vmem_shared>>
      tpu.enqueue_dma source(%dma_start3A_10 : memref<640xf32, #tpu.memory_space<vmem_shared>>) target(%dma_start3A_9 : memref<640xf32, #tpu.memory_space<hbm>>) target_semaphore(%run_scoped3A : memref<!tpu.dma_semaphore, #tpu.memory_space<semaphore_mem>>)
      %dma_wait3A = tpu.memref_slice %arg6[%arg0, %mul3A_2] : memref<2x10240xf32, #tpu.memory_space<hbm>> -> memref<1x640xf32, #tpu.memory_space<hbm>>
      %dma_wait3A_11 = tpu.memref_squeeze %dma_wait3A : memref<1x640xf32, #tpu.memory_space<hbm>> -> memref<640xf32, #tpu.memory_space<hbm>>
      %dma_wait3A_12 = tpu.memref_slice %arg11[%mul3A_2] : memref<10240xf32, #tpu.memory_space<vmem_shared>> -> memref<640xf32, #tpu.memory_space<vmem_shared>>
      tpu.wait_dma2 semaphore(%run_scoped3A : memref<!tpu.dma_semaphore, #tpu.memory_space<semaphore_mem>>) src(%dma_wait3A_12 : memref<640xf32, #tpu.memory_space<vmem_shared>>) dst(%dma_wait3A_11 : memref<640xf32, #tpu.memory_space<hbm>>)
      tpu.yield
    }) : () -> ()
    "tpu.region"() ({
      %run_scoped3A = tpu.sem_alloc : memref<!tpu.dma_semaphore, #tpu.memory_space<semaphore_mem>>
      %dma_start3A = tpu.memref_slice %arg7[%arg0, %mul3A_2] : memref<2x10240xf32, #tpu.memory_space<hbm>> -> memref<1x640xf32, #tpu.memory_space<hbm>>
      %dma_start3A_9 = tpu.memref_squeeze %dma_start3A : memref<1x640xf32, #tpu.memory_space<hbm>> -> memref<640xf32, #tpu.memory_space<hbm>>
      %dma_start3A_10 = tpu.memref_slice %arg12[%mul3A_2] : memref<10240xf32, #tpu.memory_space<vmem_shared>> -> memref<640xf32, #tpu.memory_space<vmem_shared>>
      tpu.enqueue_dma source(%dma_start3A_10 : memref<640xf32, #tpu.memory_space<vmem_shared>>) target(%dma_start3A_9 : memref<640xf32, #tpu.memory_space<hbm>>) target_semaphore(%run_scoped3A : memref<!tpu.dma_semaphore, #tpu.memory_space<semaphore_mem>>)
      %dma_wait3A = tpu.memref_slice %arg7[%arg0, %mul3A_2] : memref<2x10240xf32, #tpu.memory_space<hbm>> -> memref<1x640xf32, #tpu.memory_space<hbm>>
      %dma_wait3A_11 = tpu.memref_squeeze %dma_wait3A : memref<1x640xf32, #tpu.memory_space<hbm>> -> memref<640xf32, #tpu.memory_space<hbm>>
      %dma_wait3A_12 = tpu.memref_slice %arg12[%mul3A_2] : memref<10240xf32, #tpu.memory_space<vmem_shared>> -> memref<640xf32, #tpu.memory_space<vmem_shared>>
      tpu.wait_dma2 semaphore(%run_scoped3A : memref<!tpu.dma_semaphore, #tpu.memory_space<semaphore_mem>>) src(%dma_wait3A_12 : memref<640xf32, #tpu.memory_space<vmem_shared>>) dst(%dma_wait3A_11 : memref<640xf32, #tpu.memory_space<hbm>>)
      tpu.yield
    }) : () -> ()
    return
  }
}

#map = affine_map<(d0, d1) -> (0, 0)>
#map1 = affine_map<(d0, d1) -> (0, 0, 0)>
module attributes {stable_mosaic.version = 14 : i64} {
  func.func @_agg_kernel(%arg0: i32, %arg1: i32, %arg2: memref<10240x128xf32, #tpu.memory_space<hbm>>, %arg3: memref<2656x128xi32, #tpu.memory_space<hbm>>, %arg4: memref<2656x128xi32, #tpu.memory_space<hbm>>, %arg5: memref<632x128xf32, #tpu.memory_space<hbm>>, %arg6: memref<2x10112x128xf32, #tpu.memory_space<hbm>>, %arg7: memref<4x128xi32, #tpu.memory_space<vmem>>, %arg8: memref<4x128xi32, #tpu.memory_space<vmem>>, %arg9: memref<2x128x128xf32, #tpu.memory_space<vmem>>, %arg10: memref<!tpu.dma_semaphore, #tpu.memory_space<semaphore_mem>>, %arg11: memref<!tpu.dma_semaphore, #tpu.memory_space<semaphore_mem>>, %arg12: memref<!tpu.dma_semaphore, #tpu.memory_space<semaphore_mem>>, %arg13: memref<!tpu.dma_semaphore, #tpu.memory_space<semaphore_mem>>, %arg14: memref<!tpu.dma_semaphore, #tpu.memory_space<semaphore_mem>>, %arg15: memref<!tpu.dma_semaphore, #tpu.memory_space<semaphore_mem>>, %arg16: memref<!tpu.dma_semaphore, #tpu.memory_space<semaphore_mem>>, %arg17: memref<!tpu.dma_semaphore, #tpu.memory_space<semaphore_mem>>, %arg18: memref<!tpu.dma_semaphore, #tpu.memory_space<semaphore_mem>>, %arg19: memref<!tpu.dma_semaphore, #tpu.memory_space<semaphore_mem>>, %arg20: memref<10112x128xf32, #tpu.memory_space<vmem_shared>>) attributes {dimension_semantics = [#tpu.dimension_semantics<core_parallel>, #tpu.dimension_semantics<subcore_parallel>], iteration_bounds = array<i64: 2, 16>, scalar_prefetch = 0 : i64, scratch_operands = 14 : i64, tpu.core_type = #tpu.core_type<sc_vector_subcore>, window_params = [{transform_indices = #map}, {transform_indices = #map}, {transform_indices = #map}, {transform_indices = #map}, {transform_indices = #map1}]} {
    %eq3A = arith.constant 0 : i32
    %eq3A_0 = arith.cmpi eq, %arg0, %eq3A : i32
    %mul3A = arith.constant 128 : i32
    %mul3A_1 = arith.muli %arg1, %mul3A : i32
    %mul3A_2 = arith.constant 32 : i32
    %mul3A_3 = arith.muli %arg1, %mul3A_2 : i32
    %add3A = arith.constant 2048 : i32
    %add3A_4 = arith.addi %add3A, %mul3A_3 : i32
    %select_n3A = arith.select %eq3A_0, %mul3A_1, %add3A_4 : i32
    %eq3A_5 = arith.constant 0 : i32
    %eq3A_6 = arith.cmpi eq, %arg0, %eq3A_5 : i32
    %jit3A = arith.constant 128 : i32
    %jit3A_7 = arith.constant 32 : i32
    %select_n3A_8 = arith.select %eq3A_6, %jit3A, %jit3A_7 : i32
    %mul3A_9 = arith.constant 632 : i32
    %mul3A_10 = arith.muli %arg1, %mul3A_9 : i32
    "tpu.region"() ({
      %run_scoped3A = tpu.sem_alloc : memref<!tpu.dma_semaphore, #tpu.memory_space<semaphore_mem>>
      %dma_start3A_209 = arith.constant 0 : i32
      %dma_start3A_210 = tpu.memref_slice %arg20[%mul3A_10, %dma_start3A_209] : memref<10112x128xf32, #tpu.memory_space<vmem_shared>> -> memref<632x128xf32, #tpu.memory_space<vmem_shared>>
      tpu.enqueue_dma source(%arg5 : memref<632x128xf32, #tpu.memory_space<hbm>>) target(%dma_start3A_210 : memref<632x128xf32, #tpu.memory_space<vmem_shared>>) target_semaphore(%run_scoped3A : memref<!tpu.dma_semaphore, #tpu.memory_space<semaphore_mem>>)
      %dma_wait3A_211 = arith.constant 0 : i32
      %dma_wait3A_212 = tpu.memref_slice %arg20[%mul3A_10, %dma_wait3A_211] : memref<10112x128xf32, #tpu.memory_space<vmem_shared>> -> memref<632x128xf32, #tpu.memory_space<vmem_shared>>
      tpu.wait_dma2 semaphore(%run_scoped3A : memref<!tpu.dma_semaphore, #tpu.memory_space<semaphore_mem>>) src(%arg5 : memref<632x128xf32, #tpu.memory_space<hbm>>) dst(%dma_wait3A_212 : memref<632x128xf32, #tpu.memory_space<vmem_shared>>)
      tpu.yield
    }) : () -> ()
    %barrier3A = arith.constant 0 : index
    tpu.barrier barrier_id(%barrier3A)
    %add3A_11 = arith.constant 0 : i32
    %add3A_12 = arith.addi %select_n3A, %add3A_11 : i32
    %dma_start3A = arith.constant 0 : i32
    %dma_start3A_13 = arith.constant 0 : i32
    %dma_start3A_14 = tpu.memref_slice %arg7[%dma_start3A, %dma_start3A_13] : memref<4x128xi32, #tpu.memory_space<vmem>> -> memref<1x128xi32, #tpu.memory_space<vmem>>
    %dma_start3A_15 = tpu.memref_squeeze %dma_start3A_14 : memref<1x128xi32, #tpu.memory_space<vmem>> -> memref<128xi32, #tpu.memory_space<vmem>>
    %dma_start3A_16 = arith.constant 0 : i32
    %dma_start3A_17 = tpu.memref_slice %arg3[%add3A_12, %dma_start3A_16] : memref<2656x128xi32, #tpu.memory_space<hbm>> -> memref<1x128xi32, #tpu.memory_space<hbm>>
    %dma_start3A_18 = tpu.memref_squeeze %dma_start3A_17 : memref<1x128xi32, #tpu.memory_space<hbm>> -> memref<128xi32, #tpu.memory_space<hbm>>
    %dma_start3A_19 = arith.constant 0 : i32
    %dma_start3A_20 = tpu.memref_slice %arg7[%dma_start3A, %dma_start3A_19] : memref<4x128xi32, #tpu.memory_space<vmem>> -> memref<1x128xi32, #tpu.memory_space<vmem>>
    %dma_start3A_21 = tpu.memref_squeeze %dma_start3A_20 : memref<1x128xi32, #tpu.memory_space<vmem>> -> memref<128xi32, #tpu.memory_space<vmem>>
    %dma_start3A_22 = arith.constant 0 : i32
    %dma_start3A_23 = tpu.memref_slice %arg3[%add3A_12, %dma_start3A_22] : memref<2656x128xi32, #tpu.memory_space<hbm>> -> memref<1x128xi32, #tpu.memory_space<hbm>>
    %dma_start3A_24 = tpu.memref_squeeze %dma_start3A_23 : memref<1x128xi32, #tpu.memory_space<hbm>> -> memref<128xi32, #tpu.memory_space<hbm>>
    tpu.enqueue_dma source(%dma_start3A_24 : memref<128xi32, #tpu.memory_space<hbm>>) target(%dma_start3A_21 : memref<128xi32, #tpu.memory_space<vmem>>) target_semaphore(%arg12 : memref<!tpu.dma_semaphore, #tpu.memory_space<semaphore_mem>>)
    %add3A_25 = arith.constant 0 : i32
    %add3A_26 = arith.addi %select_n3A, %add3A_25 : i32
    %dma_start3A_27 = arith.constant 0 : i32
    %dma_start3A_28 = arith.constant 0 : i32
    %dma_start3A_29 = tpu.memref_slice %arg8[%dma_start3A_27, %dma_start3A_28] : memref<4x128xi32, #tpu.memory_space<vmem>> -> memref<1x128xi32, #tpu.memory_space<vmem>>
    %dma_start3A_30 = tpu.memref_squeeze %dma_start3A_29 : memref<1x128xi32, #tpu.memory_space<vmem>> -> memref<128xi32, #tpu.memory_space<vmem>>
    %dma_start3A_31 = arith.constant 0 : i32
    %dma_start3A_32 = tpu.memref_slice %arg4[%add3A_26, %dma_start3A_31] : memref<2656x128xi32, #tpu.memory_space<hbm>> -> memref<1x128xi32, #tpu.memory_space<hbm>>
    %dma_start3A_33 = tpu.memref_squeeze %dma_start3A_32 : memref<1x128xi32, #tpu.memory_space<hbm>> -> memref<128xi32, #tpu.memory_space<hbm>>
    %dma_start3A_34 = arith.constant 0 : i32
    %dma_start3A_35 = tpu.memref_slice %arg8[%dma_start3A_27, %dma_start3A_34] : memref<4x128xi32, #tpu.memory_space<vmem>> -> memref<1x128xi32, #tpu.memory_space<vmem>>
    %dma_start3A_36 = tpu.memref_squeeze %dma_start3A_35 : memref<1x128xi32, #tpu.memory_space<vmem>> -> memref<128xi32, #tpu.memory_space<vmem>>
    %dma_start3A_37 = arith.constant 0 : i32
    %dma_start3A_38 = tpu.memref_slice %arg4[%add3A_26, %dma_start3A_37] : memref<2656x128xi32, #tpu.memory_space<hbm>> -> memref<1x128xi32, #tpu.memory_space<hbm>>
    %dma_start3A_39 = tpu.memref_squeeze %dma_start3A_38 : memref<1x128xi32, #tpu.memory_space<hbm>> -> memref<128xi32, #tpu.memory_space<hbm>>
    tpu.enqueue_dma source(%dma_start3A_39 : memref<128xi32, #tpu.memory_space<hbm>>) target(%dma_start3A_36 : memref<128xi32, #tpu.memory_space<vmem>>) target_semaphore(%arg16 : memref<!tpu.dma_semaphore, #tpu.memory_space<semaphore_mem>>)
    %add3A_40 = arith.constant 1 : i32
    %add3A_41 = arith.addi %select_n3A, %add3A_40 : i32
    %dma_start3A_42 = arith.constant 1 : i32
    %dma_start3A_43 = arith.constant 0 : i32
    %dma_start3A_44 = tpu.memref_slice %arg7[%dma_start3A_42, %dma_start3A_43] : memref<4x128xi32, #tpu.memory_space<vmem>> -> memref<1x128xi32, #tpu.memory_space<vmem>>
    %dma_start3A_45 = tpu.memref_squeeze %dma_start3A_44 : memref<1x128xi32, #tpu.memory_space<vmem>> -> memref<128xi32, #tpu.memory_space<vmem>>
    %dma_start3A_46 = arith.constant 0 : i32
    %dma_start3A_47 = tpu.memref_slice %arg3[%add3A_41, %dma_start3A_46] : memref<2656x128xi32, #tpu.memory_space<hbm>> -> memref<1x128xi32, #tpu.memory_space<hbm>>
    %dma_start3A_48 = tpu.memref_squeeze %dma_start3A_47 : memref<1x128xi32, #tpu.memory_space<hbm>> -> memref<128xi32, #tpu.memory_space<hbm>>
    %dma_start3A_49 = arith.constant 0 : i32
    %dma_start3A_50 = tpu.memref_slice %arg7[%dma_start3A_42, %dma_start3A_49] : memref<4x128xi32, #tpu.memory_space<vmem>> -> memref<1x128xi32, #tpu.memory_space<vmem>>
    %dma_start3A_51 = tpu.memref_squeeze %dma_start3A_50 : memref<1x128xi32, #tpu.memory_space<vmem>> -> memref<128xi32, #tpu.memory_space<vmem>>
    %dma_start3A_52 = arith.constant 0 : i32
    %dma_start3A_53 = tpu.memref_slice %arg3[%add3A_41, %dma_start3A_52] : memref<2656x128xi32, #tpu.memory_space<hbm>> -> memref<1x128xi32, #tpu.memory_space<hbm>>
    %dma_start3A_54 = tpu.memref_squeeze %dma_start3A_53 : memref<1x128xi32, #tpu.memory_space<hbm>> -> memref<128xi32, #tpu.memory_space<hbm>>
    tpu.enqueue_dma source(%dma_start3A_54 : memref<128xi32, #tpu.memory_space<hbm>>) target(%dma_start3A_51 : memref<128xi32, #tpu.memory_space<vmem>>) target_semaphore(%arg13 : memref<!tpu.dma_semaphore, #tpu.memory_space<semaphore_mem>>)
    %add3A_55 = arith.constant 1 : i32
    %add3A_56 = arith.addi %select_n3A, %add3A_55 : i32
    %dma_start3A_57 = arith.constant 1 : i32
    %dma_start3A_58 = arith.constant 0 : i32
    %dma_start3A_59 = tpu.memref_slice %arg8[%dma_start3A_57, %dma_start3A_58] : memref<4x128xi32, #tpu.memory_space<vmem>> -> memref<1x128xi32, #tpu.memory_space<vmem>>
    %dma_start3A_60 = tpu.memref_squeeze %dma_start3A_59 : memref<1x128xi32, #tpu.memory_space<vmem>> -> memref<128xi32, #tpu.memory_space<vmem>>
    %dma_start3A_61 = arith.constant 0 : i32
    %dma_start3A_62 = tpu.memref_slice %arg4[%add3A_56, %dma_start3A_61] : memref<2656x128xi32, #tpu.memory_space<hbm>> -> memref<1x128xi32, #tpu.memory_space<hbm>>
    %dma_start3A_63 = tpu.memref_squeeze %dma_start3A_62 : memref<1x128xi32, #tpu.memory_space<hbm>> -> memref<128xi32, #tpu.memory_space<hbm>>
    %dma_start3A_64 = arith.constant 0 : i32
    %dma_start3A_65 = tpu.memref_slice %arg8[%dma_start3A_57, %dma_start3A_64] : memref<4x128xi32, #tpu.memory_space<vmem>> -> memref<1x128xi32, #tpu.memory_space<vmem>>
    %dma_start3A_66 = tpu.memref_squeeze %dma_start3A_65 : memref<1x128xi32, #tpu.memory_space<vmem>> -> memref<128xi32, #tpu.memory_space<vmem>>
    %dma_start3A_67 = arith.constant 0 : i32
    %dma_start3A_68 = tpu.memref_slice %arg4[%add3A_56, %dma_start3A_67] : memref<2656x128xi32, #tpu.memory_space<hbm>> -> memref<1x128xi32, #tpu.memory_space<hbm>>
    %dma_start3A_69 = tpu.memref_squeeze %dma_start3A_68 : memref<1x128xi32, #tpu.memory_space<hbm>> -> memref<128xi32, #tpu.memory_space<hbm>>
    tpu.enqueue_dma source(%dma_start3A_69 : memref<128xi32, #tpu.memory_space<hbm>>) target(%dma_start3A_66 : memref<128xi32, #tpu.memory_space<vmem>>) target_semaphore(%arg17 : memref<!tpu.dma_semaphore, #tpu.memory_space<semaphore_mem>>)
    %add3A_70 = arith.constant 2 : i32
    %add3A_71 = arith.addi %select_n3A, %add3A_70 : i32
    %dma_start3A_72 = arith.constant 2 : i32
    %dma_start3A_73 = arith.constant 0 : i32
    %dma_start3A_74 = tpu.memref_slice %arg7[%dma_start3A_72, %dma_start3A_73] : memref<4x128xi32, #tpu.memory_space<vmem>> -> memref<1x128xi32, #tpu.memory_space<vmem>>
    %dma_start3A_75 = tpu.memref_squeeze %dma_start3A_74 : memref<1x128xi32, #tpu.memory_space<vmem>> -> memref<128xi32, #tpu.memory_space<vmem>>
    %dma_start3A_76 = arith.constant 0 : i32
    %dma_start3A_77 = tpu.memref_slice %arg3[%add3A_71, %dma_start3A_76] : memref<2656x128xi32, #tpu.memory_space<hbm>> -> memref<1x128xi32, #tpu.memory_space<hbm>>
    %dma_start3A_78 = tpu.memref_squeeze %dma_start3A_77 : memref<1x128xi32, #tpu.memory_space<hbm>> -> memref<128xi32, #tpu.memory_space<hbm>>
    %dma_start3A_79 = arith.constant 0 : i32
    %dma_start3A_80 = tpu.memref_slice %arg7[%dma_start3A_72, %dma_start3A_79] : memref<4x128xi32, #tpu.memory_space<vmem>> -> memref<1x128xi32, #tpu.memory_space<vmem>>
    %dma_start3A_81 = tpu.memref_squeeze %dma_start3A_80 : memref<1x128xi32, #tpu.memory_space<vmem>> -> memref<128xi32, #tpu.memory_space<vmem>>
    %dma_start3A_82 = arith.constant 0 : i32
    %dma_start3A_83 = tpu.memref_slice %arg3[%add3A_71, %dma_start3A_82] : memref<2656x128xi32, #tpu.memory_space<hbm>> -> memref<1x128xi32, #tpu.memory_space<hbm>>
    %dma_start3A_84 = tpu.memref_squeeze %dma_start3A_83 : memref<1x128xi32, #tpu.memory_space<hbm>> -> memref<128xi32, #tpu.memory_space<hbm>>
    tpu.enqueue_dma source(%dma_start3A_84 : memref<128xi32, #tpu.memory_space<hbm>>) target(%dma_start3A_81 : memref<128xi32, #tpu.memory_space<vmem>>) target_semaphore(%arg14 : memref<!tpu.dma_semaphore, #tpu.memory_space<semaphore_mem>>)
    %add3A_85 = arith.constant 2 : i32
    %add3A_86 = arith.addi %select_n3A, %add3A_85 : i32
    %dma_start3A_87 = arith.constant 2 : i32
    %dma_start3A_88 = arith.constant 0 : i32
    %dma_start3A_89 = tpu.memref_slice %arg8[%dma_start3A_87, %dma_start3A_88] : memref<4x128xi32, #tpu.memory_space<vmem>> -> memref<1x128xi32, #tpu.memory_space<vmem>>
    %dma_start3A_90 = tpu.memref_squeeze %dma_start3A_89 : memref<1x128xi32, #tpu.memory_space<vmem>> -> memref<128xi32, #tpu.memory_space<vmem>>
    %dma_start3A_91 = arith.constant 0 : i32
    %dma_start3A_92 = tpu.memref_slice %arg4[%add3A_86, %dma_start3A_91] : memref<2656x128xi32, #tpu.memory_space<hbm>> -> memref<1x128xi32, #tpu.memory_space<hbm>>
    %dma_start3A_93 = tpu.memref_squeeze %dma_start3A_92 : memref<1x128xi32, #tpu.memory_space<hbm>> -> memref<128xi32, #tpu.memory_space<hbm>>
    %dma_start3A_94 = arith.constant 0 : i32
    %dma_start3A_95 = tpu.memref_slice %arg8[%dma_start3A_87, %dma_start3A_94] : memref<4x128xi32, #tpu.memory_space<vmem>> -> memref<1x128xi32, #tpu.memory_space<vmem>>
    %dma_start3A_96 = tpu.memref_squeeze %dma_start3A_95 : memref<1x128xi32, #tpu.memory_space<vmem>> -> memref<128xi32, #tpu.memory_space<vmem>>
    %dma_start3A_97 = arith.constant 0 : i32
    %dma_start3A_98 = tpu.memref_slice %arg4[%add3A_86, %dma_start3A_97] : memref<2656x128xi32, #tpu.memory_space<hbm>> -> memref<1x128xi32, #tpu.memory_space<hbm>>
    %dma_start3A_99 = tpu.memref_squeeze %dma_start3A_98 : memref<1x128xi32, #tpu.memory_space<hbm>> -> memref<128xi32, #tpu.memory_space<hbm>>
    tpu.enqueue_dma source(%dma_start3A_99 : memref<128xi32, #tpu.memory_space<hbm>>) target(%dma_start3A_96 : memref<128xi32, #tpu.memory_space<vmem>>) target_semaphore(%arg18 : memref<!tpu.dma_semaphore, #tpu.memory_space<semaphore_mem>>)
    %add3A_100 = arith.constant 3 : i32
    %add3A_101 = arith.addi %select_n3A, %add3A_100 : i32
    %dma_start3A_102 = arith.constant 3 : i32
    %dma_start3A_103 = arith.constant 0 : i32
    %dma_start3A_104 = tpu.memref_slice %arg7[%dma_start3A_102, %dma_start3A_103] : memref<4x128xi32, #tpu.memory_space<vmem>> -> memref<1x128xi32, #tpu.memory_space<vmem>>
    %dma_start3A_105 = tpu.memref_squeeze %dma_start3A_104 : memref<1x128xi32, #tpu.memory_space<vmem>> -> memref<128xi32, #tpu.memory_space<vmem>>
    %dma_start3A_106 = arith.constant 0 : i32
    %dma_start3A_107 = tpu.memref_slice %arg3[%add3A_101, %dma_start3A_106] : memref<2656x128xi32, #tpu.memory_space<hbm>> -> memref<1x128xi32, #tpu.memory_space<hbm>>
    %dma_start3A_108 = tpu.memref_squeeze %dma_start3A_107 : memref<1x128xi32, #tpu.memory_space<hbm>> -> memref<128xi32, #tpu.memory_space<hbm>>
    %dma_start3A_109 = arith.constant 0 : i32
    %dma_start3A_110 = tpu.memref_slice %arg7[%dma_start3A_102, %dma_start3A_109] : memref<4x128xi32, #tpu.memory_space<vmem>> -> memref<1x128xi32, #tpu.memory_space<vmem>>
    %dma_start3A_111 = tpu.memref_squeeze %dma_start3A_110 : memref<1x128xi32, #tpu.memory_space<vmem>> -> memref<128xi32, #tpu.memory_space<vmem>>
    %dma_start3A_112 = arith.constant 0 : i32
    %dma_start3A_113 = tpu.memref_slice %arg3[%add3A_101, %dma_start3A_112] : memref<2656x128xi32, #tpu.memory_space<hbm>> -> memref<1x128xi32, #tpu.memory_space<hbm>>
    %dma_start3A_114 = tpu.memref_squeeze %dma_start3A_113 : memref<1x128xi32, #tpu.memory_space<hbm>> -> memref<128xi32, #tpu.memory_space<hbm>>
    tpu.enqueue_dma source(%dma_start3A_114 : memref<128xi32, #tpu.memory_space<hbm>>) target(%dma_start3A_111 : memref<128xi32, #tpu.memory_space<vmem>>) target_semaphore(%arg15 : memref<!tpu.dma_semaphore, #tpu.memory_space<semaphore_mem>>)
    %add3A_115 = arith.constant 3 : i32
    %add3A_116 = arith.addi %select_n3A, %add3A_115 : i32
    %dma_start3A_117 = arith.constant 3 : i32
    %dma_start3A_118 = arith.constant 0 : i32
    %dma_start3A_119 = tpu.memref_slice %arg8[%dma_start3A_117, %dma_start3A_118] : memref<4x128xi32, #tpu.memory_space<vmem>> -> memref<1x128xi32, #tpu.memory_space<vmem>>
    %dma_start3A_120 = tpu.memref_squeeze %dma_start3A_119 : memref<1x128xi32, #tpu.memory_space<vmem>> -> memref<128xi32, #tpu.memory_space<vmem>>
    %dma_start3A_121 = arith.constant 0 : i32
    %dma_start3A_122 = tpu.memref_slice %arg4[%add3A_116, %dma_start3A_121] : memref<2656x128xi32, #tpu.memory_space<hbm>> -> memref<1x128xi32, #tpu.memory_space<hbm>>
    %dma_start3A_123 = tpu.memref_squeeze %dma_start3A_122 : memref<1x128xi32, #tpu.memory_space<hbm>> -> memref<128xi32, #tpu.memory_space<hbm>>
    %dma_start3A_124 = arith.constant 0 : i32
    %dma_start3A_125 = tpu.memref_slice %arg8[%dma_start3A_117, %dma_start3A_124] : memref<4x128xi32, #tpu.memory_space<vmem>> -> memref<1x128xi32, #tpu.memory_space<vmem>>
    %dma_start3A_126 = tpu.memref_squeeze %dma_start3A_125 : memref<1x128xi32, #tpu.memory_space<vmem>> -> memref<128xi32, #tpu.memory_space<vmem>>
    %dma_start3A_127 = arith.constant 0 : i32
    %dma_start3A_128 = tpu.memref_slice %arg4[%add3A_116, %dma_start3A_127] : memref<2656x128xi32, #tpu.memory_space<hbm>> -> memref<1x128xi32, #tpu.memory_space<hbm>>
    %dma_start3A_129 = tpu.memref_squeeze %dma_start3A_128 : memref<1x128xi32, #tpu.memory_space<hbm>> -> memref<128xi32, #tpu.memory_space<hbm>>
    tpu.enqueue_dma source(%dma_start3A_129 : memref<128xi32, #tpu.memory_space<hbm>>) target(%dma_start3A_126 : memref<128xi32, #tpu.memory_space<vmem>>) target_semaphore(%arg19 : memref<!tpu.dma_semaphore, #tpu.memory_space<semaphore_mem>>)
    %dma_wait3A = arith.constant 0 : i32
    %dma_wait3A_130 = arith.constant 0 : i32
    %dma_wait3A_131 = arith.constant 0 : i32
    %dma_wait3A_132 = tpu.memref_slice %arg7[%dma_wait3A_130, %dma_wait3A_131] : memref<4x128xi32, #tpu.memory_space<vmem>> -> memref<1x128xi32, #tpu.memory_space<vmem>>
    %dma_wait3A_133 = tpu.memref_squeeze %dma_wait3A_132 : memref<1x128xi32, #tpu.memory_space<vmem>> -> memref<128xi32, #tpu.memory_space<vmem>>
    %dma_wait3A_134 = arith.constant 0 : i32
    %dma_wait3A_135 = tpu.memref_slice %arg3[%dma_wait3A, %dma_wait3A_134] : memref<2656x128xi32, #tpu.memory_space<hbm>> -> memref<1x128xi32, #tpu.memory_space<hbm>>
    %dma_wait3A_136 = tpu.memref_squeeze %dma_wait3A_135 : memref<1x128xi32, #tpu.memory_space<hbm>> -> memref<128xi32, #tpu.memory_space<hbm>>
    %dma_wait3A_137 = arith.constant 0 : i32
    %dma_wait3A_138 = tpu.memref_slice %arg7[%dma_wait3A_130, %dma_wait3A_137] : memref<4x128xi32, #tpu.memory_space<vmem>> -> memref<1x128xi32, #tpu.memory_space<vmem>>
    %dma_wait3A_139 = tpu.memref_squeeze %dma_wait3A_138 : memref<1x128xi32, #tpu.memory_space<vmem>> -> memref<128xi32, #tpu.memory_space<vmem>>
    %dma_wait3A_140 = arith.constant 0 : i32
    %dma_wait3A_141 = tpu.memref_slice %arg3[%dma_wait3A, %dma_wait3A_140] : memref<2656x128xi32, #tpu.memory_space<hbm>> -> memref<1x128xi32, #tpu.memory_space<hbm>>
    %dma_wait3A_142 = tpu.memref_squeeze %dma_wait3A_141 : memref<1x128xi32, #tpu.memory_space<hbm>> -> memref<128xi32, #tpu.memory_space<hbm>>
    tpu.wait_dma2 semaphore(%arg12 : memref<!tpu.dma_semaphore, #tpu.memory_space<semaphore_mem>>) src(%dma_wait3A_142 : memref<128xi32, #tpu.memory_space<hbm>>) dst(%dma_wait3A_139 : memref<128xi32, #tpu.memory_space<vmem>>)
    %dma_start3A_143 = arith.constant 0 : i32
    %dma_start3A_144 = arith.constant 0 : i32
    %dma_start3A_145 = arith.constant 0 : i32
    %dma_start3A_146 = arith.constant 0 : i32
    %dma_start3A_147 = tpu.memref_slice %arg9[%dma_start3A_144, %dma_start3A_145, %dma_start3A_146] : memref<2x128x128xf32, #tpu.memory_space<vmem>> -> memref<1x128x128xf32, #tpu.memory_space<vmem>>
    %dma_start3A_148 = tpu.memref_squeeze %dma_start3A_147 : memref<1x128x128xf32, #tpu.memory_space<vmem>> -> memref<128x128xf32, #tpu.memory_space<vmem>>
    %dma_start3A_149 = arith.constant 0 : i32
    %dma_start3A_150 = tpu.memref_slice %arg7[%dma_start3A_143, %dma_start3A_149] : memref<4x128xi32, #tpu.memory_space<vmem>> -> memref<1x128xi32, #tpu.memory_space<vmem>>
    %dma_start3A_151 = tpu.memref_squeeze %dma_start3A_150 : memref<1x128xi32, #tpu.memory_space<vmem>> -> memref<128xi32, #tpu.memory_space<vmem>>
    %dma_start3A_152 = arith.constant 0 : i32
    %dma_start3A_153 = arith.constant 0 : i32
    %dma_start3A_154 = tpu.memref_slice %arg2[%dma_start3A_152, %dma_start3A_153] : memref<10240x128xf32, #tpu.memory_space<hbm>> -> memref<10240x128xf32, #tpu.memory_space<hbm>>
    tpu.enqueue_indirect_dma source(%dma_start3A_154 : memref<10240x128xf32, #tpu.memory_space<hbm>>) target(%dma_start3A_148 : memref<128x128xf32, #tpu.memory_space<vmem>>) offsets(%dma_start3A_151 : memref<128xi32, #tpu.memory_space<vmem>>) semaphore(%arg10 : memref<!tpu.dma_semaphore, #tpu.memory_space<semaphore_mem>>)
    %dma_wait3A_155 = arith.constant 0 : i32
    %dma_wait3A_156 = arith.constant 1 : i32
    %dma_wait3A_157 = arith.constant 0 : i32
    %dma_wait3A_158 = tpu.memref_slice %arg7[%dma_wait3A_156, %dma_wait3A_157] : memref<4x128xi32, #tpu.memory_space<vmem>> -> memref<1x128xi32, #tpu.memory_space<vmem>>
    %dma_wait3A_159 = tpu.memref_squeeze %dma_wait3A_158 : memref<1x128xi32, #tpu.memory_space<vmem>> -> memref<128xi32, #tpu.memory_space<vmem>>
    %dma_wait3A_160 = arith.constant 0 : i32
    %dma_wait3A_161 = tpu.memref_slice %arg3[%dma_wait3A_155, %dma_wait3A_160] : memref<2656x128xi32, #tpu.memory_space<hbm>> -> memref<1x128xi32, #tpu.memory_space<hbm>>
    %dma_wait3A_162 = tpu.memref_squeeze %dma_wait3A_161 : memref<1x128xi32, #tpu.memory_space<hbm>> -> memref<128xi32, #tpu.memory_space<hbm>>
    %dma_wait3A_163 = arith.constant 0 : i32
    %dma_wait3A_164 = tpu.memref_slice %arg7[%dma_wait3A_156, %dma_wait3A_163] : memref<4x128xi32, #tpu.memory_space<vmem>> -> memref<1x128xi32, #tpu.memory_space<vmem>>
    %dma_wait3A_165 = tpu.memref_squeeze %dma_wait3A_164 : memref<1x128xi32, #tpu.memory_space<vmem>> -> memref<128xi32, #tpu.memory_space<vmem>>
    %dma_wait3A_166 = arith.constant 0 : i32
    %dma_wait3A_167 = tpu.memref_slice %arg3[%dma_wait3A_155, %dma_wait3A_166] : memref<2656x128xi32, #tpu.memory_space<hbm>> -> memref<1x128xi32, #tpu.memory_space<hbm>>
    %dma_wait3A_168 = tpu.memref_squeeze %dma_wait3A_167 : memref<1x128xi32, #tpu.memory_space<hbm>> -> memref<128xi32, #tpu.memory_space<hbm>>
    tpu.wait_dma2 semaphore(%arg13 : memref<!tpu.dma_semaphore, #tpu.memory_space<semaphore_mem>>) src(%dma_wait3A_168 : memref<128xi32, #tpu.memory_space<hbm>>) dst(%dma_wait3A_165 : memref<128xi32, #tpu.memory_space<vmem>>)
    %dma_start3A_169 = arith.constant 1 : i32
    %dma_start3A_170 = arith.constant 1 : i32
    %dma_start3A_171 = arith.constant 0 : i32
    %dma_start3A_172 = arith.constant 0 : i32
    %dma_start3A_173 = tpu.memref_slice %arg9[%dma_start3A_170, %dma_start3A_171, %dma_start3A_172] : memref<2x128x128xf32, #tpu.memory_space<vmem>> -> memref<1x128x128xf32, #tpu.memory_space<vmem>>
    %dma_start3A_174 = tpu.memref_squeeze %dma_start3A_173 : memref<1x128x128xf32, #tpu.memory_space<vmem>> -> memref<128x128xf32, #tpu.memory_space<vmem>>
    %dma_start3A_175 = arith.constant 0 : i32
    %dma_start3A_176 = tpu.memref_slice %arg7[%dma_start3A_169, %dma_start3A_175] : memref<4x128xi32, #tpu.memory_space<vmem>> -> memref<1x128xi32, #tpu.memory_space<vmem>>
    %dma_start3A_177 = tpu.memref_squeeze %dma_start3A_176 : memref<1x128xi32, #tpu.memory_space<vmem>> -> memref<128xi32, #tpu.memory_space<vmem>>
    %dma_start3A_178 = arith.constant 0 : i32
    %dma_start3A_179 = arith.constant 0 : i32
    %dma_start3A_180 = tpu.memref_slice %arg2[%dma_start3A_178, %dma_start3A_179] : memref<10240x128xf32, #tpu.memory_space<hbm>> -> memref<10240x128xf32, #tpu.memory_space<hbm>>
    tpu.enqueue_indirect_dma source(%dma_start3A_180 : memref<10240x128xf32, #tpu.memory_space<hbm>>) target(%dma_start3A_174 : memref<128x128xf32, #tpu.memory_space<vmem>>) offsets(%dma_start3A_177 : memref<128xi32, #tpu.memory_space<vmem>>) semaphore(%arg11 : memref<!tpu.dma_semaphore, #tpu.memory_space<semaphore_mem>>)
    %jit3A_181 = arith.constant 4 : i32
    %div3A = arith.divsi %select_n3A_8, %jit3A_181 : i32
    %sign3A = arith.constant 0 : i32
    %sign3A_182 = arith.cmpi sgt, %select_n3A_8, %sign3A : i32
    %sign3A_183 = arith.extui %sign3A_182 : i1 to i32
    %sign3A_184 = arith.constant 0 : i32
    %sign3A_185 = arith.cmpi slt, %select_n3A_8, %sign3A_184 : i32
    %sign3A_186 = arith.extui %sign3A_185 : i1 to i32
    %sign3A_187 = arith.subi %sign3A_183, %sign3A_186 : i32
    %sign3A_188 = arith.constant 0 : i32
    %sign3A_189 = arith.cmpi sgt, %jit3A_181, %sign3A_188 : i32
    %sign3A_190 = arith.extui %sign3A_189 : i1 to i32
    %sign3A_191 = arith.constant 0 : i32
    %sign3A_192 = arith.cmpi slt, %jit3A_181, %sign3A_191 : i32
    %sign3A_193 = arith.extui %sign3A_192 : i1 to i32
    %sign3A_194 = arith.subi %sign3A_190, %sign3A_193 : i32
    %ne3A = arith.cmpi ne, %sign3A_187, %sign3A_194 : i32
    %rem3A = arith.remsi %select_n3A_8, %jit3A_181 : i32
    %ne3A_195 = arith.constant 0 : i32
    %ne3A_196 = arith.cmpi ne, %rem3A, %ne3A_195 : i32
    %and3A = arith.andi %ne3A, %ne3A_196 : i1
    %sub3A = arith.constant 1 : i32
    %sub3A_197 = arith.subi %div3A, %sub3A : i32
    %select_n3A_198 = arith.select %and3A, %sub3A_197, %div3A : i32
    %while3A = arith.constant 0 : i32
    %while3A_199 = arith.constant 0 : i32
    %while3A_200 = arith.subi %select_n3A_198, %while3A_199 : i32
    %while3A_201 = arith.addi %while3A_199, %while3A_200 : i32
    %while3A_202 = arith.constant 1 : i32
    %while3A_203 = arith.divsi %while3A_200, %while3A_202 : i32
    %while3A_204 = arith.muli %while3A_203, %while3A_202 : i32
    %while3A_205 = arith.addi %while3A_199, %while3A_204 : i32
    %while3A_206 = arith.constant 1 : i32
    scf.for %while3A_209 = %while3A_199 to %while3A_205 step %while3A_206  : i32 {
      %mul3A_210 = arith.constant 4 : i32
      %mul3A_211 = arith.muli %while3A_209, %mul3A_210 : i32
      %add3A_212 = arith.constant 0 : i32
      %add3A_213 = arith.addi %mul3A_211, %add3A_212 : i32
      %dma_wait3A_214 = arith.constant 0 : i32
      %dma_wait3A_215 = arith.constant 0 : i32
      %dma_wait3A_216 = arith.constant 0 : i32
      %dma_wait3A_217 = arith.constant 0 : i32
      %dma_wait3A_218 = tpu.memref_slice %arg9[%dma_wait3A_215, %dma_wait3A_216, %dma_wait3A_217] : memref<2x128x128xf32, #tpu.memory_space<vmem>> -> memref<1x128x128xf32, #tpu.memory_space<vmem>>
      %dma_wait3A_219 = tpu.memref_squeeze %dma_wait3A_218 : memref<1x128x128xf32, #tpu.memory_space<vmem>> -> memref<128x128xf32, #tpu.memory_space<vmem>>
      %dma_wait3A_220 = arith.constant 0 : i32
      %dma_wait3A_221 = tpu.memref_slice %arg7[%dma_wait3A_214, %dma_wait3A_220] : memref<4x128xi32, #tpu.memory_space<vmem>> -> memref<1x128xi32, #tpu.memory_space<vmem>>
      %dma_wait3A_222 = tpu.memref_squeeze %dma_wait3A_221 : memref<1x128xi32, #tpu.memory_space<vmem>> -> memref<128xi32, #tpu.memory_space<vmem>>
      %dma_wait3A_223 = arith.constant 0 : i32
      %dma_wait3A_224 = arith.constant 0 : i32
      %dma_wait3A_225 = tpu.memref_slice %arg2[%dma_wait3A_223, %dma_wait3A_224] : memref<10240x128xf32, #tpu.memory_space<hbm>> -> memref<10240x128xf32, #tpu.memory_space<hbm>>
      tpu.wait_indirect_dma semaphore(%arg10 : memref<!tpu.dma_semaphore, #tpu.memory_space<semaphore_mem>>) src(%dma_wait3A_225 : memref<10240x128xf32, #tpu.memory_space<hbm>>) dst(%dma_wait3A_219 : memref<128x128xf32, #tpu.memory_space<vmem>>)
      %dma_wait3A_226 = arith.constant 0 : i32
      %dma_wait3A_227 = arith.constant 0 : i32
      %dma_wait3A_228 = arith.constant 0 : i32
      %dma_wait3A_229 = tpu.memref_slice %arg8[%dma_wait3A_227, %dma_wait3A_228] : memref<4x128xi32, #tpu.memory_space<vmem>> -> memref<1x128xi32, #tpu.memory_space<vmem>>
      %dma_wait3A_230 = tpu.memref_squeeze %dma_wait3A_229 : memref<1x128xi32, #tpu.memory_space<vmem>> -> memref<128xi32, #tpu.memory_space<vmem>>
      %dma_wait3A_231 = arith.constant 0 : i32
      %dma_wait3A_232 = tpu.memref_slice %arg4[%dma_wait3A_226, %dma_wait3A_231] : memref<2656x128xi32, #tpu.memory_space<hbm>> -> memref<1x128xi32, #tpu.memory_space<hbm>>
      %dma_wait3A_233 = tpu.memref_squeeze %dma_wait3A_232 : memref<1x128xi32, #tpu.memory_space<hbm>> -> memref<128xi32, #tpu.memory_space<hbm>>
      %dma_wait3A_234 = arith.constant 0 : i32
      %dma_wait3A_235 = tpu.memref_slice %arg8[%dma_wait3A_227, %dma_wait3A_234] : memref<4x128xi32, #tpu.memory_space<vmem>> -> memref<1x128xi32, #tpu.memory_space<vmem>>
      %dma_wait3A_236 = tpu.memref_squeeze %dma_wait3A_235 : memref<1x128xi32, #tpu.memory_space<vmem>> -> memref<128xi32, #tpu.memory_space<vmem>>
      %dma_wait3A_237 = arith.constant 0 : i32
      %dma_wait3A_238 = tpu.memref_slice %arg4[%dma_wait3A_226, %dma_wait3A_237] : memref<2656x128xi32, #tpu.memory_space<hbm>> -> memref<1x128xi32, #tpu.memory_space<hbm>>
      %dma_wait3A_239 = tpu.memref_squeeze %dma_wait3A_238 : memref<1x128xi32, #tpu.memory_space<hbm>> -> memref<128xi32, #tpu.memory_space<hbm>>
      tpu.wait_dma2 semaphore(%arg16 : memref<!tpu.dma_semaphore, #tpu.memory_space<semaphore_mem>>) src(%dma_wait3A_239 : memref<128xi32, #tpu.memory_space<hbm>>) dst(%dma_wait3A_236 : memref<128xi32, #tpu.memory_space<vmem>>)
      %run_scoped3A = arith.constant 0 : i32
      %run_scoped3A_240 = arith.constant 0 : i32
      "tpu.region"() ({
        %run_scoped3A_376 = tpu.sem_alloc : memref<!tpu.dma_semaphore, #tpu.memory_space<semaphore_mem>>
        %dma_start3A_377 = arith.constant 0 : i32
        %dma_start3A_378 = arith.constant 0 : i32
        %dma_start3A_379 = tpu.memref_slice %arg9[%run_scoped3A, %dma_start3A_377, %dma_start3A_378] : memref<2x128x128xf32, #tpu.memory_space<vmem>> -> memref<1x128x128xf32, #tpu.memory_space<vmem>>
        %dma_start3A_380 = tpu.memref_squeeze %dma_start3A_379 : memref<1x128x128xf32, #tpu.memory_space<vmem>> -> memref<128x128xf32, #tpu.memory_space<vmem>>
        %dma_start3A_381 = arith.constant 0 : i32
        %dma_start3A_382 = tpu.memref_slice %arg8[%run_scoped3A_240, %dma_start3A_381] : memref<4x128xi32, #tpu.memory_space<vmem>> -> memref<1x128xi32, #tpu.memory_space<vmem>>
        %dma_start3A_383 = tpu.memref_squeeze %dma_start3A_382 : memref<1x128xi32, #tpu.memory_space<vmem>> -> memref<128xi32, #tpu.memory_space<vmem>>
        %dma_start3A_384 = arith.constant 0 : i32
        %dma_start3A_385 = arith.constant 0 : i32
        %dma_start3A_386 = tpu.memref_slice %arg20[%dma_start3A_384, %dma_start3A_385] : memref<10112x128xf32, #tpu.memory_space<vmem_shared>> -> memref<10112x128xf32, #tpu.memory_space<vmem_shared>>
        tpu.enqueue_indirect_dma source(%dma_start3A_380 : memref<128x128xf32, #tpu.memory_space<vmem>>) target(%dma_start3A_386 : memref<10112x128xf32, #tpu.memory_space<vmem_shared>>) offsets(%dma_start3A_383 : memref<128xi32, #tpu.memory_space<vmem>>) semaphore(%run_scoped3A_376 : memref<!tpu.dma_semaphore, #tpu.memory_space<semaphore_mem>>) {add = true}
        %dma_wait3A_387 = arith.constant 0 : i32
        %dma_wait3A_388 = arith.constant 0 : i32
        %dma_wait3A_389 = tpu.memref_slice %arg9[%run_scoped3A, %dma_wait3A_387, %dma_wait3A_388] : memref<2x128x128xf32, #tpu.memory_space<vmem>> -> memref<1x128x128xf32, #tpu.memory_space<vmem>>
        %dma_wait3A_390 = tpu.memref_squeeze %dma_wait3A_389 : memref<1x128x128xf32, #tpu.memory_space<vmem>> -> memref<128x128xf32, #tpu.memory_space<vmem>>
        %dma_wait3A_391 = arith.constant 0 : i32
        %dma_wait3A_392 = tpu.memref_slice %arg8[%run_scoped3A_240, %dma_wait3A_391] : memref<4x128xi32, #tpu.memory_space<vmem>> -> memref<1x128xi32, #tpu.memory_space<vmem>>
        %dma_wait3A_393 = tpu.memref_squeeze %dma_wait3A_392 : memref<1x128xi32, #tpu.memory_space<vmem>> -> memref<128xi32, #tpu.memory_space<vmem>>
        %dma_wait3A_394 = arith.constant 0 : i32
        %dma_wait3A_395 = arith.constant 0 : i32
        %dma_wait3A_396 = tpu.memref_slice %arg20[%dma_wait3A_394, %dma_wait3A_395] : memref<10112x128xf32, #tpu.memory_space<vmem_shared>> -> memref<10112x128xf32, #tpu.memory_space<vmem_shared>>
        tpu.wait_indirect_dma semaphore(%run_scoped3A_376 : memref<!tpu.dma_semaphore, #tpu.memory_space<semaphore_mem>>) src(%dma_wait3A_390 : memref<128x128xf32, #tpu.memory_space<vmem>>) dst(%dma_wait3A_396 : memref<10112x128xf32, #tpu.memory_space<vmem_shared>>)
        tpu.yield
      }) : () -> ()
      %add3A_241 = arith.constant 4 : i32
      %add3A_242 = arith.addi %add3A_213, %add3A_241 : i32
      %lt3A = arith.cmpi slt, %add3A_242, %select_n3A_8 : i32
      %convert_element_type3A = arith.extui %lt3A : i1 to i32
      %cond3A = arith.constant 0 : i32
      %cond3A_243 = arith.cmpi ne, %convert_element_type3A, %cond3A : i32
      scf.if %cond3A_243 {
        %add3A_376 = arith.constant 4 : i32
        %add3A_377 = arith.addi %add3A_213, %add3A_376 : i32
        %add3A_378 = arith.addi %select_n3A, %add3A_377 : i32
        %dma_start3A_379 = arith.constant 0 : i32
        %dma_start3A_380 = arith.constant 0 : i32
        %dma_start3A_381 = tpu.memref_slice %arg7[%dma_start3A_379, %dma_start3A_380] : memref<4x128xi32, #tpu.memory_space<vmem>> -> memref<1x128xi32, #tpu.memory_space<vmem>>
        %dma_start3A_382 = tpu.memref_squeeze %dma_start3A_381 : memref<1x128xi32, #tpu.memory_space<vmem>> -> memref<128xi32, #tpu.memory_space<vmem>>
        %dma_start3A_383 = arith.constant 0 : i32
        %dma_start3A_384 = tpu.memref_slice %arg3[%add3A_378, %dma_start3A_383] : memref<2656x128xi32, #tpu.memory_space<hbm>> -> memref<1x128xi32, #tpu.memory_space<hbm>>
        %dma_start3A_385 = tpu.memref_squeeze %dma_start3A_384 : memref<1x128xi32, #tpu.memory_space<hbm>> -> memref<128xi32, #tpu.memory_space<hbm>>
        %dma_start3A_386 = arith.constant 0 : i32
        %dma_start3A_387 = tpu.memref_slice %arg7[%dma_start3A_379, %dma_start3A_386] : memref<4x128xi32, #tpu.memory_space<vmem>> -> memref<1x128xi32, #tpu.memory_space<vmem>>
        %dma_start3A_388 = tpu.memref_squeeze %dma_start3A_387 : memref<1x128xi32, #tpu.memory_space<vmem>> -> memref<128xi32, #tpu.memory_space<vmem>>
        %dma_start3A_389 = arith.constant 0 : i32
        %dma_start3A_390 = tpu.memref_slice %arg3[%add3A_378, %dma_start3A_389] : memref<2656x128xi32, #tpu.memory_space<hbm>> -> memref<1x128xi32, #tpu.memory_space<hbm>>
        %dma_start3A_391 = tpu.memref_squeeze %dma_start3A_390 : memref<1x128xi32, #tpu.memory_space<hbm>> -> memref<128xi32, #tpu.memory_space<hbm>>
        tpu.enqueue_dma source(%dma_start3A_391 : memref<128xi32, #tpu.memory_space<hbm>>) target(%dma_start3A_388 : memref<128xi32, #tpu.memory_space<vmem>>) target_semaphore(%arg12 : memref<!tpu.dma_semaphore, #tpu.memory_space<semaphore_mem>>)
        %add3A_392 = arith.addi %select_n3A, %add3A_377 : i32
        %dma_start3A_393 = arith.constant 0 : i32
        %dma_start3A_394 = arith.constant 0 : i32
        %dma_start3A_395 = tpu.memref_slice %arg8[%dma_start3A_393, %dma_start3A_394] : memref<4x128xi32, #tpu.memory_space<vmem>> -> memref<1x128xi32, #tpu.memory_space<vmem>>
        %dma_start3A_396 = tpu.memref_squeeze %dma_start3A_395 : memref<1x128xi32, #tpu.memory_space<vmem>> -> memref<128xi32, #tpu.memory_space<vmem>>
        %dma_start3A_397 = arith.constant 0 : i32
        %dma_start3A_398 = tpu.memref_slice %arg4[%add3A_392, %dma_start3A_397] : memref<2656x128xi32, #tpu.memory_space<hbm>> -> memref<1x128xi32, #tpu.memory_space<hbm>>
        %dma_start3A_399 = tpu.memref_squeeze %dma_start3A_398 : memref<1x128xi32, #tpu.memory_space<hbm>> -> memref<128xi32, #tpu.memory_space<hbm>>
        %dma_start3A_400 = arith.constant 0 : i32
        %dma_start3A_401 = tpu.memref_slice %arg8[%dma_start3A_393, %dma_start3A_400] : memref<4x128xi32, #tpu.memory_space<vmem>> -> memref<1x128xi32, #tpu.memory_space<vmem>>
        %dma_start3A_402 = tpu.memref_squeeze %dma_start3A_401 : memref<1x128xi32, #tpu.memory_space<vmem>> -> memref<128xi32, #tpu.memory_space<vmem>>
        %dma_start3A_403 = arith.constant 0 : i32
        %dma_start3A_404 = tpu.memref_slice %arg4[%add3A_392, %dma_start3A_403] : memref<2656x128xi32, #tpu.memory_space<hbm>> -> memref<1x128xi32, #tpu.memory_space<hbm>>
        %dma_start3A_405 = tpu.memref_squeeze %dma_start3A_404 : memref<1x128xi32, #tpu.memory_space<hbm>> -> memref<128xi32, #tpu.memory_space<hbm>>
        tpu.enqueue_dma source(%dma_start3A_405 : memref<128xi32, #tpu.memory_space<hbm>>) target(%dma_start3A_402 : memref<128xi32, #tpu.memory_space<vmem>>) target_semaphore(%arg16 : memref<!tpu.dma_semaphore, #tpu.memory_space<semaphore_mem>>)
      } else {
      }
      %add3A_244 = arith.constant 2 : i32
      %add3A_245 = arith.addi %add3A_213, %add3A_244 : i32
      %lt3A_246 = arith.cmpi slt, %add3A_245, %select_n3A_8 : i32
      %convert_element_type3A_247 = arith.extui %lt3A_246 : i1 to i32
      %cond3A_248 = arith.constant 0 : i32
      %cond3A_249 = arith.cmpi ne, %convert_element_type3A_247, %cond3A_248 : i32
      scf.if %cond3A_249 {
        %dma_wait3A_376 = arith.constant 0 : i32
        %dma_wait3A_377 = arith.constant 2 : i32
        %dma_wait3A_378 = arith.constant 0 : i32
        %dma_wait3A_379 = tpu.memref_slice %arg7[%dma_wait3A_377, %dma_wait3A_378] : memref<4x128xi32, #tpu.memory_space<vmem>> -> memref<1x128xi32, #tpu.memory_space<vmem>>
        %dma_wait3A_380 = tpu.memref_squeeze %dma_wait3A_379 : memref<1x128xi32, #tpu.memory_space<vmem>> -> memref<128xi32, #tpu.memory_space<vmem>>
        %dma_wait3A_381 = arith.constant 0 : i32
        %dma_wait3A_382 = tpu.memref_slice %arg3[%dma_wait3A_376, %dma_wait3A_381] : memref<2656x128xi32, #tpu.memory_space<hbm>> -> memref<1x128xi32, #tpu.memory_space<hbm>>
        %dma_wait3A_383 = tpu.memref_squeeze %dma_wait3A_382 : memref<1x128xi32, #tpu.memory_space<hbm>> -> memref<128xi32, #tpu.memory_space<hbm>>
        %dma_wait3A_384 = arith.constant 0 : i32
        %dma_wait3A_385 = tpu.memref_slice %arg7[%dma_wait3A_377, %dma_wait3A_384] : memref<4x128xi32, #tpu.memory_space<vmem>> -> memref<1x128xi32, #tpu.memory_space<vmem>>
        %dma_wait3A_386 = tpu.memref_squeeze %dma_wait3A_385 : memref<1x128xi32, #tpu.memory_space<vmem>> -> memref<128xi32, #tpu.memory_space<vmem>>
        %dma_wait3A_387 = arith.constant 0 : i32
        %dma_wait3A_388 = tpu.memref_slice %arg3[%dma_wait3A_376, %dma_wait3A_387] : memref<2656x128xi32, #tpu.memory_space<hbm>> -> memref<1x128xi32, #tpu.memory_space<hbm>>
        %dma_wait3A_389 = tpu.memref_squeeze %dma_wait3A_388 : memref<1x128xi32, #tpu.memory_space<hbm>> -> memref<128xi32, #tpu.memory_space<hbm>>
        tpu.wait_dma2 semaphore(%arg14 : memref<!tpu.dma_semaphore, #tpu.memory_space<semaphore_mem>>) src(%dma_wait3A_389 : memref<128xi32, #tpu.memory_space<hbm>>) dst(%dma_wait3A_386 : memref<128xi32, #tpu.memory_space<vmem>>)
        %dma_start3A_390 = arith.constant 2 : i32
        %dma_start3A_391 = arith.constant 0 : i32
        %dma_start3A_392 = arith.constant 0 : i32
        %dma_start3A_393 = arith.constant 0 : i32
        %dma_start3A_394 = tpu.memref_slice %arg9[%dma_start3A_391, %dma_start3A_392, %dma_start3A_393] : memref<2x128x128xf32, #tpu.memory_space<vmem>> -> memref<1x128x128xf32, #tpu.memory_space<vmem>>
        %dma_start3A_395 = tpu.memref_squeeze %dma_start3A_394 : memref<1x128x128xf32, #tpu.memory_space<vmem>> -> memref<128x128xf32, #tpu.memory_space<vmem>>
        %dma_start3A_396 = arith.constant 0 : i32
        %dma_start3A_397 = tpu.memref_slice %arg7[%dma_start3A_390, %dma_start3A_396] : memref<4x128xi32, #tpu.memory_space<vmem>> -> memref<1x128xi32, #tpu.memory_space<vmem>>
        %dma_start3A_398 = tpu.memref_squeeze %dma_start3A_397 : memref<1x128xi32, #tpu.memory_space<vmem>> -> memref<128xi32, #tpu.memory_space<vmem>>
        %dma_start3A_399 = arith.constant 0 : i32
        %dma_start3A_400 = arith.constant 0 : i32
        %dma_start3A_401 = tpu.memref_slice %arg2[%dma_start3A_399, %dma_start3A_400] : memref<10240x128xf32, #tpu.memory_space<hbm>> -> memref<10240x128xf32, #tpu.memory_space<hbm>>
        tpu.enqueue_indirect_dma source(%dma_start3A_401 : memref<10240x128xf32, #tpu.memory_space<hbm>>) target(%dma_start3A_395 : memref<128x128xf32, #tpu.memory_space<vmem>>) offsets(%dma_start3A_398 : memref<128xi32, #tpu.memory_space<vmem>>) semaphore(%arg10 : memref<!tpu.dma_semaphore, #tpu.memory_space<semaphore_mem>>)
      } else {
      }
      %add3A_250 = arith.constant 1 : i32
      %add3A_251 = arith.addi %mul3A_211, %add3A_250 : i32
      %dma_wait3A_252 = arith.constant 1 : i32
      %dma_wait3A_253 = arith.constant 1 : i32
      %dma_wait3A_254 = arith.constant 0 : i32
      %dma_wait3A_255 = arith.constant 0 : i32
      %dma_wait3A_256 = tpu.memref_slice %arg9[%dma_wait3A_253, %dma_wait3A_254, %dma_wait3A_255] : memref<2x128x128xf32, #tpu.memory_space<vmem>> -> memref<1x128x128xf32, #tpu.memory_space<vmem>>
      %dma_wait3A_257 = tpu.memref_squeeze %dma_wait3A_256 : memref<1x128x128xf32, #tpu.memory_space<vmem>> -> memref<128x128xf32, #tpu.memory_space<vmem>>
      %dma_wait3A_258 = arith.constant 0 : i32
      %dma_wait3A_259 = tpu.memref_slice %arg7[%dma_wait3A_252, %dma_wait3A_258] : memref<4x128xi32, #tpu.memory_space<vmem>> -> memref<1x128xi32, #tpu.memory_space<vmem>>
      %dma_wait3A_260 = tpu.memref_squeeze %dma_wait3A_259 : memref<1x128xi32, #tpu.memory_space<vmem>> -> memref<128xi32, #tpu.memory_space<vmem>>
      %dma_wait3A_261 = arith.constant 0 : i32
      %dma_wait3A_262 = arith.constant 0 : i32
      %dma_wait3A_263 = tpu.memref_slice %arg2[%dma_wait3A_261, %dma_wait3A_262] : memref<10240x128xf32, #tpu.memory_space<hbm>> -> memref<10240x128xf32, #tpu.memory_space<hbm>>
      tpu.wait_indirect_dma semaphore(%arg11 : memref<!tpu.dma_semaphore, #tpu.memory_space<semaphore_mem>>) src(%dma_wait3A_263 : memref<10240x128xf32, #tpu.memory_space<hbm>>) dst(%dma_wait3A_257 : memref<128x128xf32, #tpu.memory_space<vmem>>)
      %dma_wait3A_264 = arith.constant 0 : i32
      %dma_wait3A_265 = arith.constant 1 : i32
      %dma_wait3A_266 = arith.constant 0 : i32
      %dma_wait3A_267 = tpu.memref_slice %arg8[%dma_wait3A_265, %dma_wait3A_266] : memref<4x128xi32, #tpu.memory_space<vmem>> -> memref<1x128xi32, #tpu.memory_space<vmem>>
      %dma_wait3A_268 = tpu.memref_squeeze %dma_wait3A_267 : memref<1x128xi32, #tpu.memory_space<vmem>> -> memref<128xi32, #tpu.memory_space<vmem>>
      %dma_wait3A_269 = arith.constant 0 : i32
      %dma_wait3A_270 = tpu.memref_slice %arg4[%dma_wait3A_264, %dma_wait3A_269] : memref<2656x128xi32, #tpu.memory_space<hbm>> -> memref<1x128xi32, #tpu.memory_space<hbm>>
      %dma_wait3A_271 = tpu.memref_squeeze %dma_wait3A_270 : memref<1x128xi32, #tpu.memory_space<hbm>> -> memref<128xi32, #tpu.memory_space<hbm>>
      %dma_wait3A_272 = arith.constant 0 : i32
      %dma_wait3A_273 = tpu.memref_slice %arg8[%dma_wait3A_265, %dma_wait3A_272] : memref<4x128xi32, #tpu.memory_space<vmem>> -> memref<1x128xi32, #tpu.memory_space<vmem>>
      %dma_wait3A_274 = tpu.memref_squeeze %dma_wait3A_273 : memref<1x128xi32, #tpu.memory_space<vmem>> -> memref<128xi32, #tpu.memory_space<vmem>>
      %dma_wait3A_275 = arith.constant 0 : i32
      %dma_wait3A_276 = tpu.memref_slice %arg4[%dma_wait3A_264, %dma_wait3A_275] : memref<2656x128xi32, #tpu.memory_space<hbm>> -> memref<1x128xi32, #tpu.memory_space<hbm>>
      %dma_wait3A_277 = tpu.memref_squeeze %dma_wait3A_276 : memref<1x128xi32, #tpu.memory_space<hbm>> -> memref<128xi32, #tpu.memory_space<hbm>>
      tpu.wait_dma2 semaphore(%arg17 : memref<!tpu.dma_semaphore, #tpu.memory_space<semaphore_mem>>) src(%dma_wait3A_277 : memref<128xi32, #tpu.memory_space<hbm>>) dst(%dma_wait3A_274 : memref<128xi32, #tpu.memory_space<vmem>>)
      %run_scoped3A_278 = arith.constant 1 : i32
      %run_scoped3A_279 = arith.constant 1 : i32
      "tpu.region"() ({
        %run_scoped3A_376 = tpu.sem_alloc : memref<!tpu.dma_semaphore, #tpu.memory_space<semaphore_mem>>
        %dma_start3A_377 = arith.constant 0 : i32
        %dma_start3A_378 = arith.constant 0 : i32
        %dma_start3A_379 = tpu.memref_slice %arg9[%run_scoped3A_278, %dma_start3A_377, %dma_start3A_378] : memref<2x128x128xf32, #tpu.memory_space<vmem>> -> memref<1x128x128xf32, #tpu.memory_space<vmem>>
        %dma_start3A_380 = tpu.memref_squeeze %dma_start3A_379 : memref<1x128x128xf32, #tpu.memory_space<vmem>> -> memref<128x128xf32, #tpu.memory_space<vmem>>
        %dma_start3A_381 = arith.constant 0 : i32
        %dma_start3A_382 = tpu.memref_slice %arg8[%run_scoped3A_279, %dma_start3A_381] : memref<4x128xi32, #tpu.memory_space<vmem>> -> memref<1x128xi32, #tpu.memory_space<vmem>>
        %dma_start3A_383 = tpu.memref_squeeze %dma_start3A_382 : memref<1x128xi32, #tpu.memory_space<vmem>> -> memref<128xi32, #tpu.memory_space<vmem>>
        %dma_start3A_384 = arith.constant 0 : i32
        %dma_start3A_385 = arith.constant 0 : i32
        %dma_start3A_386 = tpu.memref_slice %arg20[%dma_start3A_384, %dma_start3A_385] : memref<10112x128xf32, #tpu.memory_space<vmem_shared>> -> memref<10112x128xf32, #tpu.memory_space<vmem_shared>>
        tpu.enqueue_indirect_dma source(%dma_start3A_380 : memref<128x128xf32, #tpu.memory_space<vmem>>) target(%dma_start3A_386 : memref<10112x128xf32, #tpu.memory_space<vmem_shared>>) offsets(%dma_start3A_383 : memref<128xi32, #tpu.memory_space<vmem>>) semaphore(%run_scoped3A_376 : memref<!tpu.dma_semaphore, #tpu.memory_space<semaphore_mem>>) {add = true}
        %dma_wait3A_387 = arith.constant 0 : i32
        %dma_wait3A_388 = arith.constant 0 : i32
        %dma_wait3A_389 = tpu.memref_slice %arg9[%run_scoped3A_278, %dma_wait3A_387, %dma_wait3A_388] : memref<2x128x128xf32, #tpu.memory_space<vmem>> -> memref<1x128x128xf32, #tpu.memory_space<vmem>>
        %dma_wait3A_390 = tpu.memref_squeeze %dma_wait3A_389 : memref<1x128x128xf32, #tpu.memory_space<vmem>> -> memref<128x128xf32, #tpu.memory_space<vmem>>
        %dma_wait3A_391 = arith.constant 0 : i32
        %dma_wait3A_392 = tpu.memref_slice %arg8[%run_scoped3A_279, %dma_wait3A_391] : memref<4x128xi32, #tpu.memory_space<vmem>> -> memref<1x128xi32, #tpu.memory_space<vmem>>
        %dma_wait3A_393 = tpu.memref_squeeze %dma_wait3A_392 : memref<1x128xi32, #tpu.memory_space<vmem>> -> memref<128xi32, #tpu.memory_space<vmem>>
        %dma_wait3A_394 = arith.constant 0 : i32
        %dma_wait3A_395 = arith.constant 0 : i32
        %dma_wait3A_396 = tpu.memref_slice %arg20[%dma_wait3A_394, %dma_wait3A_395] : memref<10112x128xf32, #tpu.memory_space<vmem_shared>> -> memref<10112x128xf32, #tpu.memory_space<vmem_shared>>
        tpu.wait_indirect_dma semaphore(%run_scoped3A_376 : memref<!tpu.dma_semaphore, #tpu.memory_space<semaphore_mem>>) src(%dma_wait3A_390 : memref<128x128xf32, #tpu.memory_space<vmem>>) dst(%dma_wait3A_396 : memref<10112x128xf32, #tpu.memory_space<vmem_shared>>)
        tpu.yield
      }) : () -> ()
      %add3A_280 = arith.constant 4 : i32
      %add3A_281 = arith.addi %add3A_251, %add3A_280 : i32
      %lt3A_282 = arith.cmpi slt, %add3A_281, %select_n3A_8 : i32
      %convert_element_type3A_283 = arith.extui %lt3A_282 : i1 to i32
      %cond3A_284 = arith.constant 0 : i32
      %cond3A_285 = arith.cmpi ne, %convert_element_type3A_283, %cond3A_284 : i32
      scf.if %cond3A_285 {
        %add3A_376 = arith.constant 4 : i32
        %add3A_377 = arith.addi %add3A_251, %add3A_376 : i32
        %add3A_378 = arith.addi %select_n3A, %add3A_377 : i32
        %dma_start3A_379 = arith.constant 1 : i32
        %dma_start3A_380 = arith.constant 0 : i32
        %dma_start3A_381 = tpu.memref_slice %arg7[%dma_start3A_379, %dma_start3A_380] : memref<4x128xi32, #tpu.memory_space<vmem>> -> memref<1x128xi32, #tpu.memory_space<vmem>>
        %dma_start3A_382 = tpu.memref_squeeze %dma_start3A_381 : memref<1x128xi32, #tpu.memory_space<vmem>> -> memref<128xi32, #tpu.memory_space<vmem>>
        %dma_start3A_383 = arith.constant 0 : i32
        %dma_start3A_384 = tpu.memref_slice %arg3[%add3A_378, %dma_start3A_383] : memref<2656x128xi32, #tpu.memory_space<hbm>> -> memref<1x128xi32, #tpu.memory_space<hbm>>
        %dma_start3A_385 = tpu.memref_squeeze %dma_start3A_384 : memref<1x128xi32, #tpu.memory_space<hbm>> -> memref<128xi32, #tpu.memory_space<hbm>>
        %dma_start3A_386 = arith.constant 0 : i32
        %dma_start3A_387 = tpu.memref_slice %arg7[%dma_start3A_379, %dma_start3A_386] : memref<4x128xi32, #tpu.memory_space<vmem>> -> memref<1x128xi32, #tpu.memory_space<vmem>>
        %dma_start3A_388 = tpu.memref_squeeze %dma_start3A_387 : memref<1x128xi32, #tpu.memory_space<vmem>> -> memref<128xi32, #tpu.memory_space<vmem>>
        %dma_start3A_389 = arith.constant 0 : i32
        %dma_start3A_390 = tpu.memref_slice %arg3[%add3A_378, %dma_start3A_389] : memref<2656x128xi32, #tpu.memory_space<hbm>> -> memref<1x128xi32, #tpu.memory_space<hbm>>
        %dma_start3A_391 = tpu.memref_squeeze %dma_start3A_390 : memref<1x128xi32, #tpu.memory_space<hbm>> -> memref<128xi32, #tpu.memory_space<hbm>>
        tpu.enqueue_dma source(%dma_start3A_391 : memref<128xi32, #tpu.memory_space<hbm>>) target(%dma_start3A_388 : memref<128xi32, #tpu.memory_space<vmem>>) target_semaphore(%arg13 : memref<!tpu.dma_semaphore, #tpu.memory_space<semaphore_mem>>)
        %add3A_392 = arith.addi %select_n3A, %add3A_377 : i32
        %dma_start3A_393 = arith.constant 1 : i32
        %dma_start3A_394 = arith.constant 0 : i32
        %dma_start3A_395 = tpu.memref_slice %arg8[%dma_start3A_393, %dma_start3A_394] : memref<4x128xi32, #tpu.memory_space<vmem>> -> memref<1x128xi32, #tpu.memory_space<vmem>>
        %dma_start3A_396 = tpu.memref_squeeze %dma_start3A_395 : memref<1x128xi32, #tpu.memory_space<vmem>> -> memref<128xi32, #tpu.memory_space<vmem>>
        %dma_start3A_397 = arith.constant 0 : i32
        %dma_start3A_398 = tpu.memref_slice %arg4[%add3A_392, %dma_start3A_397] : memref<2656x128xi32, #tpu.memory_space<hbm>> -> memref<1x128xi32, #tpu.memory_space<hbm>>
        %dma_start3A_399 = tpu.memref_squeeze %dma_start3A_398 : memref<1x128xi32, #tpu.memory_space<hbm>> -> memref<128xi32, #tpu.memory_space<hbm>>
        %dma_start3A_400 = arith.constant 0 : i32
        %dma_start3A_401 = tpu.memref_slice %arg8[%dma_start3A_393, %dma_start3A_400] : memref<4x128xi32, #tpu.memory_space<vmem>> -> memref<1x128xi32, #tpu.memory_space<vmem>>
        %dma_start3A_402 = tpu.memref_squeeze %dma_start3A_401 : memref<1x128xi32, #tpu.memory_space<vmem>> -> memref<128xi32, #tpu.memory_space<vmem>>
        %dma_start3A_403 = arith.constant 0 : i32
        %dma_start3A_404 = tpu.memref_slice %arg4[%add3A_392, %dma_start3A_403] : memref<2656x128xi32, #tpu.memory_space<hbm>> -> memref<1x128xi32, #tpu.memory_space<hbm>>
        %dma_start3A_405 = tpu.memref_squeeze %dma_start3A_404 : memref<1x128xi32, #tpu.memory_space<hbm>> -> memref<128xi32, #tpu.memory_space<hbm>>
        tpu.enqueue_dma source(%dma_start3A_405 : memref<128xi32, #tpu.memory_space<hbm>>) target(%dma_start3A_402 : memref<128xi32, #tpu.memory_space<vmem>>) target_semaphore(%arg17 : memref<!tpu.dma_semaphore, #tpu.memory_space<semaphore_mem>>)
      } else {
      }
      %add3A_286 = arith.constant 2 : i32
      %add3A_287 = arith.addi %add3A_251, %add3A_286 : i32
      %lt3A_288 = arith.cmpi slt, %add3A_287, %select_n3A_8 : i32
      %convert_element_type3A_289 = arith.extui %lt3A_288 : i1 to i32
      %cond3A_290 = arith.constant 0 : i32
      %cond3A_291 = arith.cmpi ne, %convert_element_type3A_289, %cond3A_290 : i32
      scf.if %cond3A_291 {
        %dma_wait3A_376 = arith.constant 0 : i32
        %dma_wait3A_377 = arith.constant 3 : i32
        %dma_wait3A_378 = arith.constant 0 : i32
        %dma_wait3A_379 = tpu.memref_slice %arg7[%dma_wait3A_377, %dma_wait3A_378] : memref<4x128xi32, #tpu.memory_space<vmem>> -> memref<1x128xi32, #tpu.memory_space<vmem>>
        %dma_wait3A_380 = tpu.memref_squeeze %dma_wait3A_379 : memref<1x128xi32, #tpu.memory_space<vmem>> -> memref<128xi32, #tpu.memory_space<vmem>>
        %dma_wait3A_381 = arith.constant 0 : i32
        %dma_wait3A_382 = tpu.memref_slice %arg3[%dma_wait3A_376, %dma_wait3A_381] : memref<2656x128xi32, #tpu.memory_space<hbm>> -> memref<1x128xi32, #tpu.memory_space<hbm>>
        %dma_wait3A_383 = tpu.memref_squeeze %dma_wait3A_382 : memref<1x128xi32, #tpu.memory_space<hbm>> -> memref<128xi32, #tpu.memory_space<hbm>>
        %dma_wait3A_384 = arith.constant 0 : i32
        %dma_wait3A_385 = tpu.memref_slice %arg7[%dma_wait3A_377, %dma_wait3A_384] : memref<4x128xi32, #tpu.memory_space<vmem>> -> memref<1x128xi32, #tpu.memory_space<vmem>>
        %dma_wait3A_386 = tpu.memref_squeeze %dma_wait3A_385 : memref<1x128xi32, #tpu.memory_space<vmem>> -> memref<128xi32, #tpu.memory_space<vmem>>
        %dma_wait3A_387 = arith.constant 0 : i32
        %dma_wait3A_388 = tpu.memref_slice %arg3[%dma_wait3A_376, %dma_wait3A_387] : memref<2656x128xi32, #tpu.memory_space<hbm>> -> memref<1x128xi32, #tpu.memory_space<hbm>>
        %dma_wait3A_389 = tpu.memref_squeeze %dma_wait3A_388 : memref<1x128xi32, #tpu.memory_space<hbm>> -> memref<128xi32, #tpu.memory_space<hbm>>
        tpu.wait_dma2 semaphore(%arg15 : memref<!tpu.dma_semaphore, #tpu.memory_space<semaphore_mem>>) src(%dma_wait3A_389 : memref<128xi32, #tpu.memory_space<hbm>>) dst(%dma_wait3A_386 : memref<128xi32, #tpu.memory_space<vmem>>)
        %dma_start3A_390 = arith.constant 3 : i32
        %dma_start3A_391 = arith.constant 1 : i32
        %dma_start3A_392 = arith.constant 0 : i32
        %dma_start3A_393 = arith.constant 0 : i32
        %dma_start3A_394 = tpu.memref_slice %arg9[%dma_start3A_391, %dma_start3A_392, %dma_start3A_393] : memref<2x128x128xf32, #tpu.memory_space<vmem>> -> memref<1x128x128xf32, #tpu.memory_space<vmem>>
        %dma_start3A_395 = tpu.memref_squeeze %dma_start3A_394 : memref<1x128x128xf32, #tpu.memory_space<vmem>> -> memref<128x128xf32, #tpu.memory_space<vmem>>
        %dma_start3A_396 = arith.constant 0 : i32
        %dma_start3A_397 = tpu.memref_slice %arg7[%dma_start3A_390, %dma_start3A_396] : memref<4x128xi32, #tpu.memory_space<vmem>> -> memref<1x128xi32, #tpu.memory_space<vmem>>
        %dma_start3A_398 = tpu.memref_squeeze %dma_start3A_397 : memref<1x128xi32, #tpu.memory_space<vmem>> -> memref<128xi32, #tpu.memory_space<vmem>>
        %dma_start3A_399 = arith.constant 0 : i32
        %dma_start3A_400 = arith.constant 0 : i32
        %dma_start3A_401 = tpu.memref_slice %arg2[%dma_start3A_399, %dma_start3A_400] : memref<10240x128xf32, #tpu.memory_space<hbm>> -> memref<10240x128xf32, #tpu.memory_space<hbm>>
        tpu.enqueue_indirect_dma source(%dma_start3A_401 : memref<10240x128xf32, #tpu.memory_space<hbm>>) target(%dma_start3A_395 : memref<128x128xf32, #tpu.memory_space<vmem>>) offsets(%dma_start3A_398 : memref<128xi32, #tpu.memory_space<vmem>>) semaphore(%arg11 : memref<!tpu.dma_semaphore, #tpu.memory_space<semaphore_mem>>)
      } else {
      }
      %add3A_292 = arith.constant 2 : i32
      %add3A_293 = arith.addi %mul3A_211, %add3A_292 : i32
      %dma_wait3A_294 = arith.constant 2 : i32
      %dma_wait3A_295 = arith.constant 0 : i32
      %dma_wait3A_296 = arith.constant 0 : i32
      %dma_wait3A_297 = arith.constant 0 : i32
      %dma_wait3A_298 = tpu.memref_slice %arg9[%dma_wait3A_295, %dma_wait3A_296, %dma_wait3A_297] : memref<2x128x128xf32, #tpu.memory_space<vmem>> -> memref<1x128x128xf32, #tpu.memory_space<vmem>>
      %dma_wait3A_299 = tpu.memref_squeeze %dma_wait3A_298 : memref<1x128x128xf32, #tpu.memory_space<vmem>> -> memref<128x128xf32, #tpu.memory_space<vmem>>
      %dma_wait3A_300 = arith.constant 0 : i32
      %dma_wait3A_301 = tpu.memref_slice %arg7[%dma_wait3A_294, %dma_wait3A_300] : memref<4x128xi32, #tpu.memory_space<vmem>> -> memref<1x128xi32, #tpu.memory_space<vmem>>
      %dma_wait3A_302 = tpu.memref_squeeze %dma_wait3A_301 : memref<1x128xi32, #tpu.memory_space<vmem>> -> memref<128xi32, #tpu.memory_space<vmem>>
      %dma_wait3A_303 = arith.constant 0 : i32
      %dma_wait3A_304 = arith.constant 0 : i32
      %dma_wait3A_305 = tpu.memref_slice %arg2[%dma_wait3A_303, %dma_wait3A_304] : memref<10240x128xf32, #tpu.memory_space<hbm>> -> memref<10240x128xf32, #tpu.memory_space<hbm>>
      tpu.wait_indirect_dma semaphore(%arg10 : memref<!tpu.dma_semaphore, #tpu.memory_space<semaphore_mem>>) src(%dma_wait3A_305 : memref<10240x128xf32, #tpu.memory_space<hbm>>) dst(%dma_wait3A_299 : memref<128x128xf32, #tpu.memory_space<vmem>>)
      %dma_wait3A_306 = arith.constant 0 : i32
      %dma_wait3A_307 = arith.constant 2 : i32
      %dma_wait3A_308 = arith.constant 0 : i32
      %dma_wait3A_309 = tpu.memref_slice %arg8[%dma_wait3A_307, %dma_wait3A_308] : memref<4x128xi32, #tpu.memory_space<vmem>> -> memref<1x128xi32, #tpu.memory_space<vmem>>
      %dma_wait3A_310 = tpu.memref_squeeze %dma_wait3A_309 : memref<1x128xi32, #tpu.memory_space<vmem>> -> memref<128xi32, #tpu.memory_space<vmem>>
      %dma_wait3A_311 = arith.constant 0 : i32
      %dma_wait3A_312 = tpu.memref_slice %arg4[%dma_wait3A_306, %dma_wait3A_311] : memref<2656x128xi32, #tpu.memory_space<hbm>> -> memref<1x128xi32, #tpu.memory_space<hbm>>
      %dma_wait3A_313 = tpu.memref_squeeze %dma_wait3A_312 : memref<1x128xi32, #tpu.memory_space<hbm>> -> memref<128xi32, #tpu.memory_space<hbm>>
      %dma_wait3A_314 = arith.constant 0 : i32
      %dma_wait3A_315 = tpu.memref_slice %arg8[%dma_wait3A_307, %dma_wait3A_314] : memref<4x128xi32, #tpu.memory_space<vmem>> -> memref<1x128xi32, #tpu.memory_space<vmem>>
      %dma_wait3A_316 = tpu.memref_squeeze %dma_wait3A_315 : memref<1x128xi32, #tpu.memory_space<vmem>> -> memref<128xi32, #tpu.memory_space<vmem>>
      %dma_wait3A_317 = arith.constant 0 : i32
      %dma_wait3A_318 = tpu.memref_slice %arg4[%dma_wait3A_306, %dma_wait3A_317] : memref<2656x128xi32, #tpu.memory_space<hbm>> -> memref<1x128xi32, #tpu.memory_space<hbm>>
      %dma_wait3A_319 = tpu.memref_squeeze %dma_wait3A_318 : memref<1x128xi32, #tpu.memory_space<hbm>> -> memref<128xi32, #tpu.memory_space<hbm>>
      tpu.wait_dma2 semaphore(%arg18 : memref<!tpu.dma_semaphore, #tpu.memory_space<semaphore_mem>>) src(%dma_wait3A_319 : memref<128xi32, #tpu.memory_space<hbm>>) dst(%dma_wait3A_316 : memref<128xi32, #tpu.memory_space<vmem>>)
      %run_scoped3A_320 = arith.constant 0 : i32
      %run_scoped3A_321 = arith.constant 2 : i32
      "tpu.region"() ({
        %run_scoped3A_376 = tpu.sem_alloc : memref<!tpu.dma_semaphore, #tpu.memory_space<semaphore_mem>>
        %dma_start3A_377 = arith.constant 0 : i32
        %dma_start3A_378 = arith.constant 0 : i32
        %dma_start3A_379 = tpu.memref_slice %arg9[%run_scoped3A_320, %dma_start3A_377, %dma_start3A_378] : memref<2x128x128xf32, #tpu.memory_space<vmem>> -> memref<1x128x128xf32, #tpu.memory_space<vmem>>
        %dma_start3A_380 = tpu.memref_squeeze %dma_start3A_379 : memref<1x128x128xf32, #tpu.memory_space<vmem>> -> memref<128x128xf32, #tpu.memory_space<vmem>>
        %dma_start3A_381 = arith.constant 0 : i32
        %dma_start3A_382 = tpu.memref_slice %arg8[%run_scoped3A_321, %dma_start3A_381] : memref<4x128xi32, #tpu.memory_space<vmem>> -> memref<1x128xi32, #tpu.memory_space<vmem>>
        %dma_start3A_383 = tpu.memref_squeeze %dma_start3A_382 : memref<1x128xi32, #tpu.memory_space<vmem>> -> memref<128xi32, #tpu.memory_space<vmem>>
        %dma_start3A_384 = arith.constant 0 : i32
        %dma_start3A_385 = arith.constant 0 : i32
        %dma_start3A_386 = tpu.memref_slice %arg20[%dma_start3A_384, %dma_start3A_385] : memref<10112x128xf32, #tpu.memory_space<vmem_shared>> -> memref<10112x128xf32, #tpu.memory_space<vmem_shared>>
        tpu.enqueue_indirect_dma source(%dma_start3A_380 : memref<128x128xf32, #tpu.memory_space<vmem>>) target(%dma_start3A_386 : memref<10112x128xf32, #tpu.memory_space<vmem_shared>>) offsets(%dma_start3A_383 : memref<128xi32, #tpu.memory_space<vmem>>) semaphore(%run_scoped3A_376 : memref<!tpu.dma_semaphore, #tpu.memory_space<semaphore_mem>>) {add = true}
        %dma_wait3A_387 = arith.constant 0 : i32
        %dma_wait3A_388 = arith.constant 0 : i32
        %dma_wait3A_389 = tpu.memref_slice %arg9[%run_scoped3A_320, %dma_wait3A_387, %dma_wait3A_388] : memref<2x128x128xf32, #tpu.memory_space<vmem>> -> memref<1x128x128xf32, #tpu.memory_space<vmem>>
        %dma_wait3A_390 = tpu.memref_squeeze %dma_wait3A_389 : memref<1x128x128xf32, #tpu.memory_space<vmem>> -> memref<128x128xf32, #tpu.memory_space<vmem>>
        %dma_wait3A_391 = arith.constant 0 : i32
        %dma_wait3A_392 = tpu.memref_slice %arg8[%run_scoped3A_321, %dma_wait3A_391] : memref<4x128xi32, #tpu.memory_space<vmem>> -> memref<1x128xi32, #tpu.memory_space<vmem>>
        %dma_wait3A_393 = tpu.memref_squeeze %dma_wait3A_392 : memref<1x128xi32, #tpu.memory_space<vmem>> -> memref<128xi32, #tpu.memory_space<vmem>>
        %dma_wait3A_394 = arith.constant 0 : i32
        %dma_wait3A_395 = arith.constant 0 : i32
        %dma_wait3A_396 = tpu.memref_slice %arg20[%dma_wait3A_394, %dma_wait3A_395] : memref<10112x128xf32, #tpu.memory_space<vmem_shared>> -> memref<10112x128xf32, #tpu.memory_space<vmem_shared>>
        tpu.wait_indirect_dma semaphore(%run_scoped3A_376 : memref<!tpu.dma_semaphore, #tpu.memory_space<semaphore_mem>>) src(%dma_wait3A_390 : memref<128x128xf32, #tpu.memory_space<vmem>>) dst(%dma_wait3A_396 : memref<10112x128xf32, #tpu.memory_space<vmem_shared>>)
        tpu.yield
      }) : () -> ()
      %add3A_322 = arith.constant 4 : i32
      %add3A_323 = arith.addi %add3A_293, %add3A_322 : i32
      %lt3A_324 = arith.cmpi slt, %add3A_323, %select_n3A_8 : i32
      %convert_element_type3A_325 = arith.extui %lt3A_324 : i1 to i32
      %cond3A_326 = arith.constant 0 : i32
      %cond3A_327 = arith.cmpi ne, %convert_element_type3A_325, %cond3A_326 : i32
      scf.if %cond3A_327 {
        %add3A_376 = arith.constant 4 : i32
        %add3A_377 = arith.addi %add3A_293, %add3A_376 : i32
        %add3A_378 = arith.addi %select_n3A, %add3A_377 : i32
        %dma_start3A_379 = arith.constant 2 : i32
        %dma_start3A_380 = arith.constant 0 : i32
        %dma_start3A_381 = tpu.memref_slice %arg7[%dma_start3A_379, %dma_start3A_380] : memref<4x128xi32, #tpu.memory_space<vmem>> -> memref<1x128xi32, #tpu.memory_space<vmem>>
        %dma_start3A_382 = tpu.memref_squeeze %dma_start3A_381 : memref<1x128xi32, #tpu.memory_space<vmem>> -> memref<128xi32, #tpu.memory_space<vmem>>
        %dma_start3A_383 = arith.constant 0 : i32
        %dma_start3A_384 = tpu.memref_slice %arg3[%add3A_378, %dma_start3A_383] : memref<2656x128xi32, #tpu.memory_space<hbm>> -> memref<1x128xi32, #tpu.memory_space<hbm>>
        %dma_start3A_385 = tpu.memref_squeeze %dma_start3A_384 : memref<1x128xi32, #tpu.memory_space<hbm>> -> memref<128xi32, #tpu.memory_space<hbm>>
        %dma_start3A_386 = arith.constant 0 : i32
        %dma_start3A_387 = tpu.memref_slice %arg7[%dma_start3A_379, %dma_start3A_386] : memref<4x128xi32, #tpu.memory_space<vmem>> -> memref<1x128xi32, #tpu.memory_space<vmem>>
        %dma_start3A_388 = tpu.memref_squeeze %dma_start3A_387 : memref<1x128xi32, #tpu.memory_space<vmem>> -> memref<128xi32, #tpu.memory_space<vmem>>
        %dma_start3A_389 = arith.constant 0 : i32
        %dma_start3A_390 = tpu.memref_slice %arg3[%add3A_378, %dma_start3A_389] : memref<2656x128xi32, #tpu.memory_space<hbm>> -> memref<1x128xi32, #tpu.memory_space<hbm>>
        %dma_start3A_391 = tpu.memref_squeeze %dma_start3A_390 : memref<1x128xi32, #tpu.memory_space<hbm>> -> memref<128xi32, #tpu.memory_space<hbm>>
        tpu.enqueue_dma source(%dma_start3A_391 : memref<128xi32, #tpu.memory_space<hbm>>) target(%dma_start3A_388 : memref<128xi32, #tpu.memory_space<vmem>>) target_semaphore(%arg14 : memref<!tpu.dma_semaphore, #tpu.memory_space<semaphore_mem>>)
        %add3A_392 = arith.addi %select_n3A, %add3A_377 : i32
        %dma_start3A_393 = arith.constant 2 : i32
        %dma_start3A_394 = arith.constant 0 : i32
        %dma_start3A_395 = tpu.memref_slice %arg8[%dma_start3A_393, %dma_start3A_394] : memref<4x128xi32, #tpu.memory_space<vmem>> -> memref<1x128xi32, #tpu.memory_space<vmem>>
        %dma_start3A_396 = tpu.memref_squeeze %dma_start3A_395 : memref<1x128xi32, #tpu.memory_space<vmem>> -> memref<128xi32, #tpu.memory_space<vmem>>
        %dma_start3A_397 = arith.constant 0 : i32
        %dma_start3A_398 = tpu.memref_slice %arg4[%add3A_392, %dma_start3A_397] : memref<2656x128xi32, #tpu.memory_space<hbm>> -> memref<1x128xi32, #tpu.memory_space<hbm>>
        %dma_start3A_399 = tpu.memref_squeeze %dma_start3A_398 : memref<1x128xi32, #tpu.memory_space<hbm>> -> memref<128xi32, #tpu.memory_space<hbm>>
        %dma_start3A_400 = arith.constant 0 : i32
        %dma_start3A_401 = tpu.memref_slice %arg8[%dma_start3A_393, %dma_start3A_400] : memref<4x128xi32, #tpu.memory_space<vmem>> -> memref<1x128xi32, #tpu.memory_space<vmem>>
        %dma_start3A_402 = tpu.memref_squeeze %dma_start3A_401 : memref<1x128xi32, #tpu.memory_space<vmem>> -> memref<128xi32, #tpu.memory_space<vmem>>
        %dma_start3A_403 = arith.constant 0 : i32
        %dma_start3A_404 = tpu.memref_slice %arg4[%add3A_392, %dma_start3A_403] : memref<2656x128xi32, #tpu.memory_space<hbm>> -> memref<1x128xi32, #tpu.memory_space<hbm>>
        %dma_start3A_405 = tpu.memref_squeeze %dma_start3A_404 : memref<1x128xi32, #tpu.memory_space<hbm>> -> memref<128xi32, #tpu.memory_space<hbm>>
        tpu.enqueue_dma source(%dma_start3A_405 : memref<128xi32, #tpu.memory_space<hbm>>) target(%dma_start3A_402 : memref<128xi32, #tpu.memory_space<vmem>>) target_semaphore(%arg18 : memref<!tpu.dma_semaphore, #tpu.memory_space<semaphore_mem>>)
      } else {
      }
      %add3A_328 = arith.constant 2 : i32
      %add3A_329 = arith.addi %add3A_293, %add3A_328 : i32
      %lt3A_330 = arith.cmpi slt, %add3A_329, %select_n3A_8 : i32
      %convert_element_type3A_331 = arith.extui %lt3A_330 : i1 to i32
      %cond3A_332 = arith.constant 0 : i32
      %cond3A_333 = arith.cmpi ne, %convert_element_type3A_331, %cond3A_332 : i32
      scf.if %cond3A_333 {
        %dma_wait3A_376 = arith.constant 0 : i32
        %dma_wait3A_377 = arith.constant 0 : i32
        %dma_wait3A_378 = arith.constant 0 : i32
        %dma_wait3A_379 = tpu.memref_slice %arg7[%dma_wait3A_377, %dma_wait3A_378] : memref<4x128xi32, #tpu.memory_space<vmem>> -> memref<1x128xi32, #tpu.memory_space<vmem>>
        %dma_wait3A_380 = tpu.memref_squeeze %dma_wait3A_379 : memref<1x128xi32, #tpu.memory_space<vmem>> -> memref<128xi32, #tpu.memory_space<vmem>>
        %dma_wait3A_381 = arith.constant 0 : i32
        %dma_wait3A_382 = tpu.memref_slice %arg3[%dma_wait3A_376, %dma_wait3A_381] : memref<2656x128xi32, #tpu.memory_space<hbm>> -> memref<1x128xi32, #tpu.memory_space<hbm>>
        %dma_wait3A_383 = tpu.memref_squeeze %dma_wait3A_382 : memref<1x128xi32, #tpu.memory_space<hbm>> -> memref<128xi32, #tpu.memory_space<hbm>>
        %dma_wait3A_384 = arith.constant 0 : i32
        %dma_wait3A_385 = tpu.memref_slice %arg7[%dma_wait3A_377, %dma_wait3A_384] : memref<4x128xi32, #tpu.memory_space<vmem>> -> memref<1x128xi32, #tpu.memory_space<vmem>>
        %dma_wait3A_386 = tpu.memref_squeeze %dma_wait3A_385 : memref<1x128xi32, #tpu.memory_space<vmem>> -> memref<128xi32, #tpu.memory_space<vmem>>
        %dma_wait3A_387 = arith.constant 0 : i32
        %dma_wait3A_388 = tpu.memref_slice %arg3[%dma_wait3A_376, %dma_wait3A_387] : memref<2656x128xi32, #tpu.memory_space<hbm>> -> memref<1x128xi32, #tpu.memory_space<hbm>>
        %dma_wait3A_389 = tpu.memref_squeeze %dma_wait3A_388 : memref<1x128xi32, #tpu.memory_space<hbm>> -> memref<128xi32, #tpu.memory_space<hbm>>
        tpu.wait_dma2 semaphore(%arg12 : memref<!tpu.dma_semaphore, #tpu.memory_space<semaphore_mem>>) src(%dma_wait3A_389 : memref<128xi32, #tpu.memory_space<hbm>>) dst(%dma_wait3A_386 : memref<128xi32, #tpu.memory_space<vmem>>)
        %dma_start3A_390 = arith.constant 0 : i32
        %dma_start3A_391 = arith.constant 0 : i32
        %dma_start3A_392 = arith.constant 0 : i32
        %dma_start3A_393 = arith.constant 0 : i32
        %dma_start3A_394 = tpu.memref_slice %arg9[%dma_start3A_391, %dma_start3A_392, %dma_start3A_393] : memref<2x128x128xf32, #tpu.memory_space<vmem>> -> memref<1x128x128xf32, #tpu.memory_space<vmem>>
        %dma_start3A_395 = tpu.memref_squeeze %dma_start3A_394 : memref<1x128x128xf32, #tpu.memory_space<vmem>> -> memref<128x128xf32, #tpu.memory_space<vmem>>
        %dma_start3A_396 = arith.constant 0 : i32
        %dma_start3A_397 = tpu.memref_slice %arg7[%dma_start3A_390, %dma_start3A_396] : memref<4x128xi32, #tpu.memory_space<vmem>> -> memref<1x128xi32, #tpu.memory_space<vmem>>
        %dma_start3A_398 = tpu.memref_squeeze %dma_start3A_397 : memref<1x128xi32, #tpu.memory_space<vmem>> -> memref<128xi32, #tpu.memory_space<vmem>>
        %dma_start3A_399 = arith.constant 0 : i32
        %dma_start3A_400 = arith.constant 0 : i32
        %dma_start3A_401 = tpu.memref_slice %arg2[%dma_start3A_399, %dma_start3A_400] : memref<10240x128xf32, #tpu.memory_space<hbm>> -> memref<10240x128xf32, #tpu.memory_space<hbm>>
        tpu.enqueue_indirect_dma source(%dma_start3A_401 : memref<10240x128xf32, #tpu.memory_space<hbm>>) target(%dma_start3A_395 : memref<128x128xf32, #tpu.memory_space<vmem>>) offsets(%dma_start3A_398 : memref<128xi32, #tpu.memory_space<vmem>>) semaphore(%arg10 : memref<!tpu.dma_semaphore, #tpu.memory_space<semaphore_mem>>)
      } else {
      }
      %add3A_334 = arith.constant 3 : i32
      %add3A_335 = arith.addi %mul3A_211, %add3A_334 : i32
      %dma_wait3A_336 = arith.constant 3 : i32
      %dma_wait3A_337 = arith.constant 1 : i32
      %dma_wait3A_338 = arith.constant 0 : i32
      %dma_wait3A_339 = arith.constant 0 : i32
      %dma_wait3A_340 = tpu.memref_slice %arg9[%dma_wait3A_337, %dma_wait3A_338, %dma_wait3A_339] : memref<2x128x128xf32, #tpu.memory_space<vmem>> -> memref<1x128x128xf32, #tpu.memory_space<vmem>>
      %dma_wait3A_341 = tpu.memref_squeeze %dma_wait3A_340 : memref<1x128x128xf32, #tpu.memory_space<vmem>> -> memref<128x128xf32, #tpu.memory_space<vmem>>
      %dma_wait3A_342 = arith.constant 0 : i32
      %dma_wait3A_343 = tpu.memref_slice %arg7[%dma_wait3A_336, %dma_wait3A_342] : memref<4x128xi32, #tpu.memory_space<vmem>> -> memref<1x128xi32, #tpu.memory_space<vmem>>
      %dma_wait3A_344 = tpu.memref_squeeze %dma_wait3A_343 : memref<1x128xi32, #tpu.memory_space<vmem>> -> memref<128xi32, #tpu.memory_space<vmem>>
      %dma_wait3A_345 = arith.constant 0 : i32
      %dma_wait3A_346 = arith.constant 0 : i32
      %dma_wait3A_347 = tpu.memref_slice %arg2[%dma_wait3A_345, %dma_wait3A_346] : memref<10240x128xf32, #tpu.memory_space<hbm>> -> memref<10240x128xf32, #tpu.memory_space<hbm>>
      tpu.wait_indirect_dma semaphore(%arg11 : memref<!tpu.dma_semaphore, #tpu.memory_space<semaphore_mem>>) src(%dma_wait3A_347 : memref<10240x128xf32, #tpu.memory_space<hbm>>) dst(%dma_wait3A_341 : memref<128x128xf32, #tpu.memory_space<vmem>>)
      %dma_wait3A_348 = arith.constant 0 : i32
      %dma_wait3A_349 = arith.constant 3 : i32
      %dma_wait3A_350 = arith.constant 0 : i32
      %dma_wait3A_351 = tpu.memref_slice %arg8[%dma_wait3A_349, %dma_wait3A_350] : memref<4x128xi32, #tpu.memory_space<vmem>> -> memref<1x128xi32, #tpu.memory_space<vmem>>
      %dma_wait3A_352 = tpu.memref_squeeze %dma_wait3A_351 : memref<1x128xi32, #tpu.memory_space<vmem>> -> memref<128xi32, #tpu.memory_space<vmem>>
      %dma_wait3A_353 = arith.constant 0 : i32
      %dma_wait3A_354 = tpu.memref_slice %arg4[%dma_wait3A_348, %dma_wait3A_353] : memref<2656x128xi32, #tpu.memory_space<hbm>> -> memref<1x128xi32, #tpu.memory_space<hbm>>
      %dma_wait3A_355 = tpu.memref_squeeze %dma_wait3A_354 : memref<1x128xi32, #tpu.memory_space<hbm>> -> memref<128xi32, #tpu.memory_space<hbm>>
      %dma_wait3A_356 = arith.constant 0 : i32
      %dma_wait3A_357 = tpu.memref_slice %arg8[%dma_wait3A_349, %dma_wait3A_356] : memref<4x128xi32, #tpu.memory_space<vmem>> -> memref<1x128xi32, #tpu.memory_space<vmem>>
      %dma_wait3A_358 = tpu.memref_squeeze %dma_wait3A_357 : memref<1x128xi32, #tpu.memory_space<vmem>> -> memref<128xi32, #tpu.memory_space<vmem>>
      %dma_wait3A_359 = arith.constant 0 : i32
      %dma_wait3A_360 = tpu.memref_slice %arg4[%dma_wait3A_348, %dma_wait3A_359] : memref<2656x128xi32, #tpu.memory_space<hbm>> -> memref<1x128xi32, #tpu.memory_space<hbm>>
      %dma_wait3A_361 = tpu.memref_squeeze %dma_wait3A_360 : memref<1x128xi32, #tpu.memory_space<hbm>> -> memref<128xi32, #tpu.memory_space<hbm>>
      tpu.wait_dma2 semaphore(%arg19 : memref<!tpu.dma_semaphore, #tpu.memory_space<semaphore_mem>>) src(%dma_wait3A_361 : memref<128xi32, #tpu.memory_space<hbm>>) dst(%dma_wait3A_358 : memref<128xi32, #tpu.memory_space<vmem>>)
      %run_scoped3A_362 = arith.constant 1 : i32
      %run_scoped3A_363 = arith.constant 3 : i32
      "tpu.region"() ({
        %run_scoped3A_376 = tpu.sem_alloc : memref<!tpu.dma_semaphore, #tpu.memory_space<semaphore_mem>>
        %dma_start3A_377 = arith.constant 0 : i32
        %dma_start3A_378 = arith.constant 0 : i32
        %dma_start3A_379 = tpu.memref_slice %arg9[%run_scoped3A_362, %dma_start3A_377, %dma_start3A_378] : memref<2x128x128xf32, #tpu.memory_space<vmem>> -> memref<1x128x128xf32, #tpu.memory_space<vmem>>
        %dma_start3A_380 = tpu.memref_squeeze %dma_start3A_379 : memref<1x128x128xf32, #tpu.memory_space<vmem>> -> memref<128x128xf32, #tpu.memory_space<vmem>>
        %dma_start3A_381 = arith.constant 0 : i32
        %dma_start3A_382 = tpu.memref_slice %arg8[%run_scoped3A_363, %dma_start3A_381] : memref<4x128xi32, #tpu.memory_space<vmem>> -> memref<1x128xi32, #tpu.memory_space<vmem>>
        %dma_start3A_383 = tpu.memref_squeeze %dma_start3A_382 : memref<1x128xi32, #tpu.memory_space<vmem>> -> memref<128xi32, #tpu.memory_space<vmem>>
        %dma_start3A_384 = arith.constant 0 : i32
        %dma_start3A_385 = arith.constant 0 : i32
        %dma_start3A_386 = tpu.memref_slice %arg20[%dma_start3A_384, %dma_start3A_385] : memref<10112x128xf32, #tpu.memory_space<vmem_shared>> -> memref<10112x128xf32, #tpu.memory_space<vmem_shared>>
        tpu.enqueue_indirect_dma source(%dma_start3A_380 : memref<128x128xf32, #tpu.memory_space<vmem>>) target(%dma_start3A_386 : memref<10112x128xf32, #tpu.memory_space<vmem_shared>>) offsets(%dma_start3A_383 : memref<128xi32, #tpu.memory_space<vmem>>) semaphore(%run_scoped3A_376 : memref<!tpu.dma_semaphore, #tpu.memory_space<semaphore_mem>>) {add = true}
        %dma_wait3A_387 = arith.constant 0 : i32
        %dma_wait3A_388 = arith.constant 0 : i32
        %dma_wait3A_389 = tpu.memref_slice %arg9[%run_scoped3A_362, %dma_wait3A_387, %dma_wait3A_388] : memref<2x128x128xf32, #tpu.memory_space<vmem>> -> memref<1x128x128xf32, #tpu.memory_space<vmem>>
        %dma_wait3A_390 = tpu.memref_squeeze %dma_wait3A_389 : memref<1x128x128xf32, #tpu.memory_space<vmem>> -> memref<128x128xf32, #tpu.memory_space<vmem>>
        %dma_wait3A_391 = arith.constant 0 : i32
        %dma_wait3A_392 = tpu.memref_slice %arg8[%run_scoped3A_363, %dma_wait3A_391] : memref<4x128xi32, #tpu.memory_space<vmem>> -> memref<1x128xi32, #tpu.memory_space<vmem>>
        %dma_wait3A_393 = tpu.memref_squeeze %dma_wait3A_392 : memref<1x128xi32, #tpu.memory_space<vmem>> -> memref<128xi32, #tpu.memory_space<vmem>>
        %dma_wait3A_394 = arith.constant 0 : i32
        %dma_wait3A_395 = arith.constant 0 : i32
        %dma_wait3A_396 = tpu.memref_slice %arg20[%dma_wait3A_394, %dma_wait3A_395] : memref<10112x128xf32, #tpu.memory_space<vmem_shared>> -> memref<10112x128xf32, #tpu.memory_space<vmem_shared>>
        tpu.wait_indirect_dma semaphore(%run_scoped3A_376 : memref<!tpu.dma_semaphore, #tpu.memory_space<semaphore_mem>>) src(%dma_wait3A_390 : memref<128x128xf32, #tpu.memory_space<vmem>>) dst(%dma_wait3A_396 : memref<10112x128xf32, #tpu.memory_space<vmem_shared>>)
        tpu.yield
      }) : () -> ()
      %add3A_364 = arith.constant 4 : i32
      %add3A_365 = arith.addi %add3A_335, %add3A_364 : i32
      %lt3A_366 = arith.cmpi slt, %add3A_365, %select_n3A_8 : i32
      %convert_element_type3A_367 = arith.extui %lt3A_366 : i1 to i32
      %cond3A_368 = arith.constant 0 : i32
      %cond3A_369 = arith.cmpi ne, %convert_element_type3A_367, %cond3A_368 : i32
      scf.if %cond3A_369 {
        %add3A_376 = arith.constant 4 : i32
        %add3A_377 = arith.addi %add3A_335, %add3A_376 : i32
        %add3A_378 = arith.addi %select_n3A, %add3A_377 : i32
        %dma_start3A_379 = arith.constant 3 : i32
        %dma_start3A_380 = arith.constant 0 : i32
        %dma_start3A_381 = tpu.memref_slice %arg7[%dma_start3A_379, %dma_start3A_380] : memref<4x128xi32, #tpu.memory_space<vmem>> -> memref<1x128xi32, #tpu.memory_space<vmem>>
        %dma_start3A_382 = tpu.memref_squeeze %dma_start3A_381 : memref<1x128xi32, #tpu.memory_space<vmem>> -> memref<128xi32, #tpu.memory_space<vmem>>
        %dma_start3A_383 = arith.constant 0 : i32
        %dma_start3A_384 = tpu.memref_slice %arg3[%add3A_378, %dma_start3A_383] : memref<2656x128xi32, #tpu.memory_space<hbm>> -> memref<1x128xi32, #tpu.memory_space<hbm>>
        %dma_start3A_385 = tpu.memref_squeeze %dma_start3A_384 : memref<1x128xi32, #tpu.memory_space<hbm>> -> memref<128xi32, #tpu.memory_space<hbm>>
        %dma_start3A_386 = arith.constant 0 : i32
        %dma_start3A_387 = tpu.memref_slice %arg7[%dma_start3A_379, %dma_start3A_386] : memref<4x128xi32, #tpu.memory_space<vmem>> -> memref<1x128xi32, #tpu.memory_space<vmem>>
        %dma_start3A_388 = tpu.memref_squeeze %dma_start3A_387 : memref<1x128xi32, #tpu.memory_space<vmem>> -> memref<128xi32, #tpu.memory_space<vmem>>
        %dma_start3A_389 = arith.constant 0 : i32
        %dma_start3A_390 = tpu.memref_slice %arg3[%add3A_378, %dma_start3A_389] : memref<2656x128xi32, #tpu.memory_space<hbm>> -> memref<1x128xi32, #tpu.memory_space<hbm>>
        %dma_start3A_391 = tpu.memref_squeeze %dma_start3A_390 : memref<1x128xi32, #tpu.memory_space<hbm>> -> memref<128xi32, #tpu.memory_space<hbm>>
        tpu.enqueue_dma source(%dma_start3A_391 : memref<128xi32, #tpu.memory_space<hbm>>) target(%dma_start3A_388 : memref<128xi32, #tpu.memory_space<vmem>>) target_semaphore(%arg15 : memref<!tpu.dma_semaphore, #tpu.memory_space<semaphore_mem>>)
        %add3A_392 = arith.addi %select_n3A, %add3A_377 : i32
        %dma_start3A_393 = arith.constant 3 : i32
        %dma_start3A_394 = arith.constant 0 : i32
        %dma_start3A_395 = tpu.memref_slice %arg8[%dma_start3A_393, %dma_start3A_394] : memref<4x128xi32, #tpu.memory_space<vmem>> -> memref<1x128xi32, #tpu.memory_space<vmem>>
        %dma_start3A_396 = tpu.memref_squeeze %dma_start3A_395 : memref<1x128xi32, #tpu.memory_space<vmem>> -> memref<128xi32, #tpu.memory_space<vmem>>
        %dma_start3A_397 = arith.constant 0 : i32
        %dma_start3A_398 = tpu.memref_slice %arg4[%add3A_392, %dma_start3A_397] : memref<2656x128xi32, #tpu.memory_space<hbm>> -> memref<1x128xi32, #tpu.memory_space<hbm>>
        %dma_start3A_399 = tpu.memref_squeeze %dma_start3A_398 : memref<1x128xi32, #tpu.memory_space<hbm>> -> memref<128xi32, #tpu.memory_space<hbm>>
        %dma_start3A_400 = arith.constant 0 : i32
        %dma_start3A_401 = tpu.memref_slice %arg8[%dma_start3A_393, %dma_start3A_400] : memref<4x128xi32, #tpu.memory_space<vmem>> -> memref<1x128xi32, #tpu.memory_space<vmem>>
        %dma_start3A_402 = tpu.memref_squeeze %dma_start3A_401 : memref<1x128xi32, #tpu.memory_space<vmem>> -> memref<128xi32, #tpu.memory_space<vmem>>
        %dma_start3A_403 = arith.constant 0 : i32
        %dma_start3A_404 = tpu.memref_slice %arg4[%add3A_392, %dma_start3A_403] : memref<2656x128xi32, #tpu.memory_space<hbm>> -> memref<1x128xi32, #tpu.memory_space<hbm>>
        %dma_start3A_405 = tpu.memref_squeeze %dma_start3A_404 : memref<1x128xi32, #tpu.memory_space<hbm>> -> memref<128xi32, #tpu.memory_space<hbm>>
        tpu.enqueue_dma source(%dma_start3A_405 : memref<128xi32, #tpu.memory_space<hbm>>) target(%dma_start3A_402 : memref<128xi32, #tpu.memory_space<vmem>>) target_semaphore(%arg19 : memref<!tpu.dma_semaphore, #tpu.memory_space<semaphore_mem>>)
      } else {
      }
      %add3A_370 = arith.constant 2 : i32
      %add3A_371 = arith.addi %add3A_335, %add3A_370 : i32
      %lt3A_372 = arith.cmpi slt, %add3A_371, %select_n3A_8 : i32
      %convert_element_type3A_373 = arith.extui %lt3A_372 : i1 to i32
      %cond3A_374 = arith.constant 0 : i32
      %cond3A_375 = arith.cmpi ne, %convert_element_type3A_373, %cond3A_374 : i32
      scf.if %cond3A_375 {
        %dma_wait3A_376 = arith.constant 0 : i32
        %dma_wait3A_377 = arith.constant 1 : i32
        %dma_wait3A_378 = arith.constant 0 : i32
        %dma_wait3A_379 = tpu.memref_slice %arg7[%dma_wait3A_377, %dma_wait3A_378] : memref<4x128xi32, #tpu.memory_space<vmem>> -> memref<1x128xi32, #tpu.memory_space<vmem>>
        %dma_wait3A_380 = tpu.memref_squeeze %dma_wait3A_379 : memref<1x128xi32, #tpu.memory_space<vmem>> -> memref<128xi32, #tpu.memory_space<vmem>>
        %dma_wait3A_381 = arith.constant 0 : i32
        %dma_wait3A_382 = tpu.memref_slice %arg3[%dma_wait3A_376, %dma_wait3A_381] : memref<2656x128xi32, #tpu.memory_space<hbm>> -> memref<1x128xi32, #tpu.memory_space<hbm>>
        %dma_wait3A_383 = tpu.memref_squeeze %dma_wait3A_382 : memref<1x128xi32, #tpu.memory_space<hbm>> -> memref<128xi32, #tpu.memory_space<hbm>>
        %dma_wait3A_384 = arith.constant 0 : i32
        %dma_wait3A_385 = tpu.memref_slice %arg7[%dma_wait3A_377, %dma_wait3A_384] : memref<4x128xi32, #tpu.memory_space<vmem>> -> memref<1x128xi32, #tpu.memory_space<vmem>>
        %dma_wait3A_386 = tpu.memref_squeeze %dma_wait3A_385 : memref<1x128xi32, #tpu.memory_space<vmem>> -> memref<128xi32, #tpu.memory_space<vmem>>
        %dma_wait3A_387 = arith.constant 0 : i32
        %dma_wait3A_388 = tpu.memref_slice %arg3[%dma_wait3A_376, %dma_wait3A_387] : memref<2656x128xi32, #tpu.memory_space<hbm>> -> memref<1x128xi32, #tpu.memory_space<hbm>>
        %dma_wait3A_389 = tpu.memref_squeeze %dma_wait3A_388 : memref<1x128xi32, #tpu.memory_space<hbm>> -> memref<128xi32, #tpu.memory_space<hbm>>
        tpu.wait_dma2 semaphore(%arg13 : memref<!tpu.dma_semaphore, #tpu.memory_space<semaphore_mem>>) src(%dma_wait3A_389 : memref<128xi32, #tpu.memory_space<hbm>>) dst(%dma_wait3A_386 : memref<128xi32, #tpu.memory_space<vmem>>)
        %dma_start3A_390 = arith.constant 1 : i32
        %dma_start3A_391 = arith.constant 1 : i32
        %dma_start3A_392 = arith.constant 0 : i32
        %dma_start3A_393 = arith.constant 0 : i32
        %dma_start3A_394 = tpu.memref_slice %arg9[%dma_start3A_391, %dma_start3A_392, %dma_start3A_393] : memref<2x128x128xf32, #tpu.memory_space<vmem>> -> memref<1x128x128xf32, #tpu.memory_space<vmem>>
        %dma_start3A_395 = tpu.memref_squeeze %dma_start3A_394 : memref<1x128x128xf32, #tpu.memory_space<vmem>> -> memref<128x128xf32, #tpu.memory_space<vmem>>
        %dma_start3A_396 = arith.constant 0 : i32
        %dma_start3A_397 = tpu.memref_slice %arg7[%dma_start3A_390, %dma_start3A_396] : memref<4x128xi32, #tpu.memory_space<vmem>> -> memref<1x128xi32, #tpu.memory_space<vmem>>
        %dma_start3A_398 = tpu.memref_squeeze %dma_start3A_397 : memref<1x128xi32, #tpu.memory_space<vmem>> -> memref<128xi32, #tpu.memory_space<vmem>>
        %dma_start3A_399 = arith.constant 0 : i32
        %dma_start3A_400 = arith.constant 0 : i32
        %dma_start3A_401 = tpu.memref_slice %arg2[%dma_start3A_399, %dma_start3A_400] : memref<10240x128xf32, #tpu.memory_space<hbm>> -> memref<10240x128xf32, #tpu.memory_space<hbm>>
        tpu.enqueue_indirect_dma source(%dma_start3A_401 : memref<10240x128xf32, #tpu.memory_space<hbm>>) target(%dma_start3A_395 : memref<128x128xf32, #tpu.memory_space<vmem>>) offsets(%dma_start3A_398 : memref<128xi32, #tpu.memory_space<vmem>>) semaphore(%arg11 : memref<!tpu.dma_semaphore, #tpu.memory_space<semaphore_mem>>)
      } else {
      }
    }
    %while3A_207 = arith.constant 1 : i32
    scf.for %while3A_209 = %while3A_205 to %while3A_201 step %while3A_207  : i32 {
      %mul3A_210 = arith.constant 4 : i32
      %mul3A_211 = arith.muli %while3A_209, %mul3A_210 : i32
      %add3A_212 = arith.constant 0 : i32
      %add3A_213 = arith.addi %mul3A_211, %add3A_212 : i32
      %dma_wait3A_214 = arith.constant 0 : i32
      %dma_wait3A_215 = arith.constant 0 : i32
      %dma_wait3A_216 = arith.constant 0 : i32
      %dma_wait3A_217 = arith.constant 0 : i32
      %dma_wait3A_218 = tpu.memref_slice %arg9[%dma_wait3A_215, %dma_wait3A_216, %dma_wait3A_217] : memref<2x128x128xf32, #tpu.memory_space<vmem>> -> memref<1x128x128xf32, #tpu.memory_space<vmem>>
      %dma_wait3A_219 = tpu.memref_squeeze %dma_wait3A_218 : memref<1x128x128xf32, #tpu.memory_space<vmem>> -> memref<128x128xf32, #tpu.memory_space<vmem>>
      %dma_wait3A_220 = arith.constant 0 : i32
      %dma_wait3A_221 = tpu.memref_slice %arg7[%dma_wait3A_214, %dma_wait3A_220] : memref<4x128xi32, #tpu.memory_space<vmem>> -> memref<1x128xi32, #tpu.memory_space<vmem>>
      %dma_wait3A_222 = tpu.memref_squeeze %dma_wait3A_221 : memref<1x128xi32, #tpu.memory_space<vmem>> -> memref<128xi32, #tpu.memory_space<vmem>>
      %dma_wait3A_223 = arith.constant 0 : i32
      %dma_wait3A_224 = arith.constant 0 : i32
      %dma_wait3A_225 = tpu.memref_slice %arg2[%dma_wait3A_223, %dma_wait3A_224] : memref<10240x128xf32, #tpu.memory_space<hbm>> -> memref<10240x128xf32, #tpu.memory_space<hbm>>
      tpu.wait_indirect_dma semaphore(%arg10 : memref<!tpu.dma_semaphore, #tpu.memory_space<semaphore_mem>>) src(%dma_wait3A_225 : memref<10240x128xf32, #tpu.memory_space<hbm>>) dst(%dma_wait3A_219 : memref<128x128xf32, #tpu.memory_space<vmem>>)
      %dma_wait3A_226 = arith.constant 0 : i32
      %dma_wait3A_227 = arith.constant 0 : i32
      %dma_wait3A_228 = arith.constant 0 : i32
      %dma_wait3A_229 = tpu.memref_slice %arg8[%dma_wait3A_227, %dma_wait3A_228] : memref<4x128xi32, #tpu.memory_space<vmem>> -> memref<1x128xi32, #tpu.memory_space<vmem>>
      %dma_wait3A_230 = tpu.memref_squeeze %dma_wait3A_229 : memref<1x128xi32, #tpu.memory_space<vmem>> -> memref<128xi32, #tpu.memory_space<vmem>>
      %dma_wait3A_231 = arith.constant 0 : i32
      %dma_wait3A_232 = tpu.memref_slice %arg4[%dma_wait3A_226, %dma_wait3A_231] : memref<2656x128xi32, #tpu.memory_space<hbm>> -> memref<1x128xi32, #tpu.memory_space<hbm>>
      %dma_wait3A_233 = tpu.memref_squeeze %dma_wait3A_232 : memref<1x128xi32, #tpu.memory_space<hbm>> -> memref<128xi32, #tpu.memory_space<hbm>>
      %dma_wait3A_234 = arith.constant 0 : i32
      %dma_wait3A_235 = tpu.memref_slice %arg8[%dma_wait3A_227, %dma_wait3A_234] : memref<4x128xi32, #tpu.memory_space<vmem>> -> memref<1x128xi32, #tpu.memory_space<vmem>>
      %dma_wait3A_236 = tpu.memref_squeeze %dma_wait3A_235 : memref<1x128xi32, #tpu.memory_space<vmem>> -> memref<128xi32, #tpu.memory_space<vmem>>
      %dma_wait3A_237 = arith.constant 0 : i32
      %dma_wait3A_238 = tpu.memref_slice %arg4[%dma_wait3A_226, %dma_wait3A_237] : memref<2656x128xi32, #tpu.memory_space<hbm>> -> memref<1x128xi32, #tpu.memory_space<hbm>>
      %dma_wait3A_239 = tpu.memref_squeeze %dma_wait3A_238 : memref<1x128xi32, #tpu.memory_space<hbm>> -> memref<128xi32, #tpu.memory_space<hbm>>
      tpu.wait_dma2 semaphore(%arg16 : memref<!tpu.dma_semaphore, #tpu.memory_space<semaphore_mem>>) src(%dma_wait3A_239 : memref<128xi32, #tpu.memory_space<hbm>>) dst(%dma_wait3A_236 : memref<128xi32, #tpu.memory_space<vmem>>)
      %run_scoped3A = arith.constant 0 : i32
      %run_scoped3A_240 = arith.constant 0 : i32
      "tpu.region"() ({
        %run_scoped3A_376 = tpu.sem_alloc : memref<!tpu.dma_semaphore, #tpu.memory_space<semaphore_mem>>
        %dma_start3A_377 = arith.constant 0 : i32
        %dma_start3A_378 = arith.constant 0 : i32
        %dma_start3A_379 = tpu.memref_slice %arg9[%run_scoped3A, %dma_start3A_377, %dma_start3A_378] : memref<2x128x128xf32, #tpu.memory_space<vmem>> -> memref<1x128x128xf32, #tpu.memory_space<vmem>>
        %dma_start3A_380 = tpu.memref_squeeze %dma_start3A_379 : memref<1x128x128xf32, #tpu.memory_space<vmem>> -> memref<128x128xf32, #tpu.memory_space<vmem>>
        %dma_start3A_381 = arith.constant 0 : i32
        %dma_start3A_382 = tpu.memref_slice %arg8[%run_scoped3A_240, %dma_start3A_381] : memref<4x128xi32, #tpu.memory_space<vmem>> -> memref<1x128xi32, #tpu.memory_space<vmem>>
        %dma_start3A_383 = tpu.memref_squeeze %dma_start3A_382 : memref<1x128xi32, #tpu.memory_space<vmem>> -> memref<128xi32, #tpu.memory_space<vmem>>
        %dma_start3A_384 = arith.constant 0 : i32
        %dma_start3A_385 = arith.constant 0 : i32
        %dma_start3A_386 = tpu.memref_slice %arg20[%dma_start3A_384, %dma_start3A_385] : memref<10112x128xf32, #tpu.memory_space<vmem_shared>> -> memref<10112x128xf32, #tpu.memory_space<vmem_shared>>
        tpu.enqueue_indirect_dma source(%dma_start3A_380 : memref<128x128xf32, #tpu.memory_space<vmem>>) target(%dma_start3A_386 : memref<10112x128xf32, #tpu.memory_space<vmem_shared>>) offsets(%dma_start3A_383 : memref<128xi32, #tpu.memory_space<vmem>>) semaphore(%run_scoped3A_376 : memref<!tpu.dma_semaphore, #tpu.memory_space<semaphore_mem>>) {add = true}
        %dma_wait3A_387 = arith.constant 0 : i32
        %dma_wait3A_388 = arith.constant 0 : i32
        %dma_wait3A_389 = tpu.memref_slice %arg9[%run_scoped3A, %dma_wait3A_387, %dma_wait3A_388] : memref<2x128x128xf32, #tpu.memory_space<vmem>> -> memref<1x128x128xf32, #tpu.memory_space<vmem>>
        %dma_wait3A_390 = tpu.memref_squeeze %dma_wait3A_389 : memref<1x128x128xf32, #tpu.memory_space<vmem>> -> memref<128x128xf32, #tpu.memory_space<vmem>>
        %dma_wait3A_391 = arith.constant 0 : i32
        %dma_wait3A_392 = tpu.memref_slice %arg8[%run_scoped3A_240, %dma_wait3A_391] : memref<4x128xi32, #tpu.memory_space<vmem>> -> memref<1x128xi32, #tpu.memory_space<vmem>>
        %dma_wait3A_393 = tpu.memref_squeeze %dma_wait3A_392 : memref<1x128xi32, #tpu.memory_space<vmem>> -> memref<128xi32, #tpu.memory_space<vmem>>
        %dma_wait3A_394 = arith.constant 0 : i32
        %dma_wait3A_395 = arith.constant 0 : i32
        %dma_wait3A_396 = tpu.memref_slice %arg20[%dma_wait3A_394, %dma_wait3A_395] : memref<10112x128xf32, #tpu.memory_space<vmem_shared>> -> memref<10112x128xf32, #tpu.memory_space<vmem_shared>>
        tpu.wait_indirect_dma semaphore(%run_scoped3A_376 : memref<!tpu.dma_semaphore, #tpu.memory_space<semaphore_mem>>) src(%dma_wait3A_390 : memref<128x128xf32, #tpu.memory_space<vmem>>) dst(%dma_wait3A_396 : memref<10112x128xf32, #tpu.memory_space<vmem_shared>>)
        tpu.yield
      }) : () -> ()
      %add3A_241 = arith.constant 4 : i32
      %add3A_242 = arith.addi %add3A_213, %add3A_241 : i32
      %lt3A = arith.cmpi slt, %add3A_242, %select_n3A_8 : i32
      %convert_element_type3A = arith.extui %lt3A : i1 to i32
      %cond3A = arith.constant 0 : i32
      %cond3A_243 = arith.cmpi ne, %convert_element_type3A, %cond3A : i32
      scf.if %cond3A_243 {
        %add3A_376 = arith.constant 4 : i32
        %add3A_377 = arith.addi %add3A_213, %add3A_376 : i32
        %add3A_378 = arith.addi %select_n3A, %add3A_377 : i32
        %dma_start3A_379 = arith.constant 0 : i32
        %dma_start3A_380 = arith.constant 0 : i32
        %dma_start3A_381 = tpu.memref_slice %arg7[%dma_start3A_379, %dma_start3A_380] : memref<4x128xi32, #tpu.memory_space<vmem>> -> memref<1x128xi32, #tpu.memory_space<vmem>>
        %dma_start3A_382 = tpu.memref_squeeze %dma_start3A_381 : memref<1x128xi32, #tpu.memory_space<vmem>> -> memref<128xi32, #tpu.memory_space<vmem>>
        %dma_start3A_383 = arith.constant 0 : i32
        %dma_start3A_384 = tpu.memref_slice %arg3[%add3A_378, %dma_start3A_383] : memref<2656x128xi32, #tpu.memory_space<hbm>> -> memref<1x128xi32, #tpu.memory_space<hbm>>
        %dma_start3A_385 = tpu.memref_squeeze %dma_start3A_384 : memref<1x128xi32, #tpu.memory_space<hbm>> -> memref<128xi32, #tpu.memory_space<hbm>>
        %dma_start3A_386 = arith.constant 0 : i32
        %dma_start3A_387 = tpu.memref_slice %arg7[%dma_start3A_379, %dma_start3A_386] : memref<4x128xi32, #tpu.memory_space<vmem>> -> memref<1x128xi32, #tpu.memory_space<vmem>>
        %dma_start3A_388 = tpu.memref_squeeze %dma_start3A_387 : memref<1x128xi32, #tpu.memory_space<vmem>> -> memref<128xi32, #tpu.memory_space<vmem>>
        %dma_start3A_389 = arith.constant 0 : i32
        %dma_start3A_390 = tpu.memref_slice %arg3[%add3A_378, %dma_start3A_389] : memref<2656x128xi32, #tpu.memory_space<hbm>> -> memref<1x128xi32, #tpu.memory_space<hbm>>
        %dma_start3A_391 = tpu.memref_squeeze %dma_start3A_390 : memref<1x128xi32, #tpu.memory_space<hbm>> -> memref<128xi32, #tpu.memory_space<hbm>>
        tpu.enqueue_dma source(%dma_start3A_391 : memref<128xi32, #tpu.memory_space<hbm>>) target(%dma_start3A_388 : memref<128xi32, #tpu.memory_space<vmem>>) target_semaphore(%arg12 : memref<!tpu.dma_semaphore, #tpu.memory_space<semaphore_mem>>)
        %add3A_392 = arith.addi %select_n3A, %add3A_377 : i32
        %dma_start3A_393 = arith.constant 0 : i32
        %dma_start3A_394 = arith.constant 0 : i32
        %dma_start3A_395 = tpu.memref_slice %arg8[%dma_start3A_393, %dma_start3A_394] : memref<4x128xi32, #tpu.memory_space<vmem>> -> memref<1x128xi32, #tpu.memory_space<vmem>>
        %dma_start3A_396 = tpu.memref_squeeze %dma_start3A_395 : memref<1x128xi32, #tpu.memory_space<vmem>> -> memref<128xi32, #tpu.memory_space<vmem>>
        %dma_start3A_397 = arith.constant 0 : i32
        %dma_start3A_398 = tpu.memref_slice %arg4[%add3A_392, %dma_start3A_397] : memref<2656x128xi32, #tpu.memory_space<hbm>> -> memref<1x128xi32, #tpu.memory_space<hbm>>
        %dma_start3A_399 = tpu.memref_squeeze %dma_start3A_398 : memref<1x128xi32, #tpu.memory_space<hbm>> -> memref<128xi32, #tpu.memory_space<hbm>>
        %dma_start3A_400 = arith.constant 0 : i32
        %dma_start3A_401 = tpu.memref_slice %arg8[%dma_start3A_393, %dma_start3A_400] : memref<4x128xi32, #tpu.memory_space<vmem>> -> memref<1x128xi32, #tpu.memory_space<vmem>>
        %dma_start3A_402 = tpu.memref_squeeze %dma_start3A_401 : memref<1x128xi32, #tpu.memory_space<vmem>> -> memref<128xi32, #tpu.memory_space<vmem>>
        %dma_start3A_403 = arith.constant 0 : i32
        %dma_start3A_404 = tpu.memref_slice %arg4[%add3A_392, %dma_start3A_403] : memref<2656x128xi32, #tpu.memory_space<hbm>> -> memref<1x128xi32, #tpu.memory_space<hbm>>
        %dma_start3A_405 = tpu.memref_squeeze %dma_start3A_404 : memref<1x128xi32, #tpu.memory_space<hbm>> -> memref<128xi32, #tpu.memory_space<hbm>>
        tpu.enqueue_dma source(%dma_start3A_405 : memref<128xi32, #tpu.memory_space<hbm>>) target(%dma_start3A_402 : memref<128xi32, #tpu.memory_space<vmem>>) target_semaphore(%arg16 : memref<!tpu.dma_semaphore, #tpu.memory_space<semaphore_mem>>)
      } else {
      }
      %add3A_244 = arith.constant 2 : i32
      %add3A_245 = arith.addi %add3A_213, %add3A_244 : i32
      %lt3A_246 = arith.cmpi slt, %add3A_245, %select_n3A_8 : i32
      %convert_element_type3A_247 = arith.extui %lt3A_246 : i1 to i32
      %cond3A_248 = arith.constant 0 : i32
      %cond3A_249 = arith.cmpi ne, %convert_element_type3A_247, %cond3A_248 : i32
      scf.if %cond3A_249 {
        %dma_wait3A_376 = arith.constant 0 : i32
        %dma_wait3A_377 = arith.constant 2 : i32
        %dma_wait3A_378 = arith.constant 0 : i32
        %dma_wait3A_379 = tpu.memref_slice %arg7[%dma_wait3A_377, %dma_wait3A_378] : memref<4x128xi32, #tpu.memory_space<vmem>> -> memref<1x128xi32, #tpu.memory_space<vmem>>
        %dma_wait3A_380 = tpu.memref_squeeze %dma_wait3A_379 : memref<1x128xi32, #tpu.memory_space<vmem>> -> memref<128xi32, #tpu.memory_space<vmem>>
        %dma_wait3A_381 = arith.constant 0 : i32
        %dma_wait3A_382 = tpu.memref_slice %arg3[%dma_wait3A_376, %dma_wait3A_381] : memref<2656x128xi32, #tpu.memory_space<hbm>> -> memref<1x128xi32, #tpu.memory_space<hbm>>
        %dma_wait3A_383 = tpu.memref_squeeze %dma_wait3A_382 : memref<1x128xi32, #tpu.memory_space<hbm>> -> memref<128xi32, #tpu.memory_space<hbm>>
        %dma_wait3A_384 = arith.constant 0 : i32
        %dma_wait3A_385 = tpu.memref_slice %arg7[%dma_wait3A_377, %dma_wait3A_384] : memref<4x128xi32, #tpu.memory_space<vmem>> -> memref<1x128xi32, #tpu.memory_space<vmem>>
        %dma_wait3A_386 = tpu.memref_squeeze %dma_wait3A_385 : memref<1x128xi32, #tpu.memory_space<vmem>> -> memref<128xi32, #tpu.memory_space<vmem>>
        %dma_wait3A_387 = arith.constant 0 : i32
        %dma_wait3A_388 = tpu.memref_slice %arg3[%dma_wait3A_376, %dma_wait3A_387] : memref<2656x128xi32, #tpu.memory_space<hbm>> -> memref<1x128xi32, #tpu.memory_space<hbm>>
        %dma_wait3A_389 = tpu.memref_squeeze %dma_wait3A_388 : memref<1x128xi32, #tpu.memory_space<hbm>> -> memref<128xi32, #tpu.memory_space<hbm>>
        tpu.wait_dma2 semaphore(%arg14 : memref<!tpu.dma_semaphore, #tpu.memory_space<semaphore_mem>>) src(%dma_wait3A_389 : memref<128xi32, #tpu.memory_space<hbm>>) dst(%dma_wait3A_386 : memref<128xi32, #tpu.memory_space<vmem>>)
        %dma_start3A_390 = arith.constant 2 : i32
        %dma_start3A_391 = arith.constant 0 : i32
        %dma_start3A_392 = arith.constant 0 : i32
        %dma_start3A_393 = arith.constant 0 : i32
        %dma_start3A_394 = tpu.memref_slice %arg9[%dma_start3A_391, %dma_start3A_392, %dma_start3A_393] : memref<2x128x128xf32, #tpu.memory_space<vmem>> -> memref<1x128x128xf32, #tpu.memory_space<vmem>>
        %dma_start3A_395 = tpu.memref_squeeze %dma_start3A_394 : memref<1x128x128xf32, #tpu.memory_space<vmem>> -> memref<128x128xf32, #tpu.memory_space<vmem>>
        %dma_start3A_396 = arith.constant 0 : i32
        %dma_start3A_397 = tpu.memref_slice %arg7[%dma_start3A_390, %dma_start3A_396] : memref<4x128xi32, #tpu.memory_space<vmem>> -> memref<1x128xi32, #tpu.memory_space<vmem>>
        %dma_start3A_398 = tpu.memref_squeeze %dma_start3A_397 : memref<1x128xi32, #tpu.memory_space<vmem>> -> memref<128xi32, #tpu.memory_space<vmem>>
        %dma_start3A_399 = arith.constant 0 : i32
        %dma_start3A_400 = arith.constant 0 : i32
        %dma_start3A_401 = tpu.memref_slice %arg2[%dma_start3A_399, %dma_start3A_400] : memref<10240x128xf32, #tpu.memory_space<hbm>> -> memref<10240x128xf32, #tpu.memory_space<hbm>>
        tpu.enqueue_indirect_dma source(%dma_start3A_401 : memref<10240x128xf32, #tpu.memory_space<hbm>>) target(%dma_start3A_395 : memref<128x128xf32, #tpu.memory_space<vmem>>) offsets(%dma_start3A_398 : memref<128xi32, #tpu.memory_space<vmem>>) semaphore(%arg10 : memref<!tpu.dma_semaphore, #tpu.memory_space<semaphore_mem>>)
      } else {
      }
      %add3A_250 = arith.constant 1 : i32
      %add3A_251 = arith.addi %mul3A_211, %add3A_250 : i32
      %dma_wait3A_252 = arith.constant 1 : i32
      %dma_wait3A_253 = arith.constant 1 : i32
      %dma_wait3A_254 = arith.constant 0 : i32
      %dma_wait3A_255 = arith.constant 0 : i32
      %dma_wait3A_256 = tpu.memref_slice %arg9[%dma_wait3A_253, %dma_wait3A_254, %dma_wait3A_255] : memref<2x128x128xf32, #tpu.memory_space<vmem>> -> memref<1x128x128xf32, #tpu.memory_space<vmem>>
      %dma_wait3A_257 = tpu.memref_squeeze %dma_wait3A_256 : memref<1x128x128xf32, #tpu.memory_space<vmem>> -> memref<128x128xf32, #tpu.memory_space<vmem>>
      %dma_wait3A_258 = arith.constant 0 : i32
      %dma_wait3A_259 = tpu.memref_slice %arg7[%dma_wait3A_252, %dma_wait3A_258] : memref<4x128xi32, #tpu.memory_space<vmem>> -> memref<1x128xi32, #tpu.memory_space<vmem>>
      %dma_wait3A_260 = tpu.memref_squeeze %dma_wait3A_259 : memref<1x128xi32, #tpu.memory_space<vmem>> -> memref<128xi32, #tpu.memory_space<vmem>>
      %dma_wait3A_261 = arith.constant 0 : i32
      %dma_wait3A_262 = arith.constant 0 : i32
      %dma_wait3A_263 = tpu.memref_slice %arg2[%dma_wait3A_261, %dma_wait3A_262] : memref<10240x128xf32, #tpu.memory_space<hbm>> -> memref<10240x128xf32, #tpu.memory_space<hbm>>
      tpu.wait_indirect_dma semaphore(%arg11 : memref<!tpu.dma_semaphore, #tpu.memory_space<semaphore_mem>>) src(%dma_wait3A_263 : memref<10240x128xf32, #tpu.memory_space<hbm>>) dst(%dma_wait3A_257 : memref<128x128xf32, #tpu.memory_space<vmem>>)
      %dma_wait3A_264 = arith.constant 0 : i32
      %dma_wait3A_265 = arith.constant 1 : i32
      %dma_wait3A_266 = arith.constant 0 : i32
      %dma_wait3A_267 = tpu.memref_slice %arg8[%dma_wait3A_265, %dma_wait3A_266] : memref<4x128xi32, #tpu.memory_space<vmem>> -> memref<1x128xi32, #tpu.memory_space<vmem>>
      %dma_wait3A_268 = tpu.memref_squeeze %dma_wait3A_267 : memref<1x128xi32, #tpu.memory_space<vmem>> -> memref<128xi32, #tpu.memory_space<vmem>>
      %dma_wait3A_269 = arith.constant 0 : i32
      %dma_wait3A_270 = tpu.memref_slice %arg4[%dma_wait3A_264, %dma_wait3A_269] : memref<2656x128xi32, #tpu.memory_space<hbm>> -> memref<1x128xi32, #tpu.memory_space<hbm>>
      %dma_wait3A_271 = tpu.memref_squeeze %dma_wait3A_270 : memref<1x128xi32, #tpu.memory_space<hbm>> -> memref<128xi32, #tpu.memory_space<hbm>>
      %dma_wait3A_272 = arith.constant 0 : i32
      %dma_wait3A_273 = tpu.memref_slice %arg8[%dma_wait3A_265, %dma_wait3A_272] : memref<4x128xi32, #tpu.memory_space<vmem>> -> memref<1x128xi32, #tpu.memory_space<vmem>>
      %dma_wait3A_274 = tpu.memref_squeeze %dma_wait3A_273 : memref<1x128xi32, #tpu.memory_space<vmem>> -> memref<128xi32, #tpu.memory_space<vmem>>
      %dma_wait3A_275 = arith.constant 0 : i32
      %dma_wait3A_276 = tpu.memref_slice %arg4[%dma_wait3A_264, %dma_wait3A_275] : memref<2656x128xi32, #tpu.memory_space<hbm>> -> memref<1x128xi32, #tpu.memory_space<hbm>>
      %dma_wait3A_277 = tpu.memref_squeeze %dma_wait3A_276 : memref<1x128xi32, #tpu.memory_space<hbm>> -> memref<128xi32, #tpu.memory_space<hbm>>
      tpu.wait_dma2 semaphore(%arg17 : memref<!tpu.dma_semaphore, #tpu.memory_space<semaphore_mem>>) src(%dma_wait3A_277 : memref<128xi32, #tpu.memory_space<hbm>>) dst(%dma_wait3A_274 : memref<128xi32, #tpu.memory_space<vmem>>)
      %run_scoped3A_278 = arith.constant 1 : i32
      %run_scoped3A_279 = arith.constant 1 : i32
      "tpu.region"() ({
        %run_scoped3A_376 = tpu.sem_alloc : memref<!tpu.dma_semaphore, #tpu.memory_space<semaphore_mem>>
        %dma_start3A_377 = arith.constant 0 : i32
        %dma_start3A_378 = arith.constant 0 : i32
        %dma_start3A_379 = tpu.memref_slice %arg9[%run_scoped3A_278, %dma_start3A_377, %dma_start3A_378] : memref<2x128x128xf32, #tpu.memory_space<vmem>> -> memref<1x128x128xf32, #tpu.memory_space<vmem>>
        %dma_start3A_380 = tpu.memref_squeeze %dma_start3A_379 : memref<1x128x128xf32, #tpu.memory_space<vmem>> -> memref<128x128xf32, #tpu.memory_space<vmem>>
        %dma_start3A_381 = arith.constant 0 : i32
        %dma_start3A_382 = tpu.memref_slice %arg8[%run_scoped3A_279, %dma_start3A_381] : memref<4x128xi32, #tpu.memory_space<vmem>> -> memref<1x128xi32, #tpu.memory_space<vmem>>
        %dma_start3A_383 = tpu.memref_squeeze %dma_start3A_382 : memref<1x128xi32, #tpu.memory_space<vmem>> -> memref<128xi32, #tpu.memory_space<vmem>>
        %dma_start3A_384 = arith.constant 0 : i32
        %dma_start3A_385 = arith.constant 0 : i32
        %dma_start3A_386 = tpu.memref_slice %arg20[%dma_start3A_384, %dma_start3A_385] : memref<10112x128xf32, #tpu.memory_space<vmem_shared>> -> memref<10112x128xf32, #tpu.memory_space<vmem_shared>>
        tpu.enqueue_indirect_dma source(%dma_start3A_380 : memref<128x128xf32, #tpu.memory_space<vmem>>) target(%dma_start3A_386 : memref<10112x128xf32, #tpu.memory_space<vmem_shared>>) offsets(%dma_start3A_383 : memref<128xi32, #tpu.memory_space<vmem>>) semaphore(%run_scoped3A_376 : memref<!tpu.dma_semaphore, #tpu.memory_space<semaphore_mem>>) {add = true}
        %dma_wait3A_387 = arith.constant 0 : i32
        %dma_wait3A_388 = arith.constant 0 : i32
        %dma_wait3A_389 = tpu.memref_slice %arg9[%run_scoped3A_278, %dma_wait3A_387, %dma_wait3A_388] : memref<2x128x128xf32, #tpu.memory_space<vmem>> -> memref<1x128x128xf32, #tpu.memory_space<vmem>>
        %dma_wait3A_390 = tpu.memref_squeeze %dma_wait3A_389 : memref<1x128x128xf32, #tpu.memory_space<vmem>> -> memref<128x128xf32, #tpu.memory_space<vmem>>
        %dma_wait3A_391 = arith.constant 0 : i32
        %dma_wait3A_392 = tpu.memref_slice %arg8[%run_scoped3A_279, %dma_wait3A_391] : memref<4x128xi32, #tpu.memory_space<vmem>> -> memref<1x128xi32, #tpu.memory_space<vmem>>
        %dma_wait3A_393 = tpu.memref_squeeze %dma_wait3A_392 : memref<1x128xi32, #tpu.memory_space<vmem>> -> memref<128xi32, #tpu.memory_space<vmem>>
        %dma_wait3A_394 = arith.constant 0 : i32
        %dma_wait3A_395 = arith.constant 0 : i32
        %dma_wait3A_396 = tpu.memref_slice %arg20[%dma_wait3A_394, %dma_wait3A_395] : memref<10112x128xf32, #tpu.memory_space<vmem_shared>> -> memref<10112x128xf32, #tpu.memory_space<vmem_shared>>
        tpu.wait_indirect_dma semaphore(%run_scoped3A_376 : memref<!tpu.dma_semaphore, #tpu.memory_space<semaphore_mem>>) src(%dma_wait3A_390 : memref<128x128xf32, #tpu.memory_space<vmem>>) dst(%dma_wait3A_396 : memref<10112x128xf32, #tpu.memory_space<vmem_shared>>)
        tpu.yield
      }) : () -> ()
      %add3A_280 = arith.constant 4 : i32
      %add3A_281 = arith.addi %add3A_251, %add3A_280 : i32
      %lt3A_282 = arith.cmpi slt, %add3A_281, %select_n3A_8 : i32
      %convert_element_type3A_283 = arith.extui %lt3A_282 : i1 to i32
      %cond3A_284 = arith.constant 0 : i32
      %cond3A_285 = arith.cmpi ne, %convert_element_type3A_283, %cond3A_284 : i32
      scf.if %cond3A_285 {
        %add3A_376 = arith.constant 4 : i32
        %add3A_377 = arith.addi %add3A_251, %add3A_376 : i32
        %add3A_378 = arith.addi %select_n3A, %add3A_377 : i32
        %dma_start3A_379 = arith.constant 1 : i32
        %dma_start3A_380 = arith.constant 0 : i32
        %dma_start3A_381 = tpu.memref_slice %arg7[%dma_start3A_379, %dma_start3A_380] : memref<4x128xi32, #tpu.memory_space<vmem>> -> memref<1x128xi32, #tpu.memory_space<vmem>>
        %dma_start3A_382 = tpu.memref_squeeze %dma_start3A_381 : memref<1x128xi32, #tpu.memory_space<vmem>> -> memref<128xi32, #tpu.memory_space<vmem>>
        %dma_start3A_383 = arith.constant 0 : i32
        %dma_start3A_384 = tpu.memref_slice %arg3[%add3A_378, %dma_start3A_383] : memref<2656x128xi32, #tpu.memory_space<hbm>> -> memref<1x128xi32, #tpu.memory_space<hbm>>
        %dma_start3A_385 = tpu.memref_squeeze %dma_start3A_384 : memref<1x128xi32, #tpu.memory_space<hbm>> -> memref<128xi32, #tpu.memory_space<hbm>>
        %dma_start3A_386 = arith.constant 0 : i32
        %dma_start3A_387 = tpu.memref_slice %arg7[%dma_start3A_379, %dma_start3A_386] : memref<4x128xi32, #tpu.memory_space<vmem>> -> memref<1x128xi32, #tpu.memory_space<vmem>>
        %dma_start3A_388 = tpu.memref_squeeze %dma_start3A_387 : memref<1x128xi32, #tpu.memory_space<vmem>> -> memref<128xi32, #tpu.memory_space<vmem>>
        %dma_start3A_389 = arith.constant 0 : i32
        %dma_start3A_390 = tpu.memref_slice %arg3[%add3A_378, %dma_start3A_389] : memref<2656x128xi32, #tpu.memory_space<hbm>> -> memref<1x128xi32, #tpu.memory_space<hbm>>
        %dma_start3A_391 = tpu.memref_squeeze %dma_start3A_390 : memref<1x128xi32, #tpu.memory_space<hbm>> -> memref<128xi32, #tpu.memory_space<hbm>>
        tpu.enqueue_dma source(%dma_start3A_391 : memref<128xi32, #tpu.memory_space<hbm>>) target(%dma_start3A_388 : memref<128xi32, #tpu.memory_space<vmem>>) target_semaphore(%arg13 : memref<!tpu.dma_semaphore, #tpu.memory_space<semaphore_mem>>)
        %add3A_392 = arith.addi %select_n3A, %add3A_377 : i32
        %dma_start3A_393 = arith.constant 1 : i32
        %dma_start3A_394 = arith.constant 0 : i32
        %dma_start3A_395 = tpu.memref_slice %arg8[%dma_start3A_393, %dma_start3A_394] : memref<4x128xi32, #tpu.memory_space<vmem>> -> memref<1x128xi32, #tpu.memory_space<vmem>>
        %dma_start3A_396 = tpu.memref_squeeze %dma_start3A_395 : memref<1x128xi32, #tpu.memory_space<vmem>> -> memref<128xi32, #tpu.memory_space<vmem>>
        %dma_start3A_397 = arith.constant 0 : i32
        %dma_start3A_398 = tpu.memref_slice %arg4[%add3A_392, %dma_start3A_397] : memref<2656x128xi32, #tpu.memory_space<hbm>> -> memref<1x128xi32, #tpu.memory_space<hbm>>
        %dma_start3A_399 = tpu.memref_squeeze %dma_start3A_398 : memref<1x128xi32, #tpu.memory_space<hbm>> -> memref<128xi32, #tpu.memory_space<hbm>>
        %dma_start3A_400 = arith.constant 0 : i32
        %dma_start3A_401 = tpu.memref_slice %arg8[%dma_start3A_393, %dma_start3A_400] : memref<4x128xi32, #tpu.memory_space<vmem>> -> memref<1x128xi32, #tpu.memory_space<vmem>>
        %dma_start3A_402 = tpu.memref_squeeze %dma_start3A_401 : memref<1x128xi32, #tpu.memory_space<vmem>> -> memref<128xi32, #tpu.memory_space<vmem>>
        %dma_start3A_403 = arith.constant 0 : i32
        %dma_start3A_404 = tpu.memref_slice %arg4[%add3A_392, %dma_start3A_403] : memref<2656x128xi32, #tpu.memory_space<hbm>> -> memref<1x128xi32, #tpu.memory_space<hbm>>
        %dma_start3A_405 = tpu.memref_squeeze %dma_start3A_404 : memref<1x128xi32, #tpu.memory_space<hbm>> -> memref<128xi32, #tpu.memory_space<hbm>>
        tpu.enqueue_dma source(%dma_start3A_405 : memref<128xi32, #tpu.memory_space<hbm>>) target(%dma_start3A_402 : memref<128xi32, #tpu.memory_space<vmem>>) target_semaphore(%arg17 : memref<!tpu.dma_semaphore, #tpu.memory_space<semaphore_mem>>)
      } else {
      }
      %add3A_286 = arith.constant 2 : i32
      %add3A_287 = arith.addi %add3A_251, %add3A_286 : i32
      %lt3A_288 = arith.cmpi slt, %add3A_287, %select_n3A_8 : i32
      %convert_element_type3A_289 = arith.extui %lt3A_288 : i1 to i32
      %cond3A_290 = arith.constant 0 : i32
      %cond3A_291 = arith.cmpi ne, %convert_element_type3A_289, %cond3A_290 : i32
      scf.if %cond3A_291 {
        %dma_wait3A_376 = arith.constant 0 : i32
        %dma_wait3A_377 = arith.constant 3 : i32
        %dma_wait3A_378 = arith.constant 0 : i32
        %dma_wait3A_379 = tpu.memref_slice %arg7[%dma_wait3A_377, %dma_wait3A_378] : memref<4x128xi32, #tpu.memory_space<vmem>> -> memref<1x128xi32, #tpu.memory_space<vmem>>
        %dma_wait3A_380 = tpu.memref_squeeze %dma_wait3A_379 : memref<1x128xi32, #tpu.memory_space<vmem>> -> memref<128xi32, #tpu.memory_space<vmem>>
        %dma_wait3A_381 = arith.constant 0 : i32
        %dma_wait3A_382 = tpu.memref_slice %arg3[%dma_wait3A_376, %dma_wait3A_381] : memref<2656x128xi32, #tpu.memory_space<hbm>> -> memref<1x128xi32, #tpu.memory_space<hbm>>
        %dma_wait3A_383 = tpu.memref_squeeze %dma_wait3A_382 : memref<1x128xi32, #tpu.memory_space<hbm>> -> memref<128xi32, #tpu.memory_space<hbm>>
        %dma_wait3A_384 = arith.constant 0 : i32
        %dma_wait3A_385 = tpu.memref_slice %arg7[%dma_wait3A_377, %dma_wait3A_384] : memref<4x128xi32, #tpu.memory_space<vmem>> -> memref<1x128xi32, #tpu.memory_space<vmem>>
        %dma_wait3A_386 = tpu.memref_squeeze %dma_wait3A_385 : memref<1x128xi32, #tpu.memory_space<vmem>> -> memref<128xi32, #tpu.memory_space<vmem>>
        %dma_wait3A_387 = arith.constant 0 : i32
        %dma_wait3A_388 = tpu.memref_slice %arg3[%dma_wait3A_376, %dma_wait3A_387] : memref<2656x128xi32, #tpu.memory_space<hbm>> -> memref<1x128xi32, #tpu.memory_space<hbm>>
        %dma_wait3A_389 = tpu.memref_squeeze %dma_wait3A_388 : memref<1x128xi32, #tpu.memory_space<hbm>> -> memref<128xi32, #tpu.memory_space<hbm>>
        tpu.wait_dma2 semaphore(%arg15 : memref<!tpu.dma_semaphore, #tpu.memory_space<semaphore_mem>>) src(%dma_wait3A_389 : memref<128xi32, #tpu.memory_space<hbm>>) dst(%dma_wait3A_386 : memref<128xi32, #tpu.memory_space<vmem>>)
        %dma_start3A_390 = arith.constant 3 : i32
        %dma_start3A_391 = arith.constant 1 : i32
        %dma_start3A_392 = arith.constant 0 : i32
        %dma_start3A_393 = arith.constant 0 : i32
        %dma_start3A_394 = tpu.memref_slice %arg9[%dma_start3A_391, %dma_start3A_392, %dma_start3A_393] : memref<2x128x128xf32, #tpu.memory_space<vmem>> -> memref<1x128x128xf32, #tpu.memory_space<vmem>>
        %dma_start3A_395 = tpu.memref_squeeze %dma_start3A_394 : memref<1x128x128xf32, #tpu.memory_space<vmem>> -> memref<128x128xf32, #tpu.memory_space<vmem>>
        %dma_start3A_396 = arith.constant 0 : i32
        %dma_start3A_397 = tpu.memref_slice %arg7[%dma_start3A_390, %dma_start3A_396] : memref<4x128xi32, #tpu.memory_space<vmem>> -> memref<1x128xi32, #tpu.memory_space<vmem>>
        %dma_start3A_398 = tpu.memref_squeeze %dma_start3A_397 : memref<1x128xi32, #tpu.memory_space<vmem>> -> memref<128xi32, #tpu.memory_space<vmem>>
        %dma_start3A_399 = arith.constant 0 : i32
        %dma_start3A_400 = arith.constant 0 : i32
        %dma_start3A_401 = tpu.memref_slice %arg2[%dma_start3A_399, %dma_start3A_400] : memref<10240x128xf32, #tpu.memory_space<hbm>> -> memref<10240x128xf32, #tpu.memory_space<hbm>>
        tpu.enqueue_indirect_dma source(%dma_start3A_401 : memref<10240x128xf32, #tpu.memory_space<hbm>>) target(%dma_start3A_395 : memref<128x128xf32, #tpu.memory_space<vmem>>) offsets(%dma_start3A_398 : memref<128xi32, #tpu.memory_space<vmem>>) semaphore(%arg11 : memref<!tpu.dma_semaphore, #tpu.memory_space<semaphore_mem>>)
      } else {
      }
      %add3A_292 = arith.constant 2 : i32
      %add3A_293 = arith.addi %mul3A_211, %add3A_292 : i32
      %dma_wait3A_294 = arith.constant 2 : i32
      %dma_wait3A_295 = arith.constant 0 : i32
      %dma_wait3A_296 = arith.constant 0 : i32
      %dma_wait3A_297 = arith.constant 0 : i32
      %dma_wait3A_298 = tpu.memref_slice %arg9[%dma_wait3A_295, %dma_wait3A_296, %dma_wait3A_297] : memref<2x128x128xf32, #tpu.memory_space<vmem>> -> memref<1x128x128xf32, #tpu.memory_space<vmem>>
      %dma_wait3A_299 = tpu.memref_squeeze %dma_wait3A_298 : memref<1x128x128xf32, #tpu.memory_space<vmem>> -> memref<128x128xf32, #tpu.memory_space<vmem>>
      %dma_wait3A_300 = arith.constant 0 : i32
      %dma_wait3A_301 = tpu.memref_slice %arg7[%dma_wait3A_294, %dma_wait3A_300] : memref<4x128xi32, #tpu.memory_space<vmem>> -> memref<1x128xi32, #tpu.memory_space<vmem>>
      %dma_wait3A_302 = tpu.memref_squeeze %dma_wait3A_301 : memref<1x128xi32, #tpu.memory_space<vmem>> -> memref<128xi32, #tpu.memory_space<vmem>>
      %dma_wait3A_303 = arith.constant 0 : i32
      %dma_wait3A_304 = arith.constant 0 : i32
      %dma_wait3A_305 = tpu.memref_slice %arg2[%dma_wait3A_303, %dma_wait3A_304] : memref<10240x128xf32, #tpu.memory_space<hbm>> -> memref<10240x128xf32, #tpu.memory_space<hbm>>
      tpu.wait_indirect_dma semaphore(%arg10 : memref<!tpu.dma_semaphore, #tpu.memory_space<semaphore_mem>>) src(%dma_wait3A_305 : memref<10240x128xf32, #tpu.memory_space<hbm>>) dst(%dma_wait3A_299 : memref<128x128xf32, #tpu.memory_space<vmem>>)
      %dma_wait3A_306 = arith.constant 0 : i32
      %dma_wait3A_307 = arith.constant 2 : i32
      %dma_wait3A_308 = arith.constant 0 : i32
      %dma_wait3A_309 = tpu.memref_slice %arg8[%dma_wait3A_307, %dma_wait3A_308] : memref<4x128xi32, #tpu.memory_space<vmem>> -> memref<1x128xi32, #tpu.memory_space<vmem>>
      %dma_wait3A_310 = tpu.memref_squeeze %dma_wait3A_309 : memref<1x128xi32, #tpu.memory_space<vmem>> -> memref<128xi32, #tpu.memory_space<vmem>>
      %dma_wait3A_311 = arith.constant 0 : i32
      %dma_wait3A_312 = tpu.memref_slice %arg4[%dma_wait3A_306, %dma_wait3A_311] : memref<2656x128xi32, #tpu.memory_space<hbm>> -> memref<1x128xi32, #tpu.memory_space<hbm>>
      %dma_wait3A_313 = tpu.memref_squeeze %dma_wait3A_312 : memref<1x128xi32, #tpu.memory_space<hbm>> -> memref<128xi32, #tpu.memory_space<hbm>>
      %dma_wait3A_314 = arith.constant 0 : i32
      %dma_wait3A_315 = tpu.memref_slice %arg8[%dma_wait3A_307, %dma_wait3A_314] : memref<4x128xi32, #tpu.memory_space<vmem>> -> memref<1x128xi32, #tpu.memory_space<vmem>>
      %dma_wait3A_316 = tpu.memref_squeeze %dma_wait3A_315 : memref<1x128xi32, #tpu.memory_space<vmem>> -> memref<128xi32, #tpu.memory_space<vmem>>
      %dma_wait3A_317 = arith.constant 0 : i32
      %dma_wait3A_318 = tpu.memref_slice %arg4[%dma_wait3A_306, %dma_wait3A_317] : memref<2656x128xi32, #tpu.memory_space<hbm>> -> memref<1x128xi32, #tpu.memory_space<hbm>>
      %dma_wait3A_319 = tpu.memref_squeeze %dma_wait3A_318 : memref<1x128xi32, #tpu.memory_space<hbm>> -> memref<128xi32, #tpu.memory_space<hbm>>
      tpu.wait_dma2 semaphore(%arg18 : memref<!tpu.dma_semaphore, #tpu.memory_space<semaphore_mem>>) src(%dma_wait3A_319 : memref<128xi32, #tpu.memory_space<hbm>>) dst(%dma_wait3A_316 : memref<128xi32, #tpu.memory_space<vmem>>)
      %run_scoped3A_320 = arith.constant 0 : i32
      %run_scoped3A_321 = arith.constant 2 : i32
      "tpu.region"() ({
        %run_scoped3A_376 = tpu.sem_alloc : memref<!tpu.dma_semaphore, #tpu.memory_space<semaphore_mem>>
        %dma_start3A_377 = arith.constant 0 : i32
        %dma_start3A_378 = arith.constant 0 : i32
        %dma_start3A_379 = tpu.memref_slice %arg9[%run_scoped3A_320, %dma_start3A_377, %dma_start3A_378] : memref<2x128x128xf32, #tpu.memory_space<vmem>> -> memref<1x128x128xf32, #tpu.memory_space<vmem>>
        %dma_start3A_380 = tpu.memref_squeeze %dma_start3A_379 : memref<1x128x128xf32, #tpu.memory_space<vmem>> -> memref<128x128xf32, #tpu.memory_space<vmem>>
        %dma_start3A_381 = arith.constant 0 : i32
        %dma_start3A_382 = tpu.memref_slice %arg8[%run_scoped3A_321, %dma_start3A_381] : memref<4x128xi32, #tpu.memory_space<vmem>> -> memref<1x128xi32, #tpu.memory_space<vmem>>
        %dma_start3A_383 = tpu.memref_squeeze %dma_start3A_382 : memref<1x128xi32, #tpu.memory_space<vmem>> -> memref<128xi32, #tpu.memory_space<vmem>>
        %dma_start3A_384 = arith.constant 0 : i32
        %dma_start3A_385 = arith.constant 0 : i32
        %dma_start3A_386 = tpu.memref_slice %arg20[%dma_start3A_384, %dma_start3A_385] : memref<10112x128xf32, #tpu.memory_space<vmem_shared>> -> memref<10112x128xf32, #tpu.memory_space<vmem_shared>>
        tpu.enqueue_indirect_dma source(%dma_start3A_380 : memref<128x128xf32, #tpu.memory_space<vmem>>) target(%dma_start3A_386 : memref<10112x128xf32, #tpu.memory_space<vmem_shared>>) offsets(%dma_start3A_383 : memref<128xi32, #tpu.memory_space<vmem>>) semaphore(%run_scoped3A_376 : memref<!tpu.dma_semaphore, #tpu.memory_space<semaphore_mem>>) {add = true}
        %dma_wait3A_387 = arith.constant 0 : i32
        %dma_wait3A_388 = arith.constant 0 : i32
        %dma_wait3A_389 = tpu.memref_slice %arg9[%run_scoped3A_320, %dma_wait3A_387, %dma_wait3A_388] : memref<2x128x128xf32, #tpu.memory_space<vmem>> -> memref<1x128x128xf32, #tpu.memory_space<vmem>>
        %dma_wait3A_390 = tpu.memref_squeeze %dma_wait3A_389 : memref<1x128x128xf32, #tpu.memory_space<vmem>> -> memref<128x128xf32, #tpu.memory_space<vmem>>
        %dma_wait3A_391 = arith.constant 0 : i32
        %dma_wait3A_392 = tpu.memref_slice %arg8[%run_scoped3A_321, %dma_wait3A_391] : memref<4x128xi32, #tpu.memory_space<vmem>> -> memref<1x128xi32, #tpu.memory_space<vmem>>
        %dma_wait3A_393 = tpu.memref_squeeze %dma_wait3A_392 : memref<1x128xi32, #tpu.memory_space<vmem>> -> memref<128xi32, #tpu.memory_space<vmem>>
        %dma_wait3A_394 = arith.constant 0 : i32
        %dma_wait3A_395 = arith.constant 0 : i32
        %dma_wait3A_396 = tpu.memref_slice %arg20[%dma_wait3A_394, %dma_wait3A_395] : memref<10112x128xf32, #tpu.memory_space<vmem_shared>> -> memref<10112x128xf32, #tpu.memory_space<vmem_shared>>
        tpu.wait_indirect_dma semaphore(%run_scoped3A_376 : memref<!tpu.dma_semaphore, #tpu.memory_space<semaphore_mem>>) src(%dma_wait3A_390 : memref<128x128xf32, #tpu.memory_space<vmem>>) dst(%dma_wait3A_396 : memref<10112x128xf32, #tpu.memory_space<vmem_shared>>)
        tpu.yield
      }) : () -> ()
      %add3A_322 = arith.constant 4 : i32
      %add3A_323 = arith.addi %add3A_293, %add3A_322 : i32
      %lt3A_324 = arith.cmpi slt, %add3A_323, %select_n3A_8 : i32
      %convert_element_type3A_325 = arith.extui %lt3A_324 : i1 to i32
      %cond3A_326 = arith.constant 0 : i32
      %cond3A_327 = arith.cmpi ne, %convert_element_type3A_325, %cond3A_326 : i32
      scf.if %cond3A_327 {
        %add3A_376 = arith.constant 4 : i32
        %add3A_377 = arith.addi %add3A_293, %add3A_376 : i32
        %add3A_378 = arith.addi %select_n3A, %add3A_377 : i32
        %dma_start3A_379 = arith.constant 2 : i32
        %dma_start3A_380 = arith.constant 0 : i32
        %dma_start3A_381 = tpu.memref_slice %arg7[%dma_start3A_379, %dma_start3A_380] : memref<4x128xi32, #tpu.memory_space<vmem>> -> memref<1x128xi32, #tpu.memory_space<vmem>>
        %dma_start3A_382 = tpu.memref_squeeze %dma_start3A_381 : memref<1x128xi32, #tpu.memory_space<vmem>> -> memref<128xi32, #tpu.memory_space<vmem>>
        %dma_start3A_383 = arith.constant 0 : i32
        %dma_start3A_384 = tpu.memref_slice %arg3[%add3A_378, %dma_start3A_383] : memref<2656x128xi32, #tpu.memory_space<hbm>> -> memref<1x128xi32, #tpu.memory_space<hbm>>
        %dma_start3A_385 = tpu.memref_squeeze %dma_start3A_384 : memref<1x128xi32, #tpu.memory_space<hbm>> -> memref<128xi32, #tpu.memory_space<hbm>>
        %dma_start3A_386 = arith.constant 0 : i32
        %dma_start3A_387 = tpu.memref_slice %arg7[%dma_start3A_379, %dma_start3A_386] : memref<4x128xi32, #tpu.memory_space<vmem>> -> memref<1x128xi32, #tpu.memory_space<vmem>>
        %dma_start3A_388 = tpu.memref_squeeze %dma_start3A_387 : memref<1x128xi32, #tpu.memory_space<vmem>> -> memref<128xi32, #tpu.memory_space<vmem>>
        %dma_start3A_389 = arith.constant 0 : i32
        %dma_start3A_390 = tpu.memref_slice %arg3[%add3A_378, %dma_start3A_389] : memref<2656x128xi32, #tpu.memory_space<hbm>> -> memref<1x128xi32, #tpu.memory_space<hbm>>
        %dma_start3A_391 = tpu.memref_squeeze %dma_start3A_390 : memref<1x128xi32, #tpu.memory_space<hbm>> -> memref<128xi32, #tpu.memory_space<hbm>>
        tpu.enqueue_dma source(%dma_start3A_391 : memref<128xi32, #tpu.memory_space<hbm>>) target(%dma_start3A_388 : memref<128xi32, #tpu.memory_space<vmem>>) target_semaphore(%arg14 : memref<!tpu.dma_semaphore, #tpu.memory_space<semaphore_mem>>)
        %add3A_392 = arith.addi %select_n3A, %add3A_377 : i32
        %dma_start3A_393 = arith.constant 2 : i32
        %dma_start3A_394 = arith.constant 0 : i32
        %dma_start3A_395 = tpu.memref_slice %arg8[%dma_start3A_393, %dma_start3A_394] : memref<4x128xi32, #tpu.memory_space<vmem>> -> memref<1x128xi32, #tpu.memory_space<vmem>>
        %dma_start3A_396 = tpu.memref_squeeze %dma_start3A_395 : memref<1x128xi32, #tpu.memory_space<vmem>> -> memref<128xi32, #tpu.memory_space<vmem>>
        %dma_start3A_397 = arith.constant 0 : i32
        %dma_start3A_398 = tpu.memref_slice %arg4[%add3A_392, %dma_start3A_397] : memref<2656x128xi32, #tpu.memory_space<hbm>> -> memref<1x128xi32, #tpu.memory_space<hbm>>
        %dma_start3A_399 = tpu.memref_squeeze %dma_start3A_398 : memref<1x128xi32, #tpu.memory_space<hbm>> -> memref<128xi32, #tpu.memory_space<hbm>>
        %dma_start3A_400 = arith.constant 0 : i32
        %dma_start3A_401 = tpu.memref_slice %arg8[%dma_start3A_393, %dma_start3A_400] : memref<4x128xi32, #tpu.memory_space<vmem>> -> memref<1x128xi32, #tpu.memory_space<vmem>>
        %dma_start3A_402 = tpu.memref_squeeze %dma_start3A_401 : memref<1x128xi32, #tpu.memory_space<vmem>> -> memref<128xi32, #tpu.memory_space<vmem>>
        %dma_start3A_403 = arith.constant 0 : i32
        %dma_start3A_404 = tpu.memref_slice %arg4[%add3A_392, %dma_start3A_403] : memref<2656x128xi32, #tpu.memory_space<hbm>> -> memref<1x128xi32, #tpu.memory_space<hbm>>
        %dma_start3A_405 = tpu.memref_squeeze %dma_start3A_404 : memref<1x128xi32, #tpu.memory_space<hbm>> -> memref<128xi32, #tpu.memory_space<hbm>>
        tpu.enqueue_dma source(%dma_start3A_405 : memref<128xi32, #tpu.memory_space<hbm>>) target(%dma_start3A_402 : memref<128xi32, #tpu.memory_space<vmem>>) target_semaphore(%arg18 : memref<!tpu.dma_semaphore, #tpu.memory_space<semaphore_mem>>)
      } else {
      }
      %add3A_328 = arith.constant 2 : i32
      %add3A_329 = arith.addi %add3A_293, %add3A_328 : i32
      %lt3A_330 = arith.cmpi slt, %add3A_329, %select_n3A_8 : i32
      %convert_element_type3A_331 = arith.extui %lt3A_330 : i1 to i32
      %cond3A_332 = arith.constant 0 : i32
      %cond3A_333 = arith.cmpi ne, %convert_element_type3A_331, %cond3A_332 : i32
      scf.if %cond3A_333 {
        %dma_wait3A_376 = arith.constant 0 : i32
        %dma_wait3A_377 = arith.constant 0 : i32
        %dma_wait3A_378 = arith.constant 0 : i32
        %dma_wait3A_379 = tpu.memref_slice %arg7[%dma_wait3A_377, %dma_wait3A_378] : memref<4x128xi32, #tpu.memory_space<vmem>> -> memref<1x128xi32, #tpu.memory_space<vmem>>
        %dma_wait3A_380 = tpu.memref_squeeze %dma_wait3A_379 : memref<1x128xi32, #tpu.memory_space<vmem>> -> memref<128xi32, #tpu.memory_space<vmem>>
        %dma_wait3A_381 = arith.constant 0 : i32
        %dma_wait3A_382 = tpu.memref_slice %arg3[%dma_wait3A_376, %dma_wait3A_381] : memref<2656x128xi32, #tpu.memory_space<hbm>> -> memref<1x128xi32, #tpu.memory_space<hbm>>
        %dma_wait3A_383 = tpu.memref_squeeze %dma_wait3A_382 : memref<1x128xi32, #tpu.memory_space<hbm>> -> memref<128xi32, #tpu.memory_space<hbm>>
        %dma_wait3A_384 = arith.constant 0 : i32
        %dma_wait3A_385 = tpu.memref_slice %arg7[%dma_wait3A_377, %dma_wait3A_384] : memref<4x128xi32, #tpu.memory_space<vmem>> -> memref<1x128xi32, #tpu.memory_space<vmem>>
        %dma_wait3A_386 = tpu.memref_squeeze %dma_wait3A_385 : memref<1x128xi32, #tpu.memory_space<vmem>> -> memref<128xi32, #tpu.memory_space<vmem>>
        %dma_wait3A_387 = arith.constant 0 : i32
        %dma_wait3A_388 = tpu.memref_slice %arg3[%dma_wait3A_376, %dma_wait3A_387] : memref<2656x128xi32, #tpu.memory_space<hbm>> -> memref<1x128xi32, #tpu.memory_space<hbm>>
        %dma_wait3A_389 = tpu.memref_squeeze %dma_wait3A_388 : memref<1x128xi32, #tpu.memory_space<hbm>> -> memref<128xi32, #tpu.memory_space<hbm>>
        tpu.wait_dma2 semaphore(%arg12 : memref<!tpu.dma_semaphore, #tpu.memory_space<semaphore_mem>>) src(%dma_wait3A_389 : memref<128xi32, #tpu.memory_space<hbm>>) dst(%dma_wait3A_386 : memref<128xi32, #tpu.memory_space<vmem>>)
        %dma_start3A_390 = arith.constant 0 : i32
        %dma_start3A_391 = arith.constant 0 : i32
        %dma_start3A_392 = arith.constant 0 : i32
        %dma_start3A_393 = arith.constant 0 : i32
        %dma_start3A_394 = tpu.memref_slice %arg9[%dma_start3A_391, %dma_start3A_392, %dma_start3A_393] : memref<2x128x128xf32, #tpu.memory_space<vmem>> -> memref<1x128x128xf32, #tpu.memory_space<vmem>>
        %dma_start3A_395 = tpu.memref_squeeze %dma_start3A_394 : memref<1x128x128xf32, #tpu.memory_space<vmem>> -> memref<128x128xf32, #tpu.memory_space<vmem>>
        %dma_start3A_396 = arith.constant 0 : i32
        %dma_start3A_397 = tpu.memref_slice %arg7[%dma_start3A_390, %dma_start3A_396] : memref<4x128xi32, #tpu.memory_space<vmem>> -> memref<1x128xi32, #tpu.memory_space<vmem>>
        %dma_start3A_398 = tpu.memref_squeeze %dma_start3A_397 : memref<1x128xi32, #tpu.memory_space<vmem>> -> memref<128xi32, #tpu.memory_space<vmem>>
        %dma_start3A_399 = arith.constant 0 : i32
        %dma_start3A_400 = arith.constant 0 : i32
        %dma_start3A_401 = tpu.memref_slice %arg2[%dma_start3A_399, %dma_start3A_400] : memref<10240x128xf32, #tpu.memory_space<hbm>> -> memref<10240x128xf32, #tpu.memory_space<hbm>>
        tpu.enqueue_indirect_dma source(%dma_start3A_401 : memref<10240x128xf32, #tpu.memory_space<hbm>>) target(%dma_start3A_395 : memref<128x128xf32, #tpu.memory_space<vmem>>) offsets(%dma_start3A_398 : memref<128xi32, #tpu.memory_space<vmem>>) semaphore(%arg10 : memref<!tpu.dma_semaphore, #tpu.memory_space<semaphore_mem>>)
      } else {
      }
      %add3A_334 = arith.constant 3 : i32
      %add3A_335 = arith.addi %mul3A_211, %add3A_334 : i32
      %dma_wait3A_336 = arith.constant 3 : i32
      %dma_wait3A_337 = arith.constant 1 : i32
      %dma_wait3A_338 = arith.constant 0 : i32
      %dma_wait3A_339 = arith.constant 0 : i32
      %dma_wait3A_340 = tpu.memref_slice %arg9[%dma_wait3A_337, %dma_wait3A_338, %dma_wait3A_339] : memref<2x128x128xf32, #tpu.memory_space<vmem>> -> memref<1x128x128xf32, #tpu.memory_space<vmem>>
      %dma_wait3A_341 = tpu.memref_squeeze %dma_wait3A_340 : memref<1x128x128xf32, #tpu.memory_space<vmem>> -> memref<128x128xf32, #tpu.memory_space<vmem>>
      %dma_wait3A_342 = arith.constant 0 : i32
      %dma_wait3A_343 = tpu.memref_slice %arg7[%dma_wait3A_336, %dma_wait3A_342] : memref<4x128xi32, #tpu.memory_space<vmem>> -> memref<1x128xi32, #tpu.memory_space<vmem>>
      %dma_wait3A_344 = tpu.memref_squeeze %dma_wait3A_343 : memref<1x128xi32, #tpu.memory_space<vmem>> -> memref<128xi32, #tpu.memory_space<vmem>>
      %dma_wait3A_345 = arith.constant 0 : i32
      %dma_wait3A_346 = arith.constant 0 : i32
      %dma_wait3A_347 = tpu.memref_slice %arg2[%dma_wait3A_345, %dma_wait3A_346] : memref<10240x128xf32, #tpu.memory_space<hbm>> -> memref<10240x128xf32, #tpu.memory_space<hbm>>
      tpu.wait_indirect_dma semaphore(%arg11 : memref<!tpu.dma_semaphore, #tpu.memory_space<semaphore_mem>>) src(%dma_wait3A_347 : memref<10240x128xf32, #tpu.memory_space<hbm>>) dst(%dma_wait3A_341 : memref<128x128xf32, #tpu.memory_space<vmem>>)
      %dma_wait3A_348 = arith.constant 0 : i32
      %dma_wait3A_349 = arith.constant 3 : i32
      %dma_wait3A_350 = arith.constant 0 : i32
      %dma_wait3A_351 = tpu.memref_slice %arg8[%dma_wait3A_349, %dma_wait3A_350] : memref<4x128xi32, #tpu.memory_space<vmem>> -> memref<1x128xi32, #tpu.memory_space<vmem>>
      %dma_wait3A_352 = tpu.memref_squeeze %dma_wait3A_351 : memref<1x128xi32, #tpu.memory_space<vmem>> -> memref<128xi32, #tpu.memory_space<vmem>>
      %dma_wait3A_353 = arith.constant 0 : i32
      %dma_wait3A_354 = tpu.memref_slice %arg4[%dma_wait3A_348, %dma_wait3A_353] : memref<2656x128xi32, #tpu.memory_space<hbm>> -> memref<1x128xi32, #tpu.memory_space<hbm>>
      %dma_wait3A_355 = tpu.memref_squeeze %dma_wait3A_354 : memref<1x128xi32, #tpu.memory_space<hbm>> -> memref<128xi32, #tpu.memory_space<hbm>>
      %dma_wait3A_356 = arith.constant 0 : i32
      %dma_wait3A_357 = tpu.memref_slice %arg8[%dma_wait3A_349, %dma_wait3A_356] : memref<4x128xi32, #tpu.memory_space<vmem>> -> memref<1x128xi32, #tpu.memory_space<vmem>>
      %dma_wait3A_358 = tpu.memref_squeeze %dma_wait3A_357 : memref<1x128xi32, #tpu.memory_space<vmem>> -> memref<128xi32, #tpu.memory_space<vmem>>
      %dma_wait3A_359 = arith.constant 0 : i32
      %dma_wait3A_360 = tpu.memref_slice %arg4[%dma_wait3A_348, %dma_wait3A_359] : memref<2656x128xi32, #tpu.memory_space<hbm>> -> memref<1x128xi32, #tpu.memory_space<hbm>>
      %dma_wait3A_361 = tpu.memref_squeeze %dma_wait3A_360 : memref<1x128xi32, #tpu.memory_space<hbm>> -> memref<128xi32, #tpu.memory_space<hbm>>
      tpu.wait_dma2 semaphore(%arg19 : memref<!tpu.dma_semaphore, #tpu.memory_space<semaphore_mem>>) src(%dma_wait3A_361 : memref<128xi32, #tpu.memory_space<hbm>>) dst(%dma_wait3A_358 : memref<128xi32, #tpu.memory_space<vmem>>)
      %run_scoped3A_362 = arith.constant 1 : i32
      %run_scoped3A_363 = arith.constant 3 : i32
      "tpu.region"() ({
        %run_scoped3A_376 = tpu.sem_alloc : memref<!tpu.dma_semaphore, #tpu.memory_space<semaphore_mem>>
        %dma_start3A_377 = arith.constant 0 : i32
        %dma_start3A_378 = arith.constant 0 : i32
        %dma_start3A_379 = tpu.memref_slice %arg9[%run_scoped3A_362, %dma_start3A_377, %dma_start3A_378] : memref<2x128x128xf32, #tpu.memory_space<vmem>> -> memref<1x128x128xf32, #tpu.memory_space<vmem>>
        %dma_start3A_380 = tpu.memref_squeeze %dma_start3A_379 : memref<1x128x128xf32, #tpu.memory_space<vmem>> -> memref<128x128xf32, #tpu.memory_space<vmem>>
        %dma_start3A_381 = arith.constant 0 : i32
        %dma_start3A_382 = tpu.memref_slice %arg8[%run_scoped3A_363, %dma_start3A_381] : memref<4x128xi32, #tpu.memory_space<vmem>> -> memref<1x128xi32, #tpu.memory_space<vmem>>
        %dma_start3A_383 = tpu.memref_squeeze %dma_start3A_382 : memref<1x128xi32, #tpu.memory_space<vmem>> -> memref<128xi32, #tpu.memory_space<vmem>>
        %dma_start3A_384 = arith.constant 0 : i32
        %dma_start3A_385 = arith.constant 0 : i32
        %dma_start3A_386 = tpu.memref_slice %arg20[%dma_start3A_384, %dma_start3A_385] : memref<10112x128xf32, #tpu.memory_space<vmem_shared>> -> memref<10112x128xf32, #tpu.memory_space<vmem_shared>>
        tpu.enqueue_indirect_dma source(%dma_start3A_380 : memref<128x128xf32, #tpu.memory_space<vmem>>) target(%dma_start3A_386 : memref<10112x128xf32, #tpu.memory_space<vmem_shared>>) offsets(%dma_start3A_383 : memref<128xi32, #tpu.memory_space<vmem>>) semaphore(%run_scoped3A_376 : memref<!tpu.dma_semaphore, #tpu.memory_space<semaphore_mem>>) {add = true}
        %dma_wait3A_387 = arith.constant 0 : i32
        %dma_wait3A_388 = arith.constant 0 : i32
        %dma_wait3A_389 = tpu.memref_slice %arg9[%run_scoped3A_362, %dma_wait3A_387, %dma_wait3A_388] : memref<2x128x128xf32, #tpu.memory_space<vmem>> -> memref<1x128x128xf32, #tpu.memory_space<vmem>>
        %dma_wait3A_390 = tpu.memref_squeeze %dma_wait3A_389 : memref<1x128x128xf32, #tpu.memory_space<vmem>> -> memref<128x128xf32, #tpu.memory_space<vmem>>
        %dma_wait3A_391 = arith.constant 0 : i32
        %dma_wait3A_392 = tpu.memref_slice %arg8[%run_scoped3A_363, %dma_wait3A_391] : memref<4x128xi32, #tpu.memory_space<vmem>> -> memref<1x128xi32, #tpu.memory_space<vmem>>
        %dma_wait3A_393 = tpu.memref_squeeze %dma_wait3A_392 : memref<1x128xi32, #tpu.memory_space<vmem>> -> memref<128xi32, #tpu.memory_space<vmem>>
        %dma_wait3A_394 = arith.constant 0 : i32
        %dma_wait3A_395 = arith.constant 0 : i32
        %dma_wait3A_396 = tpu.memref_slice %arg20[%dma_wait3A_394, %dma_wait3A_395] : memref<10112x128xf32, #tpu.memory_space<vmem_shared>> -> memref<10112x128xf32, #tpu.memory_space<vmem_shared>>
        tpu.wait_indirect_dma semaphore(%run_scoped3A_376 : memref<!tpu.dma_semaphore, #tpu.memory_space<semaphore_mem>>) src(%dma_wait3A_390 : memref<128x128xf32, #tpu.memory_space<vmem>>) dst(%dma_wait3A_396 : memref<10112x128xf32, #tpu.memory_space<vmem_shared>>)
        tpu.yield
      }) : () -> ()
      %add3A_364 = arith.constant 4 : i32
      %add3A_365 = arith.addi %add3A_335, %add3A_364 : i32
      %lt3A_366 = arith.cmpi slt, %add3A_365, %select_n3A_8 : i32
      %convert_element_type3A_367 = arith.extui %lt3A_366 : i1 to i32
      %cond3A_368 = arith.constant 0 : i32
      %cond3A_369 = arith.cmpi ne, %convert_element_type3A_367, %cond3A_368 : i32
      scf.if %cond3A_369 {
        %add3A_376 = arith.constant 4 : i32
        %add3A_377 = arith.addi %add3A_335, %add3A_376 : i32
        %add3A_378 = arith.addi %select_n3A, %add3A_377 : i32
        %dma_start3A_379 = arith.constant 3 : i32
        %dma_start3A_380 = arith.constant 0 : i32
        %dma_start3A_381 = tpu.memref_slice %arg7[%dma_start3A_379, %dma_start3A_380] : memref<4x128xi32, #tpu.memory_space<vmem>> -> memref<1x128xi32, #tpu.memory_space<vmem>>
        %dma_start3A_382 = tpu.memref_squeeze %dma_start3A_381 : memref<1x128xi32, #tpu.memory_space<vmem>> -> memref<128xi32, #tpu.memory_space<vmem>>
        %dma_start3A_383 = arith.constant 0 : i32
        %dma_start3A_384 = tpu.memref_slice %arg3[%add3A_378, %dma_start3A_383] : memref<2656x128xi32, #tpu.memory_space<hbm>> -> memref<1x128xi32, #tpu.memory_space<hbm>>
        %dma_start3A_385 = tpu.memref_squeeze %dma_start3A_384 : memref<1x128xi32, #tpu.memory_space<hbm>> -> memref<128xi32, #tpu.memory_space<hbm>>
        %dma_start3A_386 = arith.constant 0 : i32
        %dma_start3A_387 = tpu.memref_slice %arg7[%dma_start3A_379, %dma_start3A_386] : memref<4x128xi32, #tpu.memory_space<vmem>> -> memref<1x128xi32, #tpu.memory_space<vmem>>
        %dma_start3A_388 = tpu.memref_squeeze %dma_start3A_387 : memref<1x128xi32, #tpu.memory_space<vmem>> -> memref<128xi32, #tpu.memory_space<vmem>>
        %dma_start3A_389 = arith.constant 0 : i32
        %dma_start3A_390 = tpu.memref_slice %arg3[%add3A_378, %dma_start3A_389] : memref<2656x128xi32, #tpu.memory_space<hbm>> -> memref<1x128xi32, #tpu.memory_space<hbm>>
        %dma_start3A_391 = tpu.memref_squeeze %dma_start3A_390 : memref<1x128xi32, #tpu.memory_space<hbm>> -> memref<128xi32, #tpu.memory_space<hbm>>
        tpu.enqueue_dma source(%dma_start3A_391 : memref<128xi32, #tpu.memory_space<hbm>>) target(%dma_start3A_388 : memref<128xi32, #tpu.memory_space<vmem>>) target_semaphore(%arg15 : memref<!tpu.dma_semaphore, #tpu.memory_space<semaphore_mem>>)
        %add3A_392 = arith.addi %select_n3A, %add3A_377 : i32
        %dma_start3A_393 = arith.constant 3 : i32
        %dma_start3A_394 = arith.constant 0 : i32
        %dma_start3A_395 = tpu.memref_slice %arg8[%dma_start3A_393, %dma_start3A_394] : memref<4x128xi32, #tpu.memory_space<vmem>> -> memref<1x128xi32, #tpu.memory_space<vmem>>
        %dma_start3A_396 = tpu.memref_squeeze %dma_start3A_395 : memref<1x128xi32, #tpu.memory_space<vmem>> -> memref<128xi32, #tpu.memory_space<vmem>>
        %dma_start3A_397 = arith.constant 0 : i32
        %dma_start3A_398 = tpu.memref_slice %arg4[%add3A_392, %dma_start3A_397] : memref<2656x128xi32, #tpu.memory_space<hbm>> -> memref<1x128xi32, #tpu.memory_space<hbm>>
        %dma_start3A_399 = tpu.memref_squeeze %dma_start3A_398 : memref<1x128xi32, #tpu.memory_space<hbm>> -> memref<128xi32, #tpu.memory_space<hbm>>
        %dma_start3A_400 = arith.constant 0 : i32
        %dma_start3A_401 = tpu.memref_slice %arg8[%dma_start3A_393, %dma_start3A_400] : memref<4x128xi32, #tpu.memory_space<vmem>> -> memref<1x128xi32, #tpu.memory_space<vmem>>
        %dma_start3A_402 = tpu.memref_squeeze %dma_start3A_401 : memref<1x128xi32, #tpu.memory_space<vmem>> -> memref<128xi32, #tpu.memory_space<vmem>>
        %dma_start3A_403 = arith.constant 0 : i32
        %dma_start3A_404 = tpu.memref_slice %arg4[%add3A_392, %dma_start3A_403] : memref<2656x128xi32, #tpu.memory_space<hbm>> -> memref<1x128xi32, #tpu.memory_space<hbm>>
        %dma_start3A_405 = tpu.memref_squeeze %dma_start3A_404 : memref<1x128xi32, #tpu.memory_space<hbm>> -> memref<128xi32, #tpu.memory_space<hbm>>
        tpu.enqueue_dma source(%dma_start3A_405 : memref<128xi32, #tpu.memory_space<hbm>>) target(%dma_start3A_402 : memref<128xi32, #tpu.memory_space<vmem>>) target_semaphore(%arg19 : memref<!tpu.dma_semaphore, #tpu.memory_space<semaphore_mem>>)
      } else {
      }
      %add3A_370 = arith.constant 2 : i32
      %add3A_371 = arith.addi %add3A_335, %add3A_370 : i32
      %lt3A_372 = arith.cmpi slt, %add3A_371, %select_n3A_8 : i32
      %convert_element_type3A_373 = arith.extui %lt3A_372 : i1 to i32
      %cond3A_374 = arith.constant 0 : i32
      %cond3A_375 = arith.cmpi ne, %convert_element_type3A_373, %cond3A_374 : i32
      scf.if %cond3A_375 {
        %dma_wait3A_376 = arith.constant 0 : i32
        %dma_wait3A_377 = arith.constant 1 : i32
        %dma_wait3A_378 = arith.constant 0 : i32
        %dma_wait3A_379 = tpu.memref_slice %arg7[%dma_wait3A_377, %dma_wait3A_378] : memref<4x128xi32, #tpu.memory_space<vmem>> -> memref<1x128xi32, #tpu.memory_space<vmem>>
        %dma_wait3A_380 = tpu.memref_squeeze %dma_wait3A_379 : memref<1x128xi32, #tpu.memory_space<vmem>> -> memref<128xi32, #tpu.memory_space<vmem>>
        %dma_wait3A_381 = arith.constant 0 : i32
        %dma_wait3A_382 = tpu.memref_slice %arg3[%dma_wait3A_376, %dma_wait3A_381] : memref<2656x128xi32, #tpu.memory_space<hbm>> -> memref<1x128xi32, #tpu.memory_space<hbm>>
        %dma_wait3A_383 = tpu.memref_squeeze %dma_wait3A_382 : memref<1x128xi32, #tpu.memory_space<hbm>> -> memref<128xi32, #tpu.memory_space<hbm>>
        %dma_wait3A_384 = arith.constant 0 : i32
        %dma_wait3A_385 = tpu.memref_slice %arg7[%dma_wait3A_377, %dma_wait3A_384] : memref<4x128xi32, #tpu.memory_space<vmem>> -> memref<1x128xi32, #tpu.memory_space<vmem>>
        %dma_wait3A_386 = tpu.memref_squeeze %dma_wait3A_385 : memref<1x128xi32, #tpu.memory_space<vmem>> -> memref<128xi32, #tpu.memory_space<vmem>>
        %dma_wait3A_387 = arith.constant 0 : i32
        %dma_wait3A_388 = tpu.memref_slice %arg3[%dma_wait3A_376, %dma_wait3A_387] : memref<2656x128xi32, #tpu.memory_space<hbm>> -> memref<1x128xi32, #tpu.memory_space<hbm>>
        %dma_wait3A_389 = tpu.memref_squeeze %dma_wait3A_388 : memref<1x128xi32, #tpu.memory_space<hbm>> -> memref<128xi32, #tpu.memory_space<hbm>>
        tpu.wait_dma2 semaphore(%arg13 : memref<!tpu.dma_semaphore, #tpu.memory_space<semaphore_mem>>) src(%dma_wait3A_389 : memref<128xi32, #tpu.memory_space<hbm>>) dst(%dma_wait3A_386 : memref<128xi32, #tpu.memory_space<vmem>>)
        %dma_start3A_390 = arith.constant 1 : i32
        %dma_start3A_391 = arith.constant 1 : i32
        %dma_start3A_392 = arith.constant 0 : i32
        %dma_start3A_393 = arith.constant 0 : i32
        %dma_start3A_394 = tpu.memref_slice %arg9[%dma_start3A_391, %dma_start3A_392, %dma_start3A_393] : memref<2x128x128xf32, #tpu.memory_space<vmem>> -> memref<1x128x128xf32, #tpu.memory_space<vmem>>
        %dma_start3A_395 = tpu.memref_squeeze %dma_start3A_394 : memref<1x128x128xf32, #tpu.memory_space<vmem>> -> memref<128x128xf32, #tpu.memory_space<vmem>>
        %dma_start3A_396 = arith.constant 0 : i32
        %dma_start3A_397 = tpu.memref_slice %arg7[%dma_start3A_390, %dma_start3A_396] : memref<4x128xi32, #tpu.memory_space<vmem>> -> memref<1x128xi32, #tpu.memory_space<vmem>>
        %dma_start3A_398 = tpu.memref_squeeze %dma_start3A_397 : memref<1x128xi32, #tpu.memory_space<vmem>> -> memref<128xi32, #tpu.memory_space<vmem>>
        %dma_start3A_399 = arith.constant 0 : i32
        %dma_start3A_400 = arith.constant 0 : i32
        %dma_start3A_401 = tpu.memref_slice %arg2[%dma_start3A_399, %dma_start3A_400] : memref<10240x128xf32, #tpu.memory_space<hbm>> -> memref<10240x128xf32, #tpu.memory_space<hbm>>
        tpu.enqueue_indirect_dma source(%dma_start3A_401 : memref<10240x128xf32, #tpu.memory_space<hbm>>) target(%dma_start3A_395 : memref<128x128xf32, #tpu.memory_space<vmem>>) offsets(%dma_start3A_398 : memref<128xi32, #tpu.memory_space<vmem>>) semaphore(%arg11 : memref<!tpu.dma_semaphore, #tpu.memory_space<semaphore_mem>>)
      } else {
      }
    }
    %barrier3A_208 = arith.constant 0 : index
    tpu.barrier barrier_id(%barrier3A_208)
    "tpu.region"() ({
      %run_scoped3A = tpu.sem_alloc : memref<!tpu.dma_semaphore, #tpu.memory_space<semaphore_mem>>
      %dma_start3A_209 = arith.constant 0 : i32
      %dma_start3A_210 = tpu.memref_slice %arg6[%arg0, %mul3A_10, %dma_start3A_209] : memref<2x10112x128xf32, #tpu.memory_space<hbm>> -> memref<1x632x128xf32, #tpu.memory_space<hbm>>
      %dma_start3A_211 = tpu.memref_squeeze %dma_start3A_210 : memref<1x632x128xf32, #tpu.memory_space<hbm>> -> memref<632x128xf32, #tpu.memory_space<hbm>>
      %dma_start3A_212 = arith.constant 0 : i32
      %dma_start3A_213 = tpu.memref_slice %arg20[%mul3A_10, %dma_start3A_212] : memref<10112x128xf32, #tpu.memory_space<vmem_shared>> -> memref<632x128xf32, #tpu.memory_space<vmem_shared>>
      tpu.enqueue_dma source(%dma_start3A_213 : memref<632x128xf32, #tpu.memory_space<vmem_shared>>) target(%dma_start3A_211 : memref<632x128xf32, #tpu.memory_space<hbm>>) target_semaphore(%run_scoped3A : memref<!tpu.dma_semaphore, #tpu.memory_space<semaphore_mem>>)
      %dma_wait3A_214 = arith.constant 0 : i32
      %dma_wait3A_215 = tpu.memref_slice %arg6[%arg0, %mul3A_10, %dma_wait3A_214] : memref<2x10112x128xf32, #tpu.memory_space<hbm>> -> memref<1x632x128xf32, #tpu.memory_space<hbm>>
      %dma_wait3A_216 = tpu.memref_squeeze %dma_wait3A_215 : memref<1x632x128xf32, #tpu.memory_space<hbm>> -> memref<632x128xf32, #tpu.memory_space<hbm>>
      %dma_wait3A_217 = arith.constant 0 : i32
      %dma_wait3A_218 = tpu.memref_slice %arg20[%mul3A_10, %dma_wait3A_217] : memref<10112x128xf32, #tpu.memory_space<vmem_shared>> -> memref<632x128xf32, #tpu.memory_space<vmem_shared>>
      tpu.wait_dma2 semaphore(%run_scoped3A : memref<!tpu.dma_semaphore, #tpu.memory_space<semaphore_mem>>) src(%dma_wait3A_218 : memref<632x128xf32, #tpu.memory_space<vmem_shared>>) dst(%dma_wait3A_216 : memref<632x128xf32, #tpu.memory_space<hbm>>)
      tpu.yield
    }) : () -> ()
    return
  }
}

module attributes {stable_mosaic.version = 14 : i64} {
  func.func @_prep_body(%arg0: i32, %arg1: memref<1280x128xf32, #tpu.memory_space<vmem>>, %arg2: memref<1280x2xf32, #tpu.memory_space<vmem>>, %arg3: memref<1280x2xf32, #tpu.memory_space<vmem>>, %arg4: memref<1280x128xf32, #tpu.memory_space<vmem>>, %arg5: memref<1280x128xf32, #tpu.memory_space<vmem>>) attributes {dimension_semantics = [#tpu.dimension_semantics<arbitrary>], iteration_bounds = array<i64: 8>, scalar_prefetch = 0 : i64, scratch_operands = 0 : i64, tpu.core_type = #tpu.core_type<tc>, window_params = [{transform_indices = @transform_0, window_bounds = array<i64: 1280, 128>}, {transform_indices = @transform_1, window_bounds = array<i64: 1280, 2>}, {transform_indices = @transform_2, window_bounds = array<i64: 1280, 2>}, {transform_indices = @transform_3, window_bounds = array<i64: 1280, 128>}, {transform_indices = @transform_4, window_bounds = array<i64: 1280, 128>}]} {
    %get3A = arith.constant 0 : index
    %get3A_0 = arith.constant 0 : index
    %get3A_1 = vector.load %arg2[%get3A, %get3A_0] : memref<1280x2xf32, #tpu.memory_space<vmem>>, vector<1280x1xf32>
    %get3A_2 = arith.constant 0 : index
    %get3A_3 = arith.constant 1 : index
    %get3A_4 = vector.load %arg2[%get3A_2, %get3A_3] : memref<1280x2xf32, #tpu.memory_space<vmem>>, vector<1280x1xf32>
    %add3A = arith.addf %get3A_1, %get3A_4 : vector<1280x1xf32>
    %get3A_5 = arith.constant 0 : index
    %get3A_6 = arith.constant 0 : index
    %get3A_7 = vector.load %arg3[%get3A_5, %get3A_6] : memref<1280x2xf32, #tpu.memory_space<vmem>>, vector<1280x1xf32>
    %get3A_8 = arith.constant 0 : index
    %get3A_9 = arith.constant 1 : index
    %get3A_10 = vector.load %arg3[%get3A_8, %get3A_9] : memref<1280x2xf32, #tpu.memory_space<vmem>>, vector<1280x1xf32>
    %add3A_11 = arith.addf %get3A_7, %get3A_10 : vector<1280x1xf32>
    %gt3A = arith.constant 0.000000e+00 : f32
    %gt3A_12 = vector.broadcast %gt3A : f32 to vector<1280x1xf32>
    %gt3A_13 = arith.cmpf ogt, %add3A_11, %gt3A_12 : vector<1280x1xf32>
    %jit3A = arith.constant 0.000000e+00 : f32
    %jit3A_14 = arith.constant 1.000000e+00 : f32
    %broadcast_in_dim3A = vector.broadcast %jit3A : f32 to vector<1280x1xf32>
    %broadcast_in_dim3A_15 = vector.broadcast %jit3A_14 : f32 to vector<1280x1xf32>
    %select_n3A = arith.select %gt3A_13, %broadcast_in_dim3A, %broadcast_in_dim3A_15 : vector<1280x1xi1>, vector<1280x1xf32>
    %add3A_16 = arith.addf %add3A, %select_n3A : vector<1280x1xf32>
    %gt3A_17 = arith.constant 0.000000e+00 : f32
    %gt3A_18 = vector.broadcast %gt3A_17 : f32 to vector<1280x1xf32>
    %gt3A_19 = arith.cmpf ogt, %add3A_16, %gt3A_18 : vector<1280x1xf32>
    %div3A = arith.constant 1.000000e+00 : f32
    %div3A_20 = vector.broadcast %div3A : f32 to vector<1280x1xf32>
    %div3A_21 = arith.divf %div3A_20, %add3A_16 : vector<1280x1xf32>
    %jit3A_22 = arith.constant 0.000000e+00 : f32
    %broadcast_in_dim3A_23 = vector.broadcast %jit3A_22 : f32 to vector<1280x1xf32>
    %select_n3A_24 = arith.select %gt3A_19, %div3A_21, %broadcast_in_dim3A_23 : vector<1280x1xi1>, vector<1280x1xf32>
    %get3A_25 = arith.constant 0 : index
    %get3A_26 = arith.constant 0 : index
    %get3A_27 = vector.load %arg1[%get3A_25, %get3A_26] : memref<1280x128xf32, #tpu.memory_space<vmem>>, vector<1280x128xf32>
    %mul3A = vector.broadcast %select_n3A_24 : vector<1280x1xf32> to vector<1280x128xf32>
    %mul3A_28 = arith.mulf %get3A_27, %mul3A : vector<1280x128xf32>
    %swap3A = arith.constant 0 : index
    %swap3A_29 = arith.constant 0 : index
    %swap3A_30 = vector.load %arg4[%swap3A, %swap3A_29] : memref<1280x128xf32, #tpu.memory_space<vmem>>, vector<1280x128xf32>
    tpu.vector_store %arg4[%swap3A, %swap3A_29], %mul3A_28 {strides = array<i32>} : memref<1280x128xf32, #tpu.memory_space<vmem>>, vector<1280x128xf32>,
    %gt3A_31 = arith.constant 0.000000e+00 : f32
    %gt3A_32 = vector.broadcast %gt3A_31 : f32 to vector<1280x1xf32>
    %gt3A_33 = arith.cmpf ogt, %add3A_11, %gt3A_32 : vector<1280x1xf32>
    %jit3A_34 = arith.constant 0.000000e+00 : f32
    %broadcast_in_dim3A_35 = vector.shape_cast %gt3A_33 : vector<1280x1xi1> to vector<1280x1xi1>
    %broadcast_in_dim3A_36 = vector.broadcast %broadcast_in_dim3A_35 : vector<1280x1xi1> to vector<1280x128xi1>
    %broadcast_in_dim3A_37 = vector.broadcast %jit3A_34 : f32 to vector<1280x128xf32>
    %select_n3A_38 = arith.select %broadcast_in_dim3A_36, %broadcast_in_dim3A_37, %mul3A_28 : vector<1280x128xi1>, vector<1280x128xf32>
    %swap3A_39 = arith.constant 0 : index
    %swap3A_40 = arith.constant 0 : index
    %swap3A_41 = vector.load %arg5[%swap3A_39, %swap3A_40] : memref<1280x128xf32, #tpu.memory_space<vmem>>, vector<1280x128xf32>
    tpu.vector_store %arg5[%swap3A_39, %swap3A_40], %select_n3A_38 {strides = array<i32>} : memref<1280x128xf32, #tpu.memory_space<vmem>>, vector<1280x128xf32>,
    return
  }
  func.func @transform_0(%arg0: i32) -> (i32, i32) {
    %c0_i32 = arith.constant 0 : i32
    %c0_i32_0 = arith.constant 0 : i32
    return %arg0, %c0_i32 : i32, i32
  }
  func.func @transform_1(%arg0: i32) -> (i32, i32) {
    %c0_i32 = arith.constant 0 : i32
    %c0_i32_0 = arith.constant 0 : i32
    return %arg0, %c0_i32 : i32, i32
  }
  func.func @transform_2(%arg0: i32) -> (i32, i32) {
    %c0_i32 = arith.constant 0 : i32
    %c0_i32_0 = arith.constant 0 : i32
    return %arg0, %c0_i32 : i32, i32
  }
  func.func @transform_3(%arg0: i32) -> (i32, i32) {
    %c0_i32 = arith.constant 0 : i32
    %c0_i32_0 = arith.constant 0 : i32
    return %arg0, %c0_i32 : i32, i32
  }
  func.func @transform_4(%arg0: i32) -> (i32, i32) {
    %c0_i32 = arith.constant 0 : i32
    %c0_i32_0 = arith.constant 0 : i32
    return %arg0, %c0_i32 : i32, i32
  }
}

module attributes {stable_mosaic.version = 14 : i64} {
  func.func @_final_body(%arg0: i32, %arg1: memref<1000x128xf32, #tpu.memory_space<vmem>>, %arg2: memref<1000x128xf32, #tpu.memory_space<vmem>>, %arg3: memref<1000x128xf32, #tpu.memory_space<vmem>>, %arg4: memref<128x128xf32, #tpu.memory_space<vmem>>, %arg5: memref<1x128xf32, #tpu.memory_space<vmem>>, %arg6: memref<64x128xf32, #tpu.memory_space<vmem>>, %arg7: memref<1x64xf32, #tpu.memory_space<vmem>>, %arg8: memref<32x64xf32, #tpu.memory_space<vmem>>, %arg9: memref<1x32xf32, #tpu.memory_space<vmem>>, %arg10: memref<1x32xf32, #tpu.memory_space<vmem>>, %arg11: memref<1x1xf32, #tpu.memory_space<vmem>>, %arg12: memref<1000x1xf32, #tpu.memory_space<vmem>>) attributes {dimension_semantics = [#tpu.dimension_semantics<arbitrary>], iteration_bounds = array<i64: 10>, scalar_prefetch = 0 : i64, scratch_operands = 0 : i64, tpu.core_type = #tpu.core_type<tc>, window_params = [{transform_indices = @transform_0, window_bounds = array<i64: 1000, 128>}, {transform_indices = @transform_1, window_bounds = array<i64: 1000, 128>}, {transform_indices = @transform_2, window_bounds = array<i64: 1000, 128>}, {pipeline_mode = #tpu.pipeline_mode<synchronous>, transform_indices = @transform_3, window_bounds = array<i64: 128, 128>}, {pipeline_mode = #tpu.pipeline_mode<synchronous>, transform_indices = @transform_4, window_bounds = array<i64: 1, 128>}, {pipeline_mode = #tpu.pipeline_mode<synchronous>, transform_indices = @transform_5, window_bounds = array<i64: 64, 128>}, {pipeline_mode = #tpu.pipeline_mode<synchronous>, transform_indices = @transform_6, window_bounds = array<i64: 1, 64>}, {pipeline_mode = #tpu.pipeline_mode<synchronous>, transform_indices = @transform_7, window_bounds = array<i64: 32, 64>}, {pipeline_mode = #tpu.pipeline_mode<synchronous>, transform_indices = @transform_8, window_bounds = array<i64: 1, 32>}, {pipeline_mode = #tpu.pipeline_mode<synchronous>, transform_indices = @transform_9, window_bounds = array<i64: 1, 32>}, {pipeline_mode = #tpu.pipeline_mode<synchronous>, transform_indices = @transform_10, window_bounds = array<i64: 1, 1>}, {transform_indices = @transform_11, window_bounds = array<i64: 1000, 1>}]} {
    %get3A = arith.constant 0 : index
    %get3A_0 = arith.constant 0 : index
    %get3A_1 = vector.load %arg1[%get3A, %get3A_0] : memref<1000x128xf32, #tpu.memory_space<vmem>>, vector<1000x128xf32>
    %get3A_2 = arith.constant 0 : index
    %get3A_3 = arith.constant 0 : index
    %get3A_4 = vector.load %arg2[%get3A_2, %get3A_3] : memref<1000x128xf32, #tpu.memory_space<vmem>>, vector<1000x128xf32>
    %add3A = arith.addf %get3A_1, %get3A_4 : vector<1000x128xf32>
    %get3A_5 = arith.constant 0 : index
    %get3A_6 = arith.constant 0 : index
    %get3A_7 = vector.load %arg3[%get3A_5, %get3A_6] : memref<1000x128xf32, #tpu.memory_space<vmem>>, vector<1000x128xf32>
    %add3A_8 = arith.addf %add3A, %get3A_7 : vector<1000x128xf32>
    %get3A_9 = arith.constant 0 : index
    %get3A_10 = arith.constant 0 : index
    %get3A_11 = vector.load %arg4[%get3A_9, %get3A_10] : memref<128x128xf32, #tpu.memory_space<vmem>>, vector<128x128xf32>
    %dot_general3A = arith.constant dense<0.000000e+00> : vector<1000x128xf32>
    %dot_general3A_12 = tpu.matmul %add3A_8, %get3A_11, %dot_general3A {dimension_numbers = #tpu.dot_dimension_numbers<[1], [1], [0], [0], [0, 0, 1, 0], [], []>, transpose_lhs_hint = false} : vector<1000x128xf32>, vector<128x128xf32>, vector<1000x128xf32> -> vector<1000x128xf32>
    %get3A_13 = arith.constant 0 : index
    %get3A_14 = arith.constant 0 : index
    %get3A_15 = vector.load %arg5[%get3A_13, %get3A_14] : memref<1x128xf32, #tpu.memory_space<vmem>>, vector<1x128xf32>
    %add3A_16 = vector.broadcast %get3A_15 : vector<1x128xf32> to vector<1000x128xf32>
    %add3A_17 = arith.addf %dot_general3A_12, %add3A_16 : vector<1000x128xf32>
    %max3A = arith.constant 0.000000e+00 : f32
    %max3A_18 = vector.broadcast %max3A : f32 to vector<1000x128xf32>
    %max3A_19 = arith.maximumf %add3A_17, %max3A_18 : vector<1000x128xf32>
    %get3A_20 = arith.constant 0 : index
    %get3A_21 = arith.constant 0 : index
    %get3A_22 = vector.load %arg6[%get3A_20, %get3A_21] : memref<64x128xf32, #tpu.memory_space<vmem>>, vector<64x128xf32>
    %dot_general3A_23 = arith.constant dense<0.000000e+00> : vector<1000x64xf32>
    %dot_general3A_24 = tpu.matmul %max3A_19, %get3A_22, %dot_general3A_23 {dimension_numbers = #tpu.dot_dimension_numbers<[1], [1], [0], [0], [0, 0, 1, 0], [], []>, transpose_lhs_hint = false} : vector<1000x128xf32>, vector<64x128xf32>, vector<1000x64xf32> -> vector<1000x64xf32>
    %get3A_25 = arith.constant 0 : index
    %get3A_26 = arith.constant 0 : index
    %get3A_27 = vector.load %arg7[%get3A_25, %get3A_26] : memref<1x64xf32, #tpu.memory_space<vmem>>, vector<1x64xf32>
    %add3A_28 = vector.broadcast %get3A_27 : vector<1x64xf32> to vector<1000x64xf32>
    %add3A_29 = arith.addf %dot_general3A_24, %add3A_28 : vector<1000x64xf32>
    %max3A_30 = arith.constant 0.000000e+00 : f32
    %max3A_31 = vector.broadcast %max3A_30 : f32 to vector<1000x64xf32>
    %max3A_32 = arith.maximumf %add3A_29, %max3A_31 : vector<1000x64xf32>
    %get3A_33 = arith.constant 0 : index
    %get3A_34 = arith.constant 0 : index
    %get3A_35 = vector.load %arg8[%get3A_33, %get3A_34] : memref<32x64xf32, #tpu.memory_space<vmem>>, vector<32x64xf32>
    %dot_general3A_36 = arith.constant dense<0.000000e+00> : vector<1000x32xf32>
    %dot_general3A_37 = tpu.matmul %max3A_32, %get3A_35, %dot_general3A_36 {dimension_numbers = #tpu.dot_dimension_numbers<[1], [1], [0], [0], [0, 0, 1, 0], [], []>, transpose_lhs_hint = false} : vector<1000x64xf32>, vector<32x64xf32>, vector<1000x32xf32> -> vector<1000x32xf32>
    %get3A_38 = arith.constant 0 : index
    %get3A_39 = arith.constant 0 : index
    %get3A_40 = vector.load %arg9[%get3A_38, %get3A_39] : memref<1x32xf32, #tpu.memory_space<vmem>>, vector<1x32xf32>
    %add3A_41 = vector.broadcast %get3A_40 : vector<1x32xf32> to vector<1000x32xf32>
    %add3A_42 = arith.addf %dot_general3A_37, %add3A_41 : vector<1000x32xf32>
    %max3A_43 = arith.constant 0.000000e+00 : f32
    %max3A_44 = vector.broadcast %max3A_43 : f32 to vector<1000x32xf32>
    %max3A_45 = arith.maximumf %add3A_42, %max3A_44 : vector<1000x32xf32>
    %get3A_46 = arith.constant 0 : index
    %get3A_47 = arith.constant 0 : index
    %get3A_48 = vector.load %arg10[%get3A_46, %get3A_47] : memref<1x32xf32, #tpu.memory_space<vmem>>, vector<1x32xf32>
    %mul3A = vector.broadcast %get3A_48 : vector<1x32xf32> to vector<1000x32xf32>
    %mul3A_49 = arith.mulf %max3A_45, %mul3A : vector<1000x32xf32>
    %reduce_sum3A = arith.constant dense<0.000000e+00> : vector<1000xf32>
    %reduce_sum3A_50 = vector.multi_reduction <add>, %mul3A_49, %reduce_sum3A [1] : vector<1000x32xf32> to vector<1000xf32>
    %broadcast_in_dim3A = vector.shape_cast %reduce_sum3A_50 : vector<1000xf32> to vector<1000x1xf32>
    %get3A_51 = arith.constant 0 : index
    %get3A_52 = arith.constant 0 : index
    %get3A_53 = vector.load %arg11[%get3A_51, %get3A_52] : memref<1x1xf32, #tpu.memory_space<vmem>>, vector<1x1xf32>
    %add3A_54 = vector.broadcast %get3A_53 : vector<1x1xf32> to vector<1000x1xf32>
    %add3A_55 = arith.addf %broadcast_in_dim3A, %add3A_54 : vector<1000x1xf32>
    %swap3A = arith.constant 0 : index
    %swap3A_56 = arith.constant 0 : index
    %swap3A_57 = vector.load %arg12[%swap3A, %swap3A_56] : memref<1000x1xf32, #tpu.memory_space<vmem>>, vector<1000x1xf32>
    tpu.vector_store %arg12[%swap3A, %swap3A_56], %add3A_55 {strides = array<i32>} : memref<1000x1xf32, #tpu.memory_space<vmem>>, vector<1000x1xf32>,
    return
  }
  func.func @transform_0(%arg0: i32) -> (i32, i32) {
    %c0_i32 = arith.constant 0 : i32
    %c0_i32_0 = arith.constant 0 : i32
    return %arg0, %c0_i32 : i32, i32
  }
  func.func @transform_1(%arg0: i32) -> (i32, i32) {
    %c0_i32 = arith.constant 0 : i32
    %c0_i32_0 = arith.constant 0 : i32
    return %arg0, %c0_i32 : i32, i32
  }
  func.func @transform_2(%arg0: i32) -> (i32, i32) {
    %c0_i32 = arith.constant 0 : i32
    %c0_i32_0 = arith.constant 0 : i32
    return %arg0, %c0_i32 : i32, i32
  }
  func.func @transform_3(%arg0: i32) -> (i32, i32) {
    %c0_i32 = arith.constant 0 : i32
    %c0_i32_0 = arith.constant 0 : i32
    %c0_i32_1 = arith.constant 0 : i32
    return %c0_i32, %c0_i32_0 : i32, i32
  }
  func.func @transform_4(%arg0: i32) -> (i32, i32) {
    %c0_i32 = arith.constant 0 : i32
    %c0_i32_0 = arith.constant 0 : i32
    %c0_i32_1 = arith.constant 0 : i32
    return %c0_i32, %c0_i32_0 : i32, i32
  }
  func.func @transform_5(%arg0: i32) -> (i32, i32) {
    %c0_i32 = arith.constant 0 : i32
    %c0_i32_0 = arith.constant 0 : i32
    %c0_i32_1 = arith.constant 0 : i32
    return %c0_i32, %c0_i32_0 : i32, i32
  }
  func.func @transform_6(%arg0: i32) -> (i32, i32) {
    %c0_i32 = arith.constant 0 : i32
    %c0_i32_0 = arith.constant 0 : i32
    %c0_i32_1 = arith.constant 0 : i32
    return %c0_i32, %c0_i32_0 : i32, i32
  }
  func.func @transform_7(%arg0: i32) -> (i32, i32) {
    %c0_i32 = arith.constant 0 : i32
    %c0_i32_0 = arith.constant 0 : i32
    %c0_i32_1 = arith.constant 0 : i32
    return %c0_i32, %c0_i32_0 : i32, i32
  }
  func.func @transform_8(%arg0: i32) -> (i32, i32) {
    %c0_i32 = arith.constant 0 : i32
    %c0_i32_0 = arith.constant 0 : i32
    %c0_i32_1 = arith.constant 0 : i32
    return %c0_i32, %c0_i32_0 : i32, i32
  }
  func.func @transform_9(%arg0: i32) -> (i32, i32) {
    %c0_i32 = arith.constant 0 : i32
    %c0_i32_0 = arith.constant 0 : i32
    %c0_i32_1 = arith.constant 0 : i32
    return %c0_i32, %c0_i32_0 : i32, i32
  }
  func.func @transform_10(%arg0: i32) -> (i32, i32) {
    %c0_i32 = arith.constant 0 : i32
    %c0_i32_0 = arith.constant 0 : i32
    %c0_i32_1 = arith.constant 0 : i32
    return %c0_i32, %c0_i32_0 : i32, i32
  }
  func.func @transform_11(%arg0: i32) -> (i32, i32) {
    %c0_i32 = arith.constant 0 : i32
    %c0_i32_0 = arith.constant 0 : i32
    return %arg0, %c0_i32 : i32, i32
  }
}

</mosaic_0001>

<sc_bundles>
// kernel: kernel.6.cloned.1.call-start
scs
__scs_entry_jumppad:
0x0: {  	(pc) =	sbr.rel $0x88, $3  }
0x1: {  	(tag) =	ssettag $0x0;
	lr =	simm.s32 $0x1  }
0x2: {  	[smem:$0x3F97] =	sst lr;
	_ =	strace $0xD0000000  }
0x3: {  	_ = 	snop  }
0x4: {  	_ = 	snop  }
0x5: {  	_ = 	snop  }
0x6: {  	_ = 	snop  }
0x7: {  	_ = 	snop  }
__scs_overlays_trampoline_lowered:
0x8: {  	[smem:$0x3FA6] =	sst s0  }
0x9: {  	[smem:$0x3FA7] =	sst s1  }
0xa: {  	[smem:$0x3FA8] =	sst s2  }
0xb: {  	[smem:$0x3FA9] =	sst s3  }
0xc: {  	[smem:$0x3FAA] =	sst s4  }
0xd: {  	[smem:$0x3FAB] =	sst s5  }
0xe: {  	[smem:$0x3FAC] =	sst s6  }
0xf: {  	[smem:$0x3FAD] =	sst s7  }
0x10: {  	[smem:$0x3FAE] =	sst s8  }
0x11: {  	[smem:$0x3FAF] =	sst s9;
	s0 =	simm.s32 @!p0 $0x0  }
0x12: {  	s1 =	sld [smem:$0x3F95];
	s0 =	simm.s32 @p0 $0x1  }
0x13: {  	[smem:$0x3FB0] =	sst s0;
	s0 =	simm.s32 @!p1 $0x0  }
0x14: {  	s2 =	sld [smem:$0x3F94];
	s0 =	simm.s32 @p1 $0x1  }
0x15: {  	[smem:$0x3FB1] =	sst s0;
	s0 =	simm.s32 @!p2 $0x0  }
0x16: {  	s3 =	sld [smem:$0x3FDB];
	s0 =	simm.s32 @p2 $0x1  }
0x17: {  	s4 =	simm.s32 $0x1BF5;
	[smem:$0x3FB3] =	sst s0  }
0x18: {  	s0 =	sld [smem:$0x3F96];
	_ =	swait.ge [sflag:s4], $0x0  }
0x19: {  	s7 =	sld [smem:$0x3F97]  }
0x1a: {  	s8 =	sadd.s32 $0xFFFFE003, lr  }
0x1b: {  	s9 =	sadd.s32 $0xFFFFFEF7, lr;
	s5 =	simm.s32 $0xFFFFFFFF;
	p2 =	slt.u32 s8, $0xFFFFF086  }
0x1c: {  	p1 =	slt.u32 s9, $0xF7A;
	s5 =	simm.s32 @!p2 $0x0  }
0x1d: {  	s5 =	simm.s32 @p1 $0x1;
	p0 =	seq.s32 s7, s2  }
0x1e: {  	s7 =	smul.u32 @!p0 $0xF7A, s2;
	p2 =	seq.s32 @!p0 s5, $0x0  }
0x1f: {  	s9 =	smul.u32 $0xF7A, s1;
	s8 =	simm.s32 @!p0 $0x1BF5;
	p2 =	por !p2, p0  }
0x20: {  	[sflag:s8] =	ssyncset.s32 @!p0 $0xFFFFF086;
	s6 =	sadd.s32 @!p0 s3, s7;
	s7 =	simm.s32 @!p0 $0x108  }
0x21: {  	s3 =	sadd.s32 s3, s9;
	s6 =	sadd.s32 @!p0 $0x88, s6;
	s7 =	simm.s32 @p2 $0x1082  }
0x22: {  	[simem:s7], [sflag:s8] =	dma.local @!p0 [hbm:s6], $0xF7A  }
0x23: {  	s9 =	sor.u32 $0xD0000000, s2;
	s6 =	simm.s32 $0x108;
	_ =	swait.ge @!p0 [sflag:s8], $0x0  }
0x24: {  	s3 =	sadd.s32 $0x88, s3;
	s6 =	simm.s32 @!p1 $0x1082;
	[sflag:s4] =	ssyncset.s32 $0xFFFFF086  }
0x25: {  	[simem:s6], [sflag:s4] =	dma.local [hbm:s3], $0xF7A  }
0x26: {  	[smem:$0x3F97] =	sst s1;
	(tag) =	ssettag s2;
	_ =	strace s9  }
0x27: {  	s1 =	sld [smem:$0x3FA7]  }
0x28: {  	s2 =	sld [smem:$0x3FA8]  }
0x29: {  	s4 =	sld [smem:$0x3FAA]  }
0x2a: {  	p0 =	seq.s32 s5, $0x0;
	s5 =	sld [smem:$0x3FAB]  }
0x2b: {  	s6 =	sld [smem:$0x3FAC]  }
0x2c: {  	s7 =	sld [smem:$0x3FAD]  }
0x2d: {  	s3 =	simm.s32 $0x108;
	s8 =	sld [smem:$0x3FAE]  }
0x2e: {  	s3 =	simm.s32 @!p0 $0x1082;
	s9 =	sld [smem:$0x3FAF]  }
0x2f: {  	lr =	sadd.s32 s0, s3;
	s0 =	sld [smem:$0x3FA6]  }
0x30: {  	s3 =	sld [smem:$0x3FA9]  }
0x31: {  	[smem:$0x3FB2] =	sst s10  }
0x32: {  	s10 =	sld [smem:$0x3FB0];
	_ =	sdelay $0x3  }
0x33: {  	p0 =	seq.s32 s10, $0x1;
	s10 =	sld [smem:$0x3FB2];
	_ =	sdelay $0x3  }
0x34: {  	[smem:$0x3FB2] =	sst s10  }
0x35: {  	s10 =	sld [smem:$0x3FB1];
	_ =	sdelay $0x3  }
0x36: {  	p1 =	seq.s32 s10, $0x1;
	s10 =	sld [smem:$0x3FB2];
	_ =	sdelay $0x3  }
0x37: {  	[smem:$0x3FB2] =	sst s10  }
0x38: {  	s10 =	sld [smem:$0x3FB3]  }
0x39: {  	_ = 	snop;
	(pc) =	sbr.ind lr, $3  }
0x3a: {  	_ = 	snop  }
0x3b: {  	_ = 	snop  }
0x3c: {  	p2 =	seq.s32 s10, $0x1;
	s10 =	sld [smem:$0x3FB2]  }
0x3d: {  	_ =	shalt  }
0x3e: {  	_ =	shalt  }
0x3f: {  	_ =	shalt  }
0x40: {  	_ =	shalt  }
0x41: {  	_ =	shalt  }
0x42: {  	_ =	shalt  }
0x43: {  	_ =	shalt  }
0x44: {  	_ =	shalt  }
0x45: {  	_ =	shalt  }
0x46: {  	_ =	shalt  }
0x47: {  	_ =	shalt  }
0x48: {  	_ =	shalt  }
0x49: {  	_ =	shalt  }
0x4a: {  	_ =	shalt  }
0x4b: {  	_ =	shalt  }
0x4c: {  	_ =	shalt  }
0x4d: {  	_ =	shalt  }
0x4e: {  	_ =	shalt  }
0x4f: {  	_ =	shalt  }
0x50: {  	_ =	shalt  }
0x51: {  	_ =	shalt  }
0x52: {  	_ =	shalt  }
0x53: {  	_ =	shalt  }
0x54: {  	_ =	shalt  }
0x55: {  	_ =	shalt  }
0x56: {  	_ =	shalt  }
0x57: {  	_ =	shalt  }
0x58: {  	_ =	shalt  }
0x59: {  	_ =	shalt  }
0x5a: {  	_ =	shalt  }
0x5b: {  	_ =	shalt  }
0x5c: {  	_ =	shalt  }
0x5d: {  	_ =	shalt  }
0x5e: {  	_ =	shalt  }
0x5f: {  	_ =	shalt  }
0x60: {  	_ =	shalt  }
0x61: {  	_ =	shalt  }
0x62: {  	_ =	shalt  }
0x63: {  	_ =	shalt  }
0x64: {  	_ =	shalt  }
0x65: {  	_ =	shalt  }
0x66: {  	_ =	shalt  }
0x67: {  	_ =	shalt  }
0x68: {  	_ =	shalt  }
0x69: {  	_ =	shalt  }
0x6a: {  	_ =	shalt  }
0x6b: {  	_ =	shalt  }
0x6c: {  	_ =	shalt  }
0x6d: {  	_ =	shalt  }
0x6e: {  	_ =	shalt  }
0x6f: {  	_ =	shalt  }
0x70: {  	_ =	shalt  }
0x71: {  	_ =	shalt  }
0x72: {  	_ =	shalt  }
0x73: {  	_ =	shalt  }
0x74: {  	_ =	shalt  }
0x75: {  	_ =	shalt  }
0x76: {  	_ =	shalt  }
0x77: {  	_ =	shalt  }
0x78: {  	_ =	shalt  }
0x79: {  	_ =	shalt  }
0x7a: {  	_ =	shalt  }
0x7b: {  	_ =	shalt  }
0x7c: {  	_ =	shalt  }
0x7d: {  	_ =	shalt  }
0x7e: {  	_ =	shalt  }
0x7f: {  	_ =	shalt  }
0x80: {  	_ =	shalt  }
0x81: {  	_ =	shalt  }
0x82: {  	_ =	shalt  }
0x83: {  	_ =	shalt  }
0x84: {  	_ =	shalt  }
0x85: {  	_ =	shalt  }
0x86: {  	_ =	shalt  }
0x87: {  	_ =	shalt  }
.Lfunc_end0:
.L_simem_size_0:
called_computation_lowered:
.L_overlay_start_0:
0x88: {  	s2 =	sld [smem:$0x3FD9]  }
0x89: {  	s3 =	sld [smem:$0x3FFE];
	_ =	sdelay $0x1  }
0x8a: {  	s1 =	srdreg.scid  }
0x8b: {  	s0 =	sand.u32 $0x1, s1  }
0x8c: {  	s17 =	sshll.u32 s0, $0xA;
	s2 =	sadd.s32 s3, s2  }
0x8d: {  	s2 =	sadd.s32 s2, s17  }
0x8e: {  	[smem:$0x3FBE] =	sst s2  }
0x8f: {  	_ = 	snop  }
0x90: {  	s2 =	sld [smem:$0x3FD0];
	(tm) =	ssettm $0x1  }
0x91: {  	s18 =	sld [smem:$0x3FFB];
	_ =	sdelay $0x3  }
0x92: {  	_ =	strace s18  }
0x93: {  	s3 =	sld [smem:$0x3FFC];
	_ =	sdelay $0x3  }
0x94: {  	_ =	strace s3  }
0x95: {  	s3 =	sld [smem:$0x3FFD];
	_ =	sdelay $0x3  }
0x96: {  	_ =	strace s3  }
0x97: {  	_ =	strace $0x8FFFFFFF  }
0x98: {  	s19 =	sld [smem:$0x3FDB];
	_ =	sdelay $0x1  }
0x99: {  	s4 =	simm.s32 $_scs_section_size  }
0x9a: {  	s5 =	simm.s32 $_size__tile_overlayer_lowered;
	s6 =	simm.s32 $_tile_overlayer_lowered  }
0x9b: {  	s22 =	simm.s32 $0x1BFF;
	s21 =	sshll.u32 s6, $0x1;
	s3 =	sadd.s32 s4, s19  }
0x9c: {  	s7 =	simm.s32 $0x0;
	s20 =	sshll.u32 s5, $0x1;
	s5 =	sadd.s32 s21, s3  }
0x9d: {  	[timem:s7], [sflag:s22] =	dma.local [hbm:s5], s20  }
0x9e: {  	_ =	swait.ge [sflag:s22], s20  }
0x9f: {  	s4 =	ssub.s32 $0x0, s20;
	[sflag:s22] =	ssyncset.done $0x0  }
0xa0: {  	[sflag:s22] =	ssyncadd.s32 s4;
	_ =	sdelay $0x1  }
0xa1: {  	s23 =	simm.s32 $0x1B8B  }
0xa2: {  	_ =	swait.ge [sflag:s23], $0x1  }
0xa3: {  	[sflag:s23] =	ssyncset.done $0x0  }
0xa4: {  	s25 =	simm.s32 $0x1B8E;
	s24 =	sld [smem:$0x3FFE];
	[sflag:s23] =	ssyncadd.s32 $0xFFFFFFFF  }
0xa5: {  	s26 =	simm.s32 $execute0_lowered;
	[smem:$0x3FD2] =	sst s25  }
0xa6: {  	s5 =	sshll.u32 s26, $0x1;
	_ =	strace $0x80000046;
	[dreg:$0x1] =	wrdreg $0xFFFFFFFF  }
0xa7: {  	s28 =	simm.s32 $_size_execute0_lowered;
	s3 =	sadd.s32 s3, s5;
	[dreg:$0x0] =	wrdreg $0x0  }
0xa8: {  	s5 =	sshll.u32 s28, $0x1;
	[dreg:$0x2] =	wrdreg s3  }
0xa9: {  	[dreg:$0x3] =	wrdreg s5  }
0xaa: {  	[dreg:$0x4] =	wrdreg $0xC0  }
0xab: {  	_ =	task [dreg:s7], $0x5FFFF  }
0xac: {  	[dreg:$0x1] =	wrdreg $0xFFFFFFFF  }
0xad: {  	[dreg:$0x0] =	wrdreg $0x60  }
0xae: {  	[dreg:$0x2] =	wrdreg s24  }
0xaf: {  	[dreg:$0x3] =	wrdreg s2  }
0xb0: {  	[dreg:$0x4] =	wrdreg $0x50800  }
0xb1: {  	[dreg:$0x5] =	wrdreg $0x53000  }
0xb2: {  	[dreg:$0x6] =	wrdreg $0x9  }
0xb3: {  	_ =	task.clear_ibuf [dreg:s7], $0x7FFFF;
	_ =	strace $0x90000046  }
0xb4: {  	s29 =	simm.s32 $0x9;
	_ =	strace $0x80000048  }
0xb5: {  	_ =	swait.ge [sflag:s29], $0x1  }
0xb6: {  	[sflag:s29] =	ssyncadd.s32 $0xFFFFFFFF  }
0xb7: {  	_ =	strace $0x90000048  }
0xb8: {  	_ =	sfence  }
0xb9: {  	s30 =	sld [smem:$0x0];
	_ =	sdelay $0x2  }
0xba: {  	s31 =	sshll.u32 s1, $0xD;
	s1 =	sshrl.u32 s1, $0x2  }
0xbb: {  	s3 =	sand.u32 $0x4000, s31;
	s1 =	sadd.s32 s1, s30  }
0xbc: {  	s0 =	sor.u32 s3, s0;
	s1 =	sshll.u32 s1, $0x11  }
0xbd: {  	s0 =	sor.u32 s1, s0  }
0xbe: {  	s0 =	sadd.s32 $0x8F2B, s0  }
0xbf: {  	[sflag:s0] =	ssyncadd.remote.s32 $0x1  }
0xc0: {  	_ =	sfence.sel $0xFFFF  }
0xc1: {  	[dreg:$0x0] =	wrdreg $0xFFFFFFFF;
	(pc) =	sbr.abs _section_cstart, $3  }
0xc2: {  	[dreg:$0x1] =	wrdreg $0xFFFFFFFF  }
0xc3: {  	_ =	task.clear_ibuf [dreg:s7], $0x2FFFF;
	_ =	strace $0x9FFFFFFF  }
0xc4: {  	(tm) =	ssettm $0x7FFFFFFF  }
0xc5: {  	_ =	shalt  }
tec
execute0_lowered:
.L_overlay_start_1:
0x0: {  	(tag) =	ssettag $0x1  }
0x1: {  	s7 =	rddreg [dreg:$0x0]  }
0x2: {  	s1 =	rddreg [dreg:$0x1]  }
0x3: {  	s2 =	srdreg.scid;
	s3 =	rddreg [dreg:$0x2]  }
0x4: {  	s0 =	stileid.u32;
	s4 =	rddreg [dreg:$0x3];
	s5 =	simm.s32 $0x0  }
0x5: {  	s14 =	simm.s32 $0x5000;
	s18 =	simm.s32 $0x80;
	s19 =	simm.s32 $0x20  }
0x6: {  	s20 =	simm.s32 $0x10;
	s21 =	simm.s32 $0x0;
	s6 =	sand.u32 $0x1, s2  }
0x7: {  	s30 =	sshll.u32 s0, $0x1;
	s2 =	rddreg [dreg:$0x4];
	s9 =	smul.u32 $0x500, s0  }
0x8: {  	[smem:$0x7FF] =	sst s5;
	s12 =	smul.u32 $0x280, s0;
	s15 =	sshll.u32 s0, $0x6  }
0x9: {  	s8 =	sor.u32 s6, s30;
	_ =	strace $0x80000047;
	s10 =	sshll.u32 s6, $0x7  }
0xa: {  	s31 =	ssub.s32 $0x2, s6;
	s6 =	sadd.s32 $0x16600, s7;
	s15 =	sor.u32 $0x1C01, s15  }
0xb: {  	s8 =	smul.u32 $0x500, s8;
	s9 =	sor.u32 s10, s9;
	s11 =	sshrl.u32 s31, $0x1  }
0xc: {  	s16 =	sadd.s32 s12, s3;
	s17 =	sadd.s32 s12, s4;
	s12 =	simm.s32 $0x1  }
0xd: {  	s9 =	sshrl.u32 s9, $0x3;
	s11 =	ssub.s32 s31, s11;
	s16 =	sshrl.u32 s16, $0x3  }
0xe: {  	s17 =	sshrl.u32 s17, $0x3;
	s8 =	sadd.s32 s8, s7;
	s13 =	sadd.s32 s9, s7  }
0xf: {  	s11 =	smax.u32 s11, $0x1;
	s7 =	sadd.s32 $0x2600, s8;
	s8 =	sadd.s32 $0xC600, s8  }
0x10: {  	s9 =	sadd.s32 $0x16800, s13;
	s10 =	sadd.s32 $0x17200, s13;
	s13 =	simm.s32 $0x2800  }
.LBB2_1:
0x11: {  	[tilespmem:s5], [sflag:$0x1] =	stream.linear.gather [hbm4b:s7+s5], $0x2800, $0x38;
	[tilespmem:$0x5580] =	vst v63  }
0x12: {  	_ =	swait.ge [sflag:s12], $0x2800  }
0x13: {  	[sflag:s12] =	ssyncset.done $0x0  }
0x14: {  	[sflag:s12] =	ssyncadd.s32 $0xFFFFD800  }
0x15: {  	[tilespmem:s13], [sflag:$0x1] =	stream.linear.gather [hbm4b:s8+s5], $0x2800, $0x38;
	[tilespmem:$0x5580] =	vst v63  }
0x16: {  	_ =	swait.ge [sflag:s12], $0x2800  }
0x17: {  	[sflag:s12] =	ssyncset.done $0x0  }
0x18: {  	[sflag:s12] =	ssyncadd.s32 $0xFFFFD800  }
0x19: {  	[tilespmem:s14], [sflag:$0x1] =	stream.linear.gather [hbm4b:s6+s5], $0x80, $0x38;
	[tilespmem:$0x5580] =	vst v63  }
0x1a: {  	_ =	swait.ge [sflag:s12], $0x80  }
0x1b: {  	[sflag:s12] =	ssyncset.done $0x0  }
0x1c: {  	[sflag:s12] =	ssyncadd.s32 $0xFFFFFF80  }
0x1d: {  	[spmem:s16], [sflag:s15] =	dma.local [hbm:s1], $0x50  }
0x1e: {  	_ =	swait.ge [sflag:s12], $0x50  }
0x1f: {  	[sflag:s12] =	ssyncset.done $0x0  }
0x20: {  	[sflag:s12] =	ssyncadd.s32 $0xFFFFFFB0  }
0x21: {  	[spmem:s17], [sflag:s15] =	dma.local [hbm:s1], $0x50  }
0x22: {  	_ =	swait.ge [sflag:s12], $0x50  }
0x23: {  	[sflag:s12] =	ssyncset.done $0x0  }
0x24: {  	[sflag:s12] =	ssyncadd.s32 $0xFFFFFFB0  }
0x25: {  	s22 =	simm.s32 $0x0;
	[bflag:$0x0] =	sbarrier.arrive $0xFFFF  }
0x26: {  	[spmem:s3] =	stream.indirect.scatter.add.f32 [tilespmem:s14], [sflag:$0x1], $0x1, s22, s18, $0xb8;
	[tilespmem:$0x5580] =	vst v63  }
0x27: {  	_ =	swait.ge [sflag:s12], $0x80  }
0x28: {  	[sflag:s12] =	ssyncset.done $0x0  }
0x29: {  	s23 =	simm.s32 $0x2800;
	[sflag:s12] =	ssyncadd.s32 $0xFFFFFF80  }
0x2a: {  	[spmem:s4] =	stream.indirect.scatter.add.f32 [tilespmem:s23], [sflag:$0x1], $0x1, s22, s18, $0xb8;
	[tilespmem:$0x5580] =	vst v63  }
0x2b: {  	_ =	swait.ge [sflag:s12], $0x80  }
0x2c: {  	s22 =	simm.s32 $0x200;
	s23 =	simm.s32 $0x400;
	[sflag:s12] =	ssyncset.done $0x0  }
.LBB2_2:
0x2d: {  	s24 =	sshra.s32 s22, $0x2  }
0x2e: {  	[sflag:s12] =	ssyncadd.s32 $0xFFFFFF80;
	s22 =	smov.u32 s23;
	s25 =	sadd.s32 $0x200, s23  }
0x2f: {  	[spmem:s3] =	stream.indirect.scatter.add.f32 [tilespmem:s14], [sflag:$0x1], $0x1, s24, s18, $0xb8;
	[tilespmem:$0x5580] =	vst v63  }
0x30: {  	p0 =	sne.s32 s23, $0x9E00;
	_ =	swait.ge [sflag:s12], $0x80  }
.Ltmp0:
0x31: {  	[sflag:s12] =	ssyncset.done $0x0;
	(pc) =	sbr.rel @p0 .LBB2_2-.Ltmp0, $4  }
0x32: {  	s23 =	sadd.s32 $0x2800, s24;
	[sflag:s12] =	ssyncadd.s32 $0xFFFFFF80  }
0x33: {  	[spmem:s4] =	stream.indirect.scatter.add.f32 [tilespmem:s23], [sflag:$0x1], $0x1, s24, s18, $0xb8;
	[tilespmem:$0x5580] =	vst v63  }
0x34: {  	_ =	swait.ge [sflag:s12], $0x80  }
0x35: {  	s23 =	smov.u32 s25;
	[sflag:s12] =	ssyncset.done $0x0  }
0x36: {  	s22 =	sshra.s32 s22, $0x2;
	[sflag:s12] =	ssyncadd.s32 $0xFFFFFF80  }
0x37: {  	[spmem:s3] =	stream.indirect.scatter.add.f32 [tilespmem:s14], [sflag:$0x1], $0x1, s22, s18, $0xb8;
	[tilespmem:$0x5580] =	vst v63  }
0x38: {  	_ =	swait.ge [sflag:s12], $0x80  }
0x39: {  	[sflag:s12] =	ssyncset.done $0x0  }
0x3a: {  	s23 =	sadd.s32 $0x2800, s22;
	[sflag:s12] =	ssyncadd.s32 $0xFFFFFF80  }
0x3b: {  	[spmem:s4] =	stream.indirect.scatter.add.f32 [tilespmem:s23], [sflag:$0x1], $0x1, s22, s18, $0xb8;
	[tilespmem:$0x5580] =	vst v63  }
0x3c: {  	_ =	swait.ge [sflag:s12], $0x80  }
0x3d: {  	[sflag:s12] =	ssyncset.done $0x0  }
0x3e: {  	[sflag:s12] =	ssyncadd.s32 $0xFFFFFF80  }
0x3f: {  	[bflag:$0x0] =	sbarrier.arrive $0xFFFF  }
0x40: {  	[hbm:s9@s19], [sflag:s15] =	dma.strided [spmem:s16@s20], $0x50, s12, $0x10   }
0x41: {  	s21 =	sadd.s32 $0x1, s21;
	_ =	swait.ge [sflag:s12], $0x50  }
0x42: {  	p0 =	sne.s32 s21, s11;
	[sflag:s12] =	ssyncset.done $0x0  }
.Ltmp1:
0x43: {  	[sflag:s12] =	ssyncadd.s32 $0xFFFFFFB0;
	(pc) =	sbr.rel @p0 .LBB2_1-.Ltmp1, $4  }
0x44: {  	[hbm:s10@s19], [sflag:s15] =	dma.strided [spmem:s17@s20], $0x50, s12, $0x10   }
0x45: {  	_ =	swait.ge [sflag:s12], $0x50  }
0x46: {  	[sflag:s12] =	ssyncset.done $0x0  }
0x47: {  	[sflag:s12] =	ssyncadd.s32 $0xFFFFFFB0  }
0x48: {  	_ =	sfence.sel $0x180000  }
0x49: {  	[bflag:$0x0] =	sbarrier.arrive $0xFFFF  }
0x4a: {  	p0 =	sne.s32 s0, $0x0;
	_ =	strace $0x90000047  }
0x4b: {  	s0 =	sadd.s32 @!p0 $0x100000, s2;
	[bflag:$0x2] =	sbarrier.arrive $0xFFFF  }
0x4c: {  	[sflag:s0] =	ssyncadd.tile.s32 @!p0 $0x1;
	_ =	shalt  }
.Lfunc_end2:
_tile_overlayer_lowered:
.L_overlay_start_2:
0x4d: {  	(tag) =	ssettag $0x2  }
0x4e: {  	s0 =	rddreg [dreg:$0x0];
	s2 =	stileid.u32  }
0x4f: {  	s1 =	rddreg [dreg:$0x1];
	p0 =	sne.s32 s2, $0x0  }
0x50: {  	s3 =	rddreg [dreg:$0x2];
	[bflag:$0x3] =	sbarrier.arrive $0xFFFF;
	s2 =	simm.s32 @!p0 $0x1C01  }
0x51: {  	[timem:s3], [sflag:s2] =	dma.local @!p0 [hbm:s0], s1  }
0x52: {  	s0 =	simm.s32 @!p0 $0x1  }
0x53: {  	_ =	swait.ge @!p0 [sflag:s0], s1  }
0x54: {  	s1 =	ssub.s32 @!p0 $0x0, s1;
	[sflag:s0] =	ssyncset.done @!p0 $0x0  }
0x55: {  	[sflag:s0] =	ssyncadd.s32 @!p0 s1  }
0x56: {  	[bflag:$0x3] =	sbarrier.arrive $0xFFFF  }
0x57: {  	_ =	shalt  }

// kernel: kernel.9.cloned.1.call-start
scs
__scs_entry_jumppad:
0x0: {  	(pc) =	sbr.rel $0x88, $3  }
0x1: {  	(tag) =	ssettag $0x0;
	lr =	simm.s32 $0x1  }
0x2: {  	[smem:$0x3F97] =	sst lr;
	_ =	strace $0xD0000000  }
0x3: {  	_ = 	snop  }
0x4: {  	_ = 	snop  }
0x5: {  	_ = 	snop  }
0x6: {  	_ = 	snop  }
0x7: {  	_ = 	snop  }
__scs_overlays_trampoline_lowered:
0x8: {  	[smem:$0x3FA6] =	sst s0  }
0x9: {  	[smem:$0x3FA7] =	sst s1  }
0xa: {  	[smem:$0x3FA8] =	sst s2  }
0xb: {  	[smem:$0x3FA9] =	sst s3  }
0xc: {  	[smem:$0x3FAA] =	sst s4  }
0xd: {  	[smem:$0x3FAB] =	sst s5  }
0xe: {  	[smem:$0x3FAC] =	sst s6  }
0xf: {  	[smem:$0x3FAD] =	sst s7  }
0x10: {  	[smem:$0x3FAE] =	sst s8  }
0x11: {  	[smem:$0x3FAF] =	sst s9;
	s0 =	simm.s32 @!p0 $0x0  }
0x12: {  	s1 =	sld [smem:$0x3F95];
	s0 =	simm.s32 @p0 $0x1  }
0x13: {  	[smem:$0x3FB0] =	sst s0;
	s0 =	simm.s32 @!p1 $0x0  }
0x14: {  	s2 =	sld [smem:$0x3F94];
	s0 =	simm.s32 @p1 $0x1  }
0x15: {  	[smem:$0x3FB1] =	sst s0;
	s0 =	simm.s32 @!p2 $0x0  }
0x16: {  	s3 =	sld [smem:$0x3FDB];
	s0 =	simm.s32 @p2 $0x1  }
0x17: {  	s4 =	simm.s32 $0x1BF5;
	[smem:$0x3FB3] =	sst s0  }
0x18: {  	s0 =	sld [smem:$0x3F96];
	_ =	swait.ge [sflag:s4], $0x0  }
0x19: {  	s7 =	sld [smem:$0x3F97]  }
0x1a: {  	s8 =	sadd.s32 $0xFFFFE003, lr  }
0x1b: {  	s9 =	sadd.s32 $0xFFFFFEF7, lr;
	s5 =	simm.s32 $0xFFFFFFFF;
	p2 =	slt.u32 s8, $0xFFFFF086  }
0x1c: {  	p1 =	slt.u32 s9, $0xF7A;
	s5 =	simm.s32 @!p2 $0x0  }
0x1d: {  	s5 =	simm.s32 @p1 $0x1;
	p0 =	seq.s32 s7, s2  }
0x1e: {  	s7 =	smul.u32 @!p0 $0xF7A, s2;
	p2 =	seq.s32 @!p0 s5, $0x0  }
0x1f: {  	s9 =	smul.u32 $0xF7A, s1;
	s8 =	simm.s32 @!p0 $0x1BF5;
	p2 =	por !p2, p0  }
0x20: {  	[sflag:s8] =	ssyncset.s32 @!p0 $0xFFFFF086;
	s6 =	sadd.s32 @!p0 s3, s7;
	s7 =	simm.s32 @!p0 $0x108  }
0x21: {  	s3 =	sadd.s32 s3, s9;
	s6 =	sadd.s32 @!p0 $0x88, s6;
	s7 =	simm.s32 @p2 $0x1082  }
0x22: {  	[simem:s7], [sflag:s8] =	dma.local @!p0 [hbm:s6], $0xF7A  }
0x23: {  	s9 =	sor.u32 $0xD0000000, s2;
	s6 =	simm.s32 $0x108;
	_ =	swait.ge @!p0 [sflag:s8], $0x0  }
0x24: {  	s3 =	sadd.s32 $0x88, s3;
	s6 =	simm.s32 @!p1 $0x1082;
	[sflag:s4] =	ssyncset.s32 $0xFFFFF086  }
0x25: {  	[simem:s6], [sflag:s4] =	dma.local [hbm:s3], $0xF7A  }
0x26: {  	[smem:$0x3F97] =	sst s1;
	(tag) =	ssettag s2;
	_ =	strace s9  }
0x27: {  	s1 =	sld [smem:$0x3FA7]  }
0x28: {  	s2 =	sld [smem:$0x3FA8]  }
0x29: {  	s4 =	sld [smem:$0x3FAA]  }
0x2a: {  	p0 =	seq.s32 s5, $0x0;
	s5 =	sld [smem:$0x3FAB]  }
0x2b: {  	s6 =	sld [smem:$0x3FAC]  }
0x2c: {  	s7 =	sld [smem:$0x3FAD]  }
0x2d: {  	s3 =	simm.s32 $0x108;
	s8 =	sld [smem:$0x3FAE]  }
0x2e: {  	s3 =	simm.s32 @!p0 $0x1082;
	s9 =	sld [smem:$0x3FAF]  }
0x2f: {  	lr =	sadd.s32 s0, s3;
	s0 =	sld [smem:$0x3FA6]  }
0x30: {  	s3 =	sld [smem:$0x3FA9]  }
0x31: {  	[smem:$0x3FB2] =	sst s10  }
0x32: {  	s10 =	sld [smem:$0x3FB0];
	_ =	sdelay $0x3  }
0x33: {  	p0 =	seq.s32 s10, $0x1;
	s10 =	sld [smem:$0x3FB2];
	_ =	sdelay $0x3  }
0x34: {  	[smem:$0x3FB2] =	sst s10  }
0x35: {  	s10 =	sld [smem:$0x3FB1];
	_ =	sdelay $0x3  }
0x36: {  	p1 =	seq.s32 s10, $0x1;
	s10 =	sld [smem:$0x3FB2];
	_ =	sdelay $0x3  }
0x37: {  	[smem:$0x3FB2] =	sst s10  }
0x38: {  	s10 =	sld [smem:$0x3FB3]  }
0x39: {  	_ = 	snop;
	(pc) =	sbr.ind lr, $3  }
0x3a: {  	_ = 	snop  }
0x3b: {  	_ = 	snop  }
0x3c: {  	p2 =	seq.s32 s10, $0x1;
	s10 =	sld [smem:$0x3FB2]  }
0x3d: {  	_ =	shalt  }
0x3e: {  	_ =	shalt  }
0x3f: {  	_ =	shalt  }
0x40: {  	_ =	shalt  }
0x41: {  	_ =	shalt  }
0x42: {  	_ =	shalt  }
0x43: {  	_ =	shalt  }
0x44: {  	_ =	shalt  }
0x45: {  	_ =	shalt  }
0x46: {  	_ =	shalt  }
0x47: {  	_ =	shalt  }
0x48: {  	_ =	shalt  }
0x49: {  	_ =	shalt  }
0x4a: {  	_ =	shalt  }
0x4b: {  	_ =	shalt  }
0x4c: {  	_ =	shalt  }
0x4d: {  	_ =	shalt  }
0x4e: {  	_ =	shalt  }
0x4f: {  	_ =	shalt  }
0x50: {  	_ =	shalt  }
0x51: {  	_ =	shalt  }
0x52: {  	_ =	shalt  }
0x53: {  	_ =	shalt  }
0x54: {  	_ =	shalt  }
0x55: {  	_ =	shalt  }
0x56: {  	_ =	shalt  }
0x57: {  	_ =	shalt  }
0x58: {  	_ =	shalt  }
0x59: {  	_ =	shalt  }
0x5a: {  	_ =	shalt  }
0x5b: {  	_ =	shalt  }
0x5c: {  	_ =	shalt  }
0x5d: {  	_ =	shalt  }
0x5e: {  	_ =	shalt  }
0x5f: {  	_ =	shalt  }
0x60: {  	_ =	shalt  }
0x61: {  	_ =	shalt  }
0x62: {  	_ =	shalt  }
0x63: {  	_ =	shalt  }
0x64: {  	_ =	shalt  }
0x65: {  	_ =	shalt  }
0x66: {  	_ =	shalt  }
0x67: {  	_ =	shalt  }
0x68: {  	_ =	shalt  }
0x69: {  	_ =	shalt  }
0x6a: {  	_ =	shalt  }
0x6b: {  	_ =	shalt  }
0x6c: {  	_ =	shalt  }
0x6d: {  	_ =	shalt  }
0x6e: {  	_ =	shalt  }
0x6f: {  	_ =	shalt  }
0x70: {  	_ =	shalt  }
0x71: {  	_ =	shalt  }
0x72: {  	_ =	shalt  }
0x73: {  	_ =	shalt  }
0x74: {  	_ =	shalt  }
0x75: {  	_ =	shalt  }
0x76: {  	_ =	shalt  }
0x77: {  	_ =	shalt  }
0x78: {  	_ =	shalt  }
0x79: {  	_ =	shalt  }
0x7a: {  	_ =	shalt  }
0x7b: {  	_ =	shalt  }
0x7c: {  	_ =	shalt  }
0x7d: {  	_ =	shalt  }
0x7e: {  	_ =	shalt  }
0x7f: {  	_ =	shalt  }
0x80: {  	_ =	shalt  }
0x81: {  	_ =	shalt  }
0x82: {  	_ =	shalt  }
0x83: {  	_ =	shalt  }
0x84: {  	_ =	shalt  }
0x85: {  	_ =	shalt  }
0x86: {  	_ =	shalt  }
0x87: {  	_ =	shalt  }
.Lfunc_end0:
.L_simem_size_0:
called_computation.1_lowered:
.L_overlay_start_0:
0x88: {  	s2 =	sld [smem:$0x3FD9]  }
0x89: {  	s3 =	sld [smem:$0x3FFE];
	_ =	sdelay $0x1  }
0x8a: {  	s1 =	srdreg.scid  }
0x8b: {  	s0 =	sand.u32 $0x1, s1  }
0x8c: {  	s16 =	sshll.u32 s0, $0xA;
	s2 =	sadd.s32 s3, s2  }
0x8d: {  	s2 =	sadd.s32 s2, s16  }
0x8e: {  	[smem:$0x3FBE] =	sst s2  }
0x8f: {  	_ = 	snop  }
0x90: {  	(tm) =	ssettm $0x1  }
0x91: {  	s17 =	sld [smem:$0x3FFB];
	_ =	sdelay $0x3  }
0x92: {  	_ =	strace s17  }
0x93: {  	s2 =	sld [smem:$0x3FFC];
	_ =	sdelay $0x3  }
0x94: {  	_ =	strace s2  }
0x95: {  	s2 =	sld [smem:$0x3FFD];
	_ =	sdelay $0x3  }
0x96: {  	_ =	strace s2  }
0x97: {  	_ =	strace $0x8FFFFFFF  }
0x98: {  	s18 =	sld [smem:$0x3FDB];
	_ =	sdelay $0x1  }
0x99: {  	s19 =	simm.s32 $_scs_section_size  }
0x9a: {  	s4 =	simm.s32 $_size__tile_overlayer_lowered;
	s5 =	simm.s32 $_tile_overlayer_lowered  }
0x9b: {  	s22 =	simm.s32 $0x1BFF;
	s21 =	sshll.u32 s5, $0x1;
	s2 =	sadd.s32 s19, s18  }
0x9c: {  	s6 =	simm.s32 $0x0;
	s20 =	sshll.u32 s4, $0x1;
	s4 =	sadd.s32 s21, s2  }
0x9d: {  	[timem:s6], [sflag:s22] =	dma.local [hbm:s4], s20  }
0x9e: {  	_ =	swait.ge [sflag:s22], s20  }
0x9f: {  	s3 =	ssub.s32 $0x0, s20;
	[sflag:s22] =	ssyncset.done $0x0  }
0xa0: {  	[sflag:s22] =	ssyncadd.s32 s3;
	_ =	sdelay $0x1  }
0xa1: {  	s23 =	simm.s32 $0x1B8B  }
0xa2: {  	_ =	swait.ge [sflag:s23], $0x1  }
0xa3: {  	[sflag:s23] =	ssyncset.done $0x0  }
0xa4: {  	s25 =	simm.s32 $0x1B8E;
	s24 =	sld [smem:$0x3FFE];
	[sflag:s23] =	ssyncadd.s32 $0xFFFFFFFF  }
0xa5: {  	s26 =	simm.s32 $execute0_lowered;
	[smem:$0x3FD2] =	sst s25  }
0xa6: {  	s4 =	sshll.u32 s26, $0x1;
	_ =	strace $0x80000049;
	[dreg:$0x1] =	wrdreg $0xFFFFFFFF  }
0xa7: {  	s28 =	simm.s32 $_size_execute0_lowered;
	s2 =	sadd.s32 s2, s4;
	[dreg:$0x0] =	wrdreg $0x0  }
0xa8: {  	s4 =	sshll.u32 s28, $0x1;
	[dreg:$0x2] =	wrdreg s2  }
0xa9: {  	[dreg:$0x3] =	wrdreg s4  }
0xaa: {  	[dreg:$0x4] =	wrdreg $0xC0  }
0xab: {  	_ =	task [dreg:s6], $0x5FFFF  }
0xac: {  	[dreg:$0x1] =	wrdreg $0xFFFFFFFF  }
0xad: {  	[dreg:$0x0] =	wrdreg $0x60  }
0xae: {  	[dreg:$0x2] =	wrdreg s24  }
0xaf: {  	[dreg:$0x3] =	wrdreg $0x84000  }
0xb0: {  	[dreg:$0x4] =	wrdreg $0x9  }
0xb1: {  	_ =	task.clear_ibuf [dreg:s6], $0x5FFFF;
	_ =	strace $0x90000049  }
0xb2: {  	s29 =	simm.s32 $0x9;
	_ =	strace $0x8000004B  }
0xb3: {  	_ =	swait.ge [sflag:s29], $0x1  }
0xb4: {  	[sflag:s29] =	ssyncadd.s32 $0xFFFFFFFF  }
0xb5: {  	_ =	strace $0x9000004B  }
0xb6: {  	_ =	sfence  }
0xb7: {  	s30 =	sld [smem:$0x0];
	_ =	sdelay $0x2  }
0xb8: {  	s31 =	sshll.u32 s1, $0xD;
	s1 =	sshrl.u32 s1, $0x2  }
0xb9: {  	s3 =	sand.u32 $0x4000, s31;
	s1 =	sadd.s32 s1, s30  }
0xba: {  	s0 =	sor.u32 s3, s0;
	s1 =	sshll.u32 s1, $0x11  }
0xbb: {  	s0 =	sor.u32 s1, s0  }
0xbc: {  	s0 =	sadd.s32 $0x8F2B, s0  }
0xbd: {  	[sflag:s0] =	ssyncadd.remote.s32 $0x1  }
0xbe: {  	_ =	sfence.sel $0xFFFF  }
0xbf: {  	[dreg:$0x0] =	wrdreg $0xFFFFFFFF;
	(pc) =	sbr.abs _section_cstart, $3  }
0xc0: {  	[dreg:$0x1] =	wrdreg $0xFFFFFFFF  }
0xc1: {  	_ =	task.clear_ibuf [dreg:s6], $0x2FFFF;
	_ =	strace $0x9FFFFFFF  }
0xc2: {  	(tm) =	ssettm $0x7FFFFFFF  }
0xc3: {  	_ =	shalt  }
tec
execute0_lowered:
.L_overlay_start_1:
0x0: {  	(tag) =	ssettag $0x1  }
0x1: {  	s0 =	rddreg [dreg:$0x0]  }
0x2: {  	s1 =	rddreg [dreg:$0x1];
	s2 =	srdreg.scid;
	s4 =	simm.s32 $0x0  }
0x3: {  	s11 =	stileid.u32;
	s31 =	simm.s32 $0x380;
	s30 =	simm.s32 $0x4400  }
0x4: {  	s29 =	simm.s32 $0x280;
	s2 =	sand.u32 $0x1, s2;
	[smem:$0x7FF] =	sst s4  }
0x5: {  	s6 =	smul.u32 $0x13C00, s11;
	s4 =	sadd.s32 $0x2C800, s0;
	s5 =	sadd.s32 $0x17C00, s0  }
0x6: {  	s9 =	sadd.s32 $0x2600, s0;
	s12 =	sshll.u32 s11, $0x5;
	s10 =	smul.u32 $0x4F000, s11  }
0x7: {  	s14 =	sshll.u32 s11, $0x6;
	s3 =	smul.u32 $0x13C000, s2;
	_ =	strace $0x8000004A  }
0x8: {  	s7 =	ssub.s32 $0x2, s2;
	[dreg:$0x5] =	wrdreg s9;
	p0 =	seq.s32 s2, $0x0  }
0x9: {  	s2 =	sshll.u32 s11, $0x7;
	s9 =	simm.s32 $0x80;
	s16 =	sor.u32 $0x1C0B, s14  }
0xa: {  	s14 =	simm.s32 $0x9;
	s8 =	sshrl.u32 s7, $0x1;
	s13 =	sshrl.u32 s10, $0x2  }
0xb: {  	s10 =	simm.s32 $0x7;
	[dreg:$0x7] =	wrdreg s16;
	s3 =	sadd.s32 s6, s3  }
0xc: {  	s6 =	sadd.s32 $0x22200, s0;
	s28 =	ssub.s32 s7, s8;
	s7 =	sor.u32 $0x800, s12  }
0xd: {  	s8 =	simm.s32 $0x80;
	s7 =	smov.u32 @p0 s2;
	s2 =	sadd.s32 s13, s1  }
0xe: {  	s8 =	simm.s32 @!p0 $0x20;
	s28 =	smax.u32 s28, $0x1;
	[dreg:$0x6] =	wrdreg s2  }
0xf: {  	s3 =	sshrl.u32 s3, $0x3;
	s24 =	sadd.s32 $0xFFFFFFFE, s8;
	[dreg:$0x12] =	wrdreg s28  }
0x10: {  	s13 =	simm.s32 $0x8;
	s26 =	sshrl.u32 s8, $0x2;
	[dreg:$0x3] =	wrdreg s24  }
0x11: {  	s15 =	sshll.u32 s7, $0x4;
	s25 =	sadd.s32 $0xFFFFFFFD, s8;
	[dreg:$0x10] =	wrdreg s26  }
0x12: {  	s0 =	sadd.s32 s3, s0;
	s17 =	sadd.s32 s5, s15;
	[dreg:$0x4] =	wrdreg s25  }
0x13: {  	s3 =	simm.s32 $0x0;
	s18 =	sadd.s32 s6, s15;
	[dreg:$0x8] =	wrdreg s17  }
0x14: {  	s19 =	sor.u32 $0x10, s15;
	s0 =	sadd.s32 $0x54800, s0;
	[dreg:$0x9] =	wrdreg s18  }
0x15: {  	s20 =	sor.u32 $0x20, s15;
	s12 =	sadd.s32 s5, s19;
	[dreg:$0x11] =	wrdreg s0  }
0x16: {  	s23 =	sor.u32 $0x30, s15;
	s2 =	sadd.s32 s6, s19;
	[dreg:$0xa] =	wrdreg s12  }
0x17: {  	s24 =	simm.s32 $0xB;
	s21 =	sadd.s32 s5, s20;
	[dreg:$0xb] =	wrdreg s2  }
0x18: {  	s15 =	simm.s32 $0xA;
	s22 =	sadd.s32 s6, s20;
	[dreg:$0xc] =	wrdreg s21  }
0x19: {  	s26 =	simm.s32 $0x200;
	s11 =	sadd.s32 s5, s23;
	[dreg:$0xd] =	wrdreg s22  }
0x1a: {  	s17 =	simm.s32 $0x280;
	[dreg:$0xe] =	wrdreg s11;
	s2 =	sadd.s32 s6, s23  }
0x1b: {  	s23 =	sshll.u32 s7, $0x7;
	s11 =	simm.s32 $0x200;
	s7 =	simm.s32 $0x1  }
0x1c: {  	s12 =	simm.s32 $0x2;
	[dreg:$0xf] =	wrdreg s2;
	s2 =	simm.s32 $0x400  }
.LBB2_1:
0x1d: {  	[dreg:$0x13] =	wrdreg s3  }
0x1e: {  	s0 =	rddreg [dreg:$0x6]  }
0x1f: {  	s20 =	rddreg [dreg:$0x5];
	s19 =	sshrl.u32 s0, $0x3  }
0x20: {  	[dreg:$0x14] =	wrdreg s19  }
0x21: {  	[spmem:s19], [sflag:s16] =	dma.local [hbm:s20], $0x2780  }
0x22: {  	_ =	swait.ge [sflag:s24], $0x2780  }
0x23: {  	[sflag:s24] =	ssyncset.done $0x0  }
0x24: {  	[sflag:s24] =	ssyncadd.s32 $0xFFFFD880  }
0x25: {  	[bflag:$0x0] =	sbarrier.arrive $0xFFFF  }
0x26: {  	s3 =	simm.s32 $0x0;
	s21 =	rddreg [dreg:$0x8]  }
0x27: {  	[tilespmem:s3], [sflag:$0x3] =	stream.linear.gather [hbm4b:s21+s3], $0x80, $0x38;
	[tilespmem:$0x1C000] =	vst v63  }
0x28: {  	s22 =	rddreg [dreg:$0x9]  }
0x29: {  	[tilespmem:s11], [sflag:$0x7] =	stream.linear.gather [hbm4b:s22+s3], $0x80, $0x38;
	[tilespmem:$0x1C000] =	vst v63  }
0x2a: {  	s25 =	rddreg [dreg:$0xa]  }
0x2b: {  	[tilespmem:s9], [sflag:$0x4] =	stream.linear.gather [hbm4b:s25+s3], $0x80, $0x38;
	[tilespmem:$0x1C000] =	vst v63  }
0x2c: {  	s16 =	rddreg [dreg:$0xb]  }
0x2d: {  	[tilespmem:s17], [sflag:$0x8] =	stream.linear.gather [hbm4b:s16+s3], $0x80, $0x38;
	[tilespmem:$0x1C000] =	vst v63  }
0x2e: {  	s19 =	simm.s32 $0x100;
	s18 =	rddreg [dreg:$0xc]  }
0x2f: {  	[tilespmem:s19], [sflag:$0x5] =	stream.linear.gather [hbm4b:s18+s3], $0x80, $0x38;
	[tilespmem:$0x1C000] =	vst v63  }
0x30: {  	s20 =	rddreg [dreg:$0xd];
	s21 =	simm.s32 $0x300  }
0x31: {  	[tilespmem:s21], [sflag:$0x9] =	stream.linear.gather [hbm4b:s20+s3], $0x80, $0x38;
	[tilespmem:$0x1C000] =	vst v63  }
0x32: {  	s22 =	rddreg [dreg:$0xe];
	s25 =	simm.s32 $0x180  }
0x33: {  	[tilespmem:s25], [sflag:$0x6] =	stream.linear.gather [hbm4b:s22+s3], $0x80, $0x38;
	[tilespmem:$0x1C000] =	vst v63  }
0x34: {  	s18 =	rddreg [dreg:$0xf];
	s19 =	simm.s32 $0x3  }
0x35: {  	[tilespmem:s31], [sflag:$0xA] =	stream.linear.gather [hbm4b:s18+s3], $0x80, $0x38;
	[tilespmem:$0x1C000] =	vst v63  }
0x36: {  	_ =	swait.ge [sflag:s19], $0x80  }
0x37: {  	[sflag:s19] =	ssyncset.done $0x0  }
0x38: {  	s20 =	simm.s32 $0x4;
	[sflag:s19] =	ssyncadd.s32 $0xFFFFFF80  }
0x39: {  	[tilespmem:s2], [sflag:$0x1] =	stream.indirect.gather [hbm4b:s4+s9], $0x80, s3, s9, $0xb8;
	[tilespmem:$0x1C000] =	vst v63  }
0x3a: {  	_ =	swait.ge [sflag:s20], $0x80  }
0x3b: {  	[sflag:s20] =	ssyncset.done $0x0  }
0x3c: {  	[sflag:s20] =	ssyncadd.s32 $0xFFFFFF80  }
0x3d: {  	[tilespmem:s30], [sflag:$0x2] =	stream.indirect.gather [hbm4b:s4+s9], $0x80, s9, s9, $0xb8;
	[tilespmem:$0x1C000] =	vst v63  }
0x3e: {  	_ =	swait.ge [sflag:s7], $0x4000  }
0x3f: {  	p0 =	sle.u32 s8, $0x4;
	[sflag:s7] =	ssyncset.done $0x0  }
0x40: {  	s0 =	sadd.s32 @!p0 $0x0, s23;
	[sflag:s7] =	ssyncadd.s32 $0xFFFFC000  }
0x41: {  	s0 =	sadd.s32 @!p0 $0x200, s0;
	_ =	swait.ge [sflag:s10], $0x80  }
0x42: {  	s0 =	sand.u32 @!p0 $0x7FFFFC00, s0;
	s3 =	sxor.u32 @!p0 $0xFFFFFFFF, s3;
	[sflag:s10] =	ssyncset.done $0x0  }
0x43: {  	s3 =	sand.u32 @!p0 $0x200, s3;
	p0 =	por p0, p0;
	[sflag:s10] =	ssyncadd.s32 $0xFFFFFF80  }
0x44: {  	[spmem:s1] =	stream.indirect.scatter.add.f32 [tilespmem:s2], [sflag:$0xB], $0x80, s11, s9, $0xb8;
	[tilespmem:$0x1C000] =	vst v63  }
0x45: {  	s0 =	sor.u32 @!p0 s3, s0;
	_ =	swait.ge [sflag:s24], $0x4000  }
0x46: {  	s0 =	sshrl.u32 @!p0 s0, $0x3;
	s20 =	simm.s32 @!p0 $0x0;
	[sflag:s24] =	ssyncset.done $0x0  }
0x47: {  	s11 =	sadd.s32 @!p0 s5, s0;
	s21 =	rddreg [dreg:$0x3];
	[sflag:s24] =	ssyncadd.s32 $0xFFFFC000  }
0x48: {  	[tilespmem:s20], [sflag:$0x3] =	stream.linear.gather @!p0 [hbm4b:s11+s20], $0x80, $0x38;
	[tilespmem:$0x1C000] =	vst v63  }
0x49: {  	s0 =	sadd.s32 @!p0 s6, s0;
	p1 =	sle.s32 s21, $0x0;
	s11 =	simm.s32 @!p0 $0x200  }
0x4a: {  	[tilespmem:s11], [sflag:$0x7] =	stream.linear.gather @!p0 [hbm4b:s0+s20], $0x80, $0x38;
	[tilespmem:$0x1C000] =	vst v63  }
0x4b: {  	s0 =	simm.s32 @!p1 $0x5  }
0x4c: {  	_ =	swait.ge @!p1 [sflag:s0], $0x80  }
0x4d: {  	s3 =	simm.s32 @!p1 $0x400;
	[sflag:s0] =	ssyncset.done @!p1 $0x0  }
0x4e: {  	s11 =	simm.s32 @!p1 $0x100;
	[sflag:s0] =	ssyncadd.s32 @!p1 $0xFFFFFF80;
	s0 =	simm.s32 @!p1 $0x80  }
0x4f: {  	[tilespmem:s3], [sflag:$0x1] =	stream.indirect.gather @!p1 [hbm4b:s4+s0], $0x80, s11, s0, $0xb8;
	[tilespmem:$0x1C000] =	vst v63  }
0x50: {  	p6 =	sle.u32 s8, $0x5;
	_ =	swait.ge [sflag:s12], $0x4000  }
0x51: {  	p4 =	sle.u32 s8, $0x6;
	s19 =	simm.s32 $0x4;
	[sflag:s12] =	ssyncset.done $0x0  }
0x52: {  	p1 =	por p6, p6;
	s11 =	sadd.s32 @!p4 $0x300, s23;
	[sflag:s12] =	ssyncadd.s32 $0xFFFFC000  }
0x53: {  	s0 =	simm.s32 @!p1 $0x280;
	s3 =	sadd.s32 @!p1 $0x280, s23;
	_ =	swait.ge [sflag:s13], $0x80  }
0x54: {  	s0 =	sand.u32 @!p1 $0x280, s0;
	s3 =	sand.u32 @!p1 $0x7FFFFC00, s3;
	[sflag:s13] =	ssyncset.done $0x0  }
0x55: {  	s21 =	simm.s32 @!p1 $0x80;
	s0 =	sor.u32 @!p1 s0, s3;
	[sflag:s13] =	ssyncadd.s32 $0xFFFFFF80  }
0x56: {  	[spmem:s1] =	stream.indirect.scatter.add.f32 [tilespmem:s30], [sflag:$0xB], $0x80, s17, s9, $0xb8;
	[tilespmem:$0x1C000] =	vst v63  }
0x57: {  	s0 =	sshrl.u32 @!p1 s0, $0x3;
	s22 =	rddreg [dreg:$0x10];
	_ =	swait.ge [sflag:s24], $0x4000  }
0x58: {  	s3 =	sadd.s32 @!p1 s5, s0;
	s0 =	sadd.s32 @!p1 s6, s0;
	[sflag:s24] =	ssyncset.done $0x0  }
0x59: {  	s17 =	simm.s32 @!p1 $0x0;
	s25 =	rddreg [dreg:$0x4];
	[sflag:s24] =	ssyncadd.s32 $0xFFFFC000  }
0x5a: {  	[tilespmem:s21], [sflag:$0x4] =	stream.linear.gather @!p1 [hbm4b:s3+s17], $0x80, $0x38;
	[tilespmem:$0x1C000] =	vst v63  }
0x5b: {  	s18 =	sadd.s32 $0xFFFFFFFF, s22;
	p3 =	sle.s32 s25, $0x0;
	s3 =	simm.s32 @!p1 $0x280  }
0x5c: {  	[tilespmem:s3], [sflag:$0x8] =	stream.linear.gather @!p1 [hbm4b:s0+s17], $0x80, $0x38;
	[tilespmem:$0x1C000] =	vst v63  }
0x5d: {  	s11 =	sand.u32 @!p4 $0x7FFFFC00, s11;
	p2 =	sne.s32 s18, $0x0;
	s3 =	simm.s32 @!p3 $0x6  }
0x5e: {  	s22 =	simm.s32 @!p3 $0x4400;
	s0 =	simm.s32 @!p4 $0x300;
	_ =	swait.ge @!p3 [sflag:s3], $0x80  }
0x5f: {  	s17 =	simm.s32 @!p3 $0x180;
	s0 =	sand.u32 @!p4 $0x300, s0;
	[sflag:s3] =	ssyncset.done @!p3 $0x0  }
0x60: {  	s0 =	sor.u32 @!p4 s0, s11;
	[sflag:s3] =	ssyncadd.s32 @!p3 $0xFFFFFF80;
	s3 =	simm.s32 @!p3 $0x80  }
0x61: {  	[tilespmem:s22], [sflag:$0x2] =	stream.indirect.gather @!p3 [hbm4b:s4+s3], $0x80, s17, s3, $0xb8;
	[tilespmem:$0x1C000] =	vst v63  }
0x62: {  	s0 =	sshrl.u32 @!p4 s0, $0x3;
	p3 =	sle.u32 s8, $0x7;
	_ =	swait.ge [sflag:s7], $0x4000  }
.Ltmp0:
0x63: {  	s17 =	simm.s32 @!p4 $0x100;
	[sflag:s7] =	ssyncset.done $0x0;
	(pc) =	sbr.rel @!p2 .LBB2_3-.Ltmp0, $4  }
0x64: {  	s3 =	sadd.s32 @!p4 s5, s0;
	s11 =	sadd.s32 @!p4 s6, s0;
	[sflag:s7] =	ssyncadd.s32 $0xFFFFC000  }
0x65: {  	s22 =	simm.s32 @!p3 $0x380;
	s0 =	sadd.s32 @!p3 $0x380, s23;
	_ =	swait.ge [sflag:s14], $0x80  }
0x66: {  	s22 =	sand.u32 @!p3 $0x380, s22;
	s0 =	sand.u32 @!p3 $0x7FFFFC00, s0;
	[sflag:s14] =	ssyncset.done $0x0  }
0x67: {  	s28 =	sor.u32 @!p3 s22, s0;
	s22 =	simm.s32 $0x200;
	[sflag:s14] =	ssyncadd.s32 $0xFFFFFF80  }
.LBB2_2:
0x68: {  	s0 =	simm.s32 $0x300  }
0x69: {  	[spmem:s1] =	stream.indirect.scatter.add.f32 [tilespmem:s2], [sflag:$0xB], $0x80, s0, s9, $0xb8;
	[tilespmem:$0x1C000] =	vst v63  }
0x6a: {  	_ =	swait.ge [sflag:s24], $0x4000  }
0x6b: {  	[sflag:s24] =	ssyncset.done $0x0  }
0x6c: {  	s16 =	simm.s32 @!p4 $0x0;
	[sflag:s24] =	ssyncadd.s32 $0xFFFFC000  }
0x6d: {  	[tilespmem:s17], [sflag:$0x5] =	stream.linear.gather @!p4 [hbm4b:s3+s16], $0x80, $0x38;
	[tilespmem:$0x1C000] =	vst v63  }
0x6e: {  	s3 =	simm.s32 @!p4 $0x300;
	s17 =	simm.s32 @!p0 $0x3  }
0x6f: {  	[tilespmem:s3], [sflag:$0x9] =	stream.linear.gather @!p4 [hbm4b:s11+s16], $0x80, $0x38;
	[tilespmem:$0x1C000] =	vst v63  }
0x70: {  	_ =	swait.ge @!p0 [sflag:s17], $0x80  }
0x71: {  	[sflag:s17] =	ssyncset.done @!p0 $0x0  }
0x72: {  	s25 =	simm.s32 @!p0 $0x400;
	s16 =	simm.s32 @!p0 $0x80;
	[sflag:s17] =	ssyncadd.s32 @!p0 $0xFFFFFF80  }
0x73: {  	[tilespmem:s25], [sflag:$0x1] =	stream.indirect.gather @!p0 [hbm4b:s4+s16], $0x80, s20, s16, $0xb8;
	[tilespmem:$0x1C000] =	vst v63  }
0x74: {  	s0 =	smov.u32 s19;
	s19 =	sadd.s32 $0x4, s19;
	_ =	swait.ge [sflag:s12], $0x4000  }
0x75: {  	p5 =	sge.u32 s19, s8;
	[sflag:s12] =	ssyncset.done $0x0  }
0x76: {  	s3 =	sadd.s32 @!p5 s22, s23;
	s11 =	sxor.u32 @!p5 $0xFFFFFFFF, s22;
	[sflag:s12] =	ssyncadd.s32 $0xFFFFC000  }
0x77: {  	s3 =	sadd.s32 @!p5 $0x200, s3;
	s11 =	sand.u32 @!p5 $0x200, s11;
	_ =	swait.ge [sflag:s15], $0x80  }
0x78: {  	s3 =	sand.u32 @!p5 $0x7FFFFC00, s3;
	p0 =	por p5, p5;
	[sflag:s15] =	ssyncset.done $0x0  }
0x79: {  	s16 =	sshrl.u32 @!p3 s28, $0x3;
	s3 =	sor.u32 @!p0 s11, s3;
	[sflag:s15] =	ssyncadd.s32 $0xFFFFFF80  }
0x7a: {  	[spmem:s1] =	stream.indirect.scatter.add.f32 [tilespmem:s30], [sflag:$0xB], $0x80, s31, s9, $0xb8;
	[tilespmem:$0x1C000] =	vst v63  }
0x7b: {  	s20 =	simm.s32 @!p3 $0x0;
	s3 =	sshrl.u32 @!p0 s3, $0x3;
	_ =	swait.ge [sflag:s24], $0x4000  }
0x7c: {  	s25 =	sadd.s32 @!p3 s5, s16;
	s17 =	sadd.s32 @!p0 s5, s3;
	[sflag:s24] =	ssyncset.done $0x0  }
0x7d: {  	s11 =	sadd.s32 @!p0 s6, s3;
	s3 =	simm.s32 @!p3 $0x180;
	[sflag:s24] =	ssyncadd.s32 $0xFFFFC000  }
0x7e: {  	[tilespmem:s3], [sflag:$0x6] =	stream.linear.gather @!p3 [hbm4b:s25+s20], $0x80, $0x38;
	[tilespmem:$0x1C000] =	vst v63  }
0x7f: {  	s16 =	sadd.s32 @!p3 s6, s16;
	s3 =	simm.s32 @!p3 $0x380;
	s25 =	simm.s32 @!p1 $0x4  }
0x80: {  	[tilespmem:s3], [sflag:$0xA] =	stream.linear.gather @!p3 [hbm4b:s16+s20], $0x80, $0x38;
	[tilespmem:$0x1C000] =	vst v63  }
0x81: {  	_ =	swait.ge @!p1 [sflag:s25], $0x80  }
0x82: {  	[sflag:s25] =	ssyncset.done @!p1 $0x0  }
0x83: {  	s3 =	simm.s32 @!p1 $0x4400;
	[sflag:s25] =	ssyncadd.s32 @!p1 $0xFFFFFF80  }
0x84: {  	[tilespmem:s3], [sflag:$0x2] =	stream.indirect.gather @!p1 [hbm4b:s4+s21], $0x80, s21, s21, $0xb8;
	[tilespmem:$0x1C000] =	vst v63  }
0x85: {  	_ =	swait.ge [sflag:s7], $0x4000  }
0x86: {  	[sflag:s7] =	ssyncset.done $0x0  }
0x87: {  	[sflag:s7] =	ssyncadd.s32 $0xFFFFC000  }
0x88: {  	_ =	swait.ge [sflag:s10], $0x80  }
0x89: {  	[sflag:s10] =	ssyncset.done $0x0  }
0x8a: {  	[sflag:s10] =	ssyncadd.s32 $0xFFFFFF80  }
0x8b: {  	[spmem:s1] =	stream.indirect.scatter.add.f32 [tilespmem:s2], [sflag:$0xB], $0x80, s26, s9, $0xb8;
	[tilespmem:$0x1C000] =	vst v63  }
0x8c: {  	s20 =	sadd.s32 $0x5, s0;
	_ =	swait.ge [sflag:s24], $0x4000  }
0x8d: {  	p6 =	sge.u32 s20, s8;
	[sflag:s24] =	ssyncset.done $0x0  }
0x8e: {  	s20 =	simm.s32 @!p0 $0x0;
	s25 =	rddreg [dreg:$0x3];
	[sflag:s24] =	ssyncadd.s32 $0xFFFFC000  }
0x8f: {  	[tilespmem:s20], [sflag:$0x3] =	stream.linear.gather @!p0 [hbm4b:s17+s20], $0x80, $0x38;
	[tilespmem:$0x1C000] =	vst v63  }
0x90: {  	p3 =	sge.s32 s0, s25;
	s17 =	simm.s32 @!p0 $0x200  }
0x91: {  	[tilespmem:s17], [sflag:$0x7] =	stream.linear.gather @!p0 [hbm4b:s11+s20], $0x80, $0x38;
	[tilespmem:$0x1C000] =	vst v63  }
0x92: {  	s11 =	simm.s32 @!p3 $0x5  }
0x93: {  	_ =	swait.ge @!p3 [sflag:s11], $0x80  }
0x94: {  	p1 =	por p6, p6;
	s21 =	simm.s32 @!p3 $0x100;
	[sflag:s11] =	ssyncset.done @!p3 $0x0  }
0x95: {  	s17 =	simm.s32 @!p3 $0x400;
	[sflag:s11] =	ssyncadd.s32 @!p3 $0xFFFFFF80;
	s11 =	simm.s32 @!p3 $0x80  }
0x96: {  	[tilespmem:s17], [sflag:$0x1] =	stream.indirect.gather @!p3 [hbm4b:s4+s11], $0x80, s21, s11, $0xb8;
	[tilespmem:$0x1C000] =	vst v63  }
0x97: {  	s3 =	sadd.s32 @!p1 $0x280, s22;
	_ =	swait.ge [sflag:s12], $0x4000  }
0x98: {  	s16 =	sadd.s32 @!p1 s23, s3;
	[sflag:s12] =	ssyncset.done $0x0  }
0x99: {  	s3 =	sand.u32 @!p1 $0x280, s3;
	s16 =	sand.u32 @!p1 $0x7FFFFC00, s16;
	[sflag:s12] =	ssyncadd.s32 $0xFFFFC000  }
0x9a: {  	s3 =	sor.u32 @!p1 s3, s16;
	_ =	swait.ge [sflag:s13], $0x80  }
0x9b: {  	s18 =	sadd.s32 $0xFFFFFFFF, s18;
	s3 =	sshrl.u32 @!p1 s3, $0x3;
	[sflag:s13] =	ssyncset.done $0x0  }
0x9c: {  	p2 =	sne.s32 s18, $0x0;
	s16 =	sadd.s32 @!p1 s5, s3;
	[sflag:s13] =	ssyncadd.s32 $0xFFFFFF80  }
0x9d: {  	[spmem:s1] =	stream.indirect.scatter.add.f32 [tilespmem:s30], [sflag:$0xB], $0x80, s29, s9, $0xb8;
	[tilespmem:$0x1C000] =	vst v63  }
0x9e: {  	s3 =	sadd.s32 @!p1 s6, s3;
	s25 =	simm.s32 @!p1 $0x0;
	_ =	swait.ge [sflag:s24], $0x4000  }
0x9f: {  	s11 =	sadd.s32 $0x6, s0;
	s21 =	simm.s32 @!p1 $0x80;
	[sflag:s24] =	ssyncset.done $0x0  }
0xa0: {  	p4 =	sge.u32 s11, s8;
	s17 =	rddreg [dreg:$0x4];
	[sflag:s24] =	ssyncadd.s32 $0xFFFFC000  }
0xa1: {  	[tilespmem:s21], [sflag:$0x4] =	stream.linear.gather @!p1 [hbm4b:s16+s25], $0x80, $0x38;
	[tilespmem:$0x1C000] =	vst v63  }
0xa2: {  	s11 =	simm.s32 @!p1 $0x280;
	p5 =	sge.s32 s0, s17;
	s0 =	sadd.s32 $0x7, s0  }
0xa3: {  	[tilespmem:s11], [sflag:$0x8] =	stream.linear.gather @!p1 [hbm4b:s3+s25], $0x80, $0x38;
	[tilespmem:$0x1C000] =	vst v63  }
0xa4: {  	s16 =	sadd.s32 @!p4 $0x300, s22;
	s17 =	simm.s32 @!p5 $0x180;
	s3 =	simm.s32 @!p5 $0x6  }
0xa5: {  	p3 =	sge.u32 s0, s8;
	s11 =	sadd.s32 @!p4 s23, s16;
	_ =	swait.ge @!p5 [sflag:s3], $0x80  }
0xa6: {  	s16 =	sand.u32 @!p4 $0x300, s16;
	s25 =	simm.s32 @!p5 $0x4400;
	[sflag:s3] =	ssyncset.done @!p5 $0x0  }
0xa7: {  	s11 =	sand.u32 @!p4 $0x7FFFFC00, s11;
	[sflag:s3] =	ssyncadd.s32 @!p5 $0xFFFFFF80;
	s3 =	simm.s32 @!p5 $0x80  }
0xa8: {  	[tilespmem:s25], [sflag:$0x2] =	stream.indirect.gather @!p5 [hbm4b:s4+s3], $0x80, s17, s3, $0xb8;
	[tilespmem:$0x1C000] =	vst v63  }
0xa9: {  	s0 =	sor.u32 @!p4 s16, s11;
	s16 =	sadd.s32 @!p3 $0x380, s22;
	_ =	swait.ge [sflag:s7], $0x4000  }
.Ltmp1:
0xaa: {  	s0 =	sshrl.u32 @!p4 s0, $0x3;
	[sflag:s7] =	ssyncset.done $0x0;
	(pc) =	sbr.rel @p2 .LBB2_2-.Ltmp1, $4  }
0xab: {  	s22 =	sadd.s32 $0x200, s22;
	s3 =	sadd.s32 @!p4 s5, s0;
	[sflag:s7] =	ssyncadd.s32 $0xFFFFC000  }
0xac: {  	s11 =	sadd.s32 @!p4 s6, s0;
	s0 =	sadd.s32 @!p3 s23, s16;
	_ =	swait.ge [sflag:s14], $0x80  }
0xad: {  	s16 =	sand.u32 @!p3 $0x380, s16;
	s0 =	sand.u32 @!p3 $0x7FFFFC00, s0;
	[sflag:s14] =	ssyncset.done $0x0  }
0xae: {  	s17 =	simm.s32 @!p4 $0x100;
	s28 =	sor.u32 @!p3 s16, s0;
	[sflag:s14] =	ssyncadd.s32 $0xFFFFFF80  }
.LBB2_3:
0xaf: {  	s0 =	simm.s32 $0x300  }
0xb0: {  	[spmem:s1] =	stream.indirect.scatter.add.f32 [tilespmem:s2], [sflag:$0xB], $0x80, s0, s9, $0xb8;
	[tilespmem:$0x1C000] =	vst v63  }
0xb1: {  	_ =	swait.ge [sflag:s24], $0x4000  }
0xb2: {  	[sflag:s24] =	ssyncset.done $0x0  }
0xb3: {  	s0 =	simm.s32 @!p4 $0x0;
	[sflag:s24] =	ssyncadd.s32 $0xFFFFC000  }
0xb4: {  	[tilespmem:s17], [sflag:$0x5] =	stream.linear.gather @!p4 [hbm4b:s3+s0], $0x80, $0x38;
	[tilespmem:$0x1C000] =	vst v63  }
0xb5: {  	s16 =	simm.s32 @!p0 $0x3;
	s3 =	simm.s32 @!p4 $0x300  }
0xb6: {  	[tilespmem:s3], [sflag:$0x9] =	stream.linear.gather @!p4 [hbm4b:s11+s0], $0x80, $0x38;
	[tilespmem:$0x1C000] =	vst v63  }
0xb7: {  	_ =	swait.ge @!p0 [sflag:s16], $0x80  }
0xb8: {  	[sflag:s16] =	ssyncset.done @!p0 $0x0  }
0xb9: {  	s0 =	simm.s32 @!p0 $0x80;
	s3 =	simm.s32 @!p0 $0x400;
	[sflag:s16] =	ssyncadd.s32 @!p0 $0xFFFFFF80  }
0xba: {  	[tilespmem:s3], [sflag:$0x1] =	stream.indirect.gather @!p0 [hbm4b:s4+s0], $0x80, s20, s0, $0xb8;
	[tilespmem:$0x1C000] =	vst v63  }
0xbb: {  	_ =	swait.ge [sflag:s12], $0x4000  }
0xbc: {  	[sflag:s12] =	ssyncset.done $0x0  }
0xbd: {  	[sflag:s12] =	ssyncadd.s32 $0xFFFFC000  }
0xbe: {  	_ =	swait.ge [sflag:s15], $0x80  }
0xbf: {  	[sflag:s15] =	ssyncset.done $0x0  }
0xc0: {  	[sflag:s15] =	ssyncadd.s32 $0xFFFFFF80  }
0xc1: {  	[spmem:s1] =	stream.indirect.scatter.add.f32 [tilespmem:s30], [sflag:$0xB], $0x80, s31, s9, $0xb8;
	[tilespmem:$0x1C000] =	vst v63  }
0xc2: {  	_ =	swait.ge [sflag:s24], $0x4000  }
0xc3: {  	s11 =	simm.s32 @!p3 $0x0;
	s3 =	sshrl.u32 @!p3 s28, $0x3;
	[sflag:s24] =	ssyncset.done $0x0  }
0xc4: {  	s0 =	simm.s32 @!p3 $0x180;
	s16 =	sadd.s32 @!p3 s5, s3;
	[sflag:s24] =	ssyncadd.s32 $0xFFFFC000  }
0xc5: {  	[tilespmem:s0], [sflag:$0x6] =	stream.linear.gather @!p3 [hbm4b:s16+s11], $0x80, $0x38;
	[tilespmem:$0x1C000] =	vst v63  }
0xc6: {  	s0 =	sadd.s32 @!p3 s6, s3;
	s3 =	simm.s32 @!p3 $0x380;
	s16 =	simm.s32 @!p1 $0x4  }
0xc7: {  	[tilespmem:s3], [sflag:$0xA] =	stream.linear.gather @!p3 [hbm4b:s0+s11], $0x80, $0x38;
	[tilespmem:$0x1C000] =	vst v63  }
0xc8: {  	_ =	swait.ge @!p1 [sflag:s16], $0x80  }
0xc9: {  	[sflag:s16] =	ssyncset.done @!p1 $0x0  }
0xca: {  	s0 =	simm.s32 @!p1 $0x4400;
	[sflag:s16] =	ssyncadd.s32 @!p1 $0xFFFFFF80  }
0xcb: {  	[tilespmem:s0], [sflag:$0x2] =	stream.indirect.gather @!p1 [hbm4b:s4+s21], $0x80, s21, s21, $0xb8;
	[tilespmem:$0x1C000] =	vst v63  }
0xcc: {  	[bflag:$0x0] =	sbarrier.arrive $0xFFFF  }
0xcd: {  	s16 =	rddreg [dreg:$0x7]  }
0xce: {  	s21 =	rddreg [dreg:$0x11]  }
0xcf: {  	s22 =	rddreg [dreg:$0x14]  }
0xd0: {  	[hbm:s21], [sflag:s16] =	dma.local [spmem:s22], $0x2780  }
0xd1: {  	_ =	swait.ge [sflag:s24], $0x2780  }
0xd2: {  	s25 =	rddreg [dreg:$0x13]  }
0xd3: {  	s28 =	rddreg [dreg:$0x12];
	s3 =	sadd.s32 $0x1, s25  }
0xd4: {  	p0 =	sne.s32 s3, s28  }
.Ltmp2:
0xd5: {  	_ = 	snop;
	(pc) =	sbr.rel @p0 .LBB2_1-.Ltmp2, $3  }
0xd6: {  	_ =	sdelay $0x1  }
0xd7: {  	[sflag:s24] =	ssyncset.done $0x0  }
0xd8: {  	s17 =	simm.s32 $0x280;
	s11 =	simm.s32 $0x200;
	[sflag:s24] =	ssyncadd.s32 $0xFFFFD880  }
0xd9: {  	_ =	sfence.sel $0x180000  }
0xda: {  	[bflag:$0x0] =	sbarrier.arrive $0xFFFF  }
0xdb: {  	_ =	strace $0x9000004A  }
0xdc: {  	s0 =	stileid.u32;
	[bflag:$0x2] =	sbarrier.arrive $0xFFFF  }
0xdd: {  	p0 =	sne.s32 s0, $0x0;
	s0 =	rddreg [dreg:$0x2]  }
0xde: {  	s0 =	sadd.s32 @!p0 $0x100000, s0  }
0xdf: {  	[sflag:s0] =	ssyncadd.tile.s32 @!p0 $0x1;
	_ =	shalt  }
.Lfunc_end2:
_tile_overlayer_lowered:
.L_overlay_start_2:
0xe0: {  	(tag) =	ssettag $0x2  }
0xe1: {  	s0 =	rddreg [dreg:$0x0];
	s2 =	stileid.u32  }
0xe2: {  	s1 =	rddreg [dreg:$0x1];
	p0 =	sne.s32 s2, $0x0  }
0xe3: {  	s3 =	rddreg [dreg:$0x2];
	[bflag:$0x3] =	sbarrier.arrive $0xFFFF;
	s2 =	simm.s32 @!p0 $0x1C0B  }
0xe4: {  	[timem:s3], [sflag:s2] =	dma.local @!p0 [hbm:s0], s1  }
0xe5: {  	s0 =	simm.s32 @!p0 $0xB  }
0xe6: {  	_ =	swait.ge @!p0 [sflag:s0], s1  }
0xe7: {  	s1 =	ssub.s32 @!p0 $0x0, s1;
	[sflag:s0] =	ssyncset.done @!p0 $0x0  }
0xe8: {  	[sflag:s0] =	ssyncadd.s32 @!p0 s1  }
0xe9: {  	[bflag:$0x3] =	sbarrier.arrive $0xFFFF  }
0xea: {  	_ =	shalt  }

</sc_bundles>
